<compile_context>
chip_gen: v7x
topology: tpu7x:2x2x1
jax: 0.10.2.dev20260603
libtpu: 0.0.44.dev20260713+nightly
codegen_flags: <defaults>
</compile_context>

<pallas_src>
import functools

import jax
import jax.numpy as jnp
from jax import lax
from jax.experimental import pallas as pl
from jax.experimental.pallas import tpu as pltpu
from jax.experimental.pallas import tpu_sc as plsc

N_NODES = 10000
N_EDGES = 320000
D = 128

NC = 2
NS = 16
CHUNK = 128

NCHUNKS = 2560
E_PAD = NCHUNKS * CHUNK
CORE_CH = NCHUNKS // NC
W_CH = CORE_CH // NS

STRIPE = 640
NPAD = NS * STRIPE

RI = 8
LI = 6

_mesh = plsc.VectorSubcoreMesh(core_axis_name="c", subcore_axis_name="s")


def _pad_edges(src, dst):
    pad = E_PAD - N_EDGES
    ar = jnp.arange(pad, dtype=jnp.int32)
    src_p = jnp.concatenate([src, ar % N_NODES])
    dst_p = jnp.concatenate([dst, N_NODES + ar % (NPAD - N_NODES)])
    return src_p, dst_p


def _sc_degree(dst, zeros_d, ones_d):
    R = 8
    T = W_CH // R
    K = 4

    @functools.partial(
        pl.kernel,
        out_type=jax.ShapeDtypeStruct((NC, NPAD, D), jnp.float32),
        mesh=_mesh,
        scratch_types=(
            [pltpu.VMEM((CHUNK,), jnp.int32) for _ in range(R)]
            + [pltpu.VMEM((CHUNK, D), jnp.float32),
               pltpu.VMEM_SHARED((NPAD, D), jnp.float32)]
            + [pltpu.SemaphoreType.DMA for _ in range(2 * R)]
        ),
    )
    def deg_kernel(dst_hbm, z_hbm, one_hbm, out_hbm, *scratch):
        dstv = scratch[:R]
        ones = scratch[R]
        acc = scratch[R + 1]
        isem = scratch[R + 2:R + 2 + R]
        ssem = scratch[R + 2 + R:R + 2 + 2 * R]

        cid = lax.axis_index("c")
        sid = lax.axis_index("s")
        pltpu.sync_copy(one_hbm, ones)
        pltpu.sync_copy(z_hbm.at[pl.ds(sid * STRIPE, STRIPE)],
                        acc.at[pl.ds(sid * STRIPE, STRIPE)])
        plsc.subcore_barrier()

        wbase = (cid * CORE_CH + sid * W_CH) * CHUNK

        def start_idx(c, b):
            pltpu.async_copy(dst_hbm.at[pl.ds(wbase + c * CHUNK, CHUNK)],
                             dstv[b], isem[b])

        def wait_idx(b):
            pltpu.make_async_copy(dst_hbm.at[pl.ds(0, CHUNK)], dstv[b],
                                  isem[b]).wait()

        def start_scat(b):
            pltpu.async_copy(ones, acc.at[dstv[b]], ssem[b], add=True)

        def wait_scat(b):
            pltpu.make_async_copy(ones, acc.at[dstv[b]], ssem[b]).wait()

        for b in range(K):
            start_idx(b, b)

        @pl.loop(0, T)
        def _(t):
            c0 = t * R
            for b in range(R):
                wait_idx(b)
                start_scat(b)
                bk = (b + R - K) % R
                if b < K:
                    @pl.when(t > 0)
                    def _():
                        wait_scat(bk)
                    start_idx(c0 + b + R - K, bk)
                else:
                    wait_scat(bk)

                    @pl.when(t < T - 1)
                    def _():
                        start_idx(c0 + b + R - K, bk)

        for b in range(K):
            wait_scat((W_CH - K + b) % R)

        plsc.subcore_barrier()
        pltpu.sync_copy(acc.at[pl.ds(sid * STRIPE, STRIPE)],
                        out_hbm.at[cid, pl.ds(sid * STRIPE, STRIPE)])

    return deg_kernel(dst, zeros_d, ones_d)


GCH = 64
RR = 4
SRI = 8
KS = 2
LG = 2
SLI = 6
SW_CH = (E_PAD // GCH) // (NC * NS)
SCORE_CH = NS * SW_CH


def _sc_segsum(y, src, dst, zeros_d):
    T = SW_CH // SRI

    @functools.partial(
        pl.kernel,
        out_type=jax.ShapeDtypeStruct((NC, NPAD, D), jnp.float32),
        mesh=_mesh,
        scratch_types=(
            [pltpu.VMEM((GCH,), jnp.int32) for _ in range(2 * SRI)]
            + [pltpu.VMEM((GCH, D), jnp.float32) for _ in range(RR)]
            + [pltpu.VMEM_SHARED((NPAD, D), jnp.float32)]
            + [pltpu.SemaphoreType.DMA for _ in range(SRI + 2 * RR)]
        ),
    )
    def seg_kernel(y_hbm, src_hbm, dst_hbm, z_hbm, out_hbm, *scratch):
        srcv = scratch[:SRI]
        dstv = scratch[SRI:2 * SRI]
        rows = scratch[2 * SRI:2 * SRI + RR]
        acc = scratch[2 * SRI + RR]
        base = 2 * SRI + RR + 1
        isem = scratch[base:base + SRI]
        gsem = scratch[base + SRI:base + SRI + RR]
        ssem = scratch[base + SRI + RR:base + SRI + 2 * RR]

        cid = lax.axis_index("c")
        sid = lax.axis_index("s")
        pltpu.sync_copy(z_hbm.at[pl.ds(sid * STRIPE, STRIPE)],
                        acc.at[pl.ds(sid * STRIPE, STRIPE)])
        plsc.subcore_barrier()

        wbase = (cid * SCORE_CH + sid * SW_CH) * GCH

        def start_idx(c, bi):
            pltpu.async_copy(src_hbm.at[pl.ds(wbase + c * GCH, GCH)],
                             srcv[bi], isem[bi])
            pltpu.async_copy(dst_hbm.at[pl.ds(wbase + c * GCH, GCH)],
                             dstv[bi], isem[bi])

        def wait_idx(bi):
            pltpu.make_async_copy(src_hbm.at[pl.ds(0, GCH)], srcv[bi],
                                  isem[bi]).wait()
            pltpu.make_async_copy(dst_hbm.at[pl.ds(0, GCH)], dstv[bi],
                                  isem[bi]).wait()

        def start_gath(bi, br):
            pltpu.async_copy(y_hbm.at[srcv[bi]], rows[br], gsem[br])

        def wait_gath(bi, br):
            pltpu.make_async_copy(y_hbm.at[srcv[bi]], rows[br],
                                  gsem[br]).wait()

        def start_scat(bi, br):
            pltpu.async_copy(rows[br], acc.at[dstv[bi]], ssem[br], add=True)

        def wait_scat(bi, br):
            pltpu.make_async_copy(rows[br], acc.at[dstv[bi]],
                                  ssem[br]).wait()

        for b in range(SLI):
            start_idx(b, b)
        for b in range(LG):
            wait_idx(b)
            start_gath(b, b % RR)

        @pl.loop(0, T)
        def _(t):
            c0 = t * SRI
            for b in range(SRI):
                br = b % RR
                brk = (b + KS) % RR
                big = (b + LG) % SRI
                bii = (b + SLI) % SRI
                wait_gath(b, br)
                start_scat(b, br)
                if b < KS:
                    @pl.when(t > 0)
                    def _():
                        wait_scat(bii, brk)
                    start_idx(c0 + b + SLI, bii)
                else:
                    wait_scat(bii, brk)

                    @pl.when(t < T - 1)
                    def _():
                        start_idx(c0 + b + SLI, bii)
                if b < SRI - LG:
                    wait_idx(big)
                    start_gath(big, brk)
                else:
                    @pl.when(t < T - 1)
                    def _():
                        wait_idx(big)
                        start_gath(big, brk)

        for q in range(KS):
            c = SW_CH - KS + q
            wait_scat(c % SRI, c % RR)

        plsc.subcore_barrier()
        pltpu.sync_copy(acc.at[pl.ds(sid * STRIPE, STRIPE)],
                        out_hbm.at[cid, pl.ds(sid * STRIPE, STRIPE)])

    return seg_kernel(y, src, dst, zeros_d)


def _tc_prescale(deg2, x, W1):

    def body(d_ref, x_ref, w_ref, dinv_ref, y_ref):
        deg = d_ref[0] + d_ref[1]
        dinv = lax.rsqrt(jnp.maximum(deg, 1.0))
        dinv_ref[...] = dinv
        z1 = jnp.dot(x_ref[...], w_ref[...],
                     preferred_element_type=jnp.float32)
        y_ref[...] = z1 * dinv[:N_NODES, 0:1]

    return pl.pallas_call(
        body,
        out_shape=(
            jax.ShapeDtypeStruct((NPAD, D), jnp.float32),
            jax.ShapeDtypeStruct((N_NODES, D), jnp.float32),
        ),
    )(deg2, x, W1)


def _tc_mid(s1, dinv2d, W2, b1):

    def body(s_ref, dinv_ref, w_ref, b_ref, y2_ref):
        dinv = dinv_ref[:N_NODES, 0:1]
        agg = (s_ref[0, :N_NODES] + s_ref[1, :N_NODES]) * dinv
        h = jnp.maximum(agg + b_ref[...], 0.0)
        z2 = jnp.dot(h, w_ref[...], preferred_element_type=jnp.float32)
        y2_ref[...] = z2 * dinv

    return pl.pallas_call(
        body,
        out_shape=jax.ShapeDtypeStruct((N_NODES, D), jnp.float32),
    )(s1, dinv2d, W2, b1)


def _tc_out(s2, dinv2d, b2):
    def body(s_ref, dinv_ref, b_ref, o_ref):
        dinv = dinv_ref[:N_NODES, 0:1]
        o_ref[...] = ((s_ref[0, :N_NODES] + s_ref[1, :N_NODES]) * dinv
                      + b_ref[...])

    return pl.pallas_call(
        body,
        out_shape=jax.ShapeDtypeStruct((N_NODES, D), jnp.float32),
    )(s2, dinv2d, b2)


def kernel(features, edge_index, W1, b1, W2, b2):
    src = edge_index[0].astype(jnp.int32)
    dst = edge_index[1].astype(jnp.int32)
    src_p, dst_p = _pad_edges(src, dst)
    zeros_d = jnp.zeros((NPAD, D), jnp.float32)
    ones_d = jnp.ones((CHUNK, D), jnp.float32)

    deg2 = _sc_degree(dst_p, zeros_d, ones_d)
    dinv2d, y1 = _tc_prescale(deg2, features, W1)
    s1 = _sc_segsum(y1, src_p, dst_p, zeros_d)
    y2 = _tc_mid(s1, dinv2d, W2, b1)
    s2 = _sc_segsum(y2, src_p, dst_p, zeros_d)
    return _tc_out(s2, dinv2d, b2)

# --- scband reference (transcript-rebuilt; emitter-appended) ---
"""Pipeline reference for scband-gcnmodel-full-57037165691759 (READ-ONLY COPY).

The authoritative reference and input builder live on the scoring server;
editing this copy changes nothing except your own understanding.
"""

import jax, jax.numpy as jnp
import numpy as np

N_NODES = 10000
N_EDGES = 320000
D = 128

def setup_inputs(seed: int = 0) -> dict:
    key = jax.random.key(seed)
    k1, k2, k3, k4, k5, k6 = jax.random.split(key, 6)
    features = jax.random.normal(k1, (N_NODES, D), dtype=jnp.float32)
    edge_index = jax.random.randint(k2, (2, N_EDGES), 0, N_NODES, dtype=jnp.int64)
    scale = 1.0 / np.sqrt(D)
    W1 = jax.random.normal(k3, (D, D), dtype=jnp.float32) * scale
    b1 = jnp.zeros((D,), dtype=jnp.float32)
    W2 = jax.random.normal(k4, (D, D), dtype=jnp.float32) * scale
    b2 = jnp.zeros((D,), dtype=jnp.float32)
    return {"features": features, "edge_index": edge_index, "W1": W1, "b1": b1, "W2": W2, "b2": b2}

def _gcn_layer(x, src, dst, norm, W, b):
    # message = normalized gather from src, scatter-add to dst, then linear
    msg = x[src] * norm[:, None]
    agg = jax.ops.segment_sum(msg, dst, num_segments=N_NODES)
    return agg @ W + b

def reference(features, edge_index, W1, b1, W2, b2):
    src = edge_index[0]
    dst = edge_index[1]
    # symmetric GCN normalization 1/sqrt(deg_src * deg_dst)
    deg = jnp.bincount(dst, length=N_NODES).astype(jnp.float32)
    deg = jnp.clip(deg, 1.0, None)
    dinv = 1.0 / jnp.sqrt(deg)
    norm = dinv[src] * dinv[dst]
    h = jax.nn.relu(_gcn_layer(features, src, dst, norm, W1, b1))
    h = _gcn_layer(h, src, dst, norm, W2, b2)
    return h

if __name__ == "__main__":
    import jax
    _d = setup_inputs()
    print(jax.jit(kernel)(*tuple(_d.values())))

</pallas_src>

<mosaic_0001>
#map = affine_map<(d0, d1) -> (0, 0)>
#map1 = affine_map<(d0, d1) -> (0)>
#map2 = affine_map<(d0, d1) -> (0, 0, 0)>
module attributes {stable_mosaic.version = 14 : i64} {
  func.func @seg_kernel(%arg0: i32, %arg1: i32, %arg2: memref<10000x128xf32, #tpu.memory_space<hbm>>, %arg3: memref<327680xi32, #tpu.memory_space<hbm>>, %arg4: memref<327680xi32, #tpu.memory_space<hbm>>, %arg5: memref<10240x128xf32, #tpu.memory_space<hbm>>, %arg6: memref<2x10240x128xf32, #tpu.memory_space<hbm>>, %arg7: memref<64xi32, #tpu.memory_space<vmem>>, %arg8: memref<64xi32, #tpu.memory_space<vmem>>, %arg9: memref<64xi32, #tpu.memory_space<vmem>>, %arg10: memref<64xi32, #tpu.memory_space<vmem>>, %arg11: memref<64xi32, #tpu.memory_space<vmem>>, %arg12: memref<64xi32, #tpu.memory_space<vmem>>, %arg13: memref<64xi32, #tpu.memory_space<vmem>>, %arg14: memref<64xi32, #tpu.memory_space<vmem>>, %arg15: memref<64xi32, #tpu.memory_space<vmem>>, %arg16: memref<64xi32, #tpu.memory_space<vmem>>, %arg17: memref<64xi32, #tpu.memory_space<vmem>>, %arg18: memref<64xi32, #tpu.memory_space<vmem>>, %arg19: memref<64xi32, #tpu.memory_space<vmem>>, %arg20: memref<64xi32, #tpu.memory_space<vmem>>, %arg21: memref<64xi32, #tpu.memory_space<vmem>>, %arg22: memref<64xi32, #tpu.memory_space<vmem>>, %arg23: memref<64x128xf32, #tpu.memory_space<vmem>>, %arg24: memref<64x128xf32, #tpu.memory_space<vmem>>, %arg25: memref<64x128xf32, #tpu.memory_space<vmem>>, %arg26: memref<64x128xf32, #tpu.memory_space<vmem>>, %arg27: memref<10240x128xf32, #tpu.memory_space<vmem_shared>>, %arg28: memref<!tpu.dma_semaphore, #tpu.memory_space<semaphore_mem>>, %arg29: memref<!tpu.dma_semaphore, #tpu.memory_space<semaphore_mem>>, %arg30: memref<!tpu.dma_semaphore, #tpu.memory_space<semaphore_mem>>, %arg31: memref<!tpu.dma_semaphore, #tpu.memory_space<semaphore_mem>>, %arg32: memref<!tpu.dma_semaphore, #tpu.memory_space<semaphore_mem>>, %arg33: memref<!tpu.dma_semaphore, #tpu.memory_space<semaphore_mem>>, %arg34: memref<!tpu.dma_semaphore, #tpu.memory_space<semaphore_mem>>, %arg35: memref<!tpu.dma_semaphore, #tpu.memory_space<semaphore_mem>>, %arg36: memref<!tpu.dma_semaphore, #tpu.memory_space<semaphore_mem>>, %arg37: memref<!tpu.dma_semaphore, #tpu.memory_space<semaphore_mem>>, %arg38: memref<!tpu.dma_semaphore, #tpu.memory_space<semaphore_mem>>, %arg39: memref<!tpu.dma_semaphore, #tpu.memory_space<semaphore_mem>>, %arg40: memref<!tpu.dma_semaphore, #tpu.memory_space<semaphore_mem>>, %arg41: memref<!tpu.dma_semaphore, #tpu.memory_space<semaphore_mem>>, %arg42: memref<!tpu.dma_semaphore, #tpu.memory_space<semaphore_mem>>, %arg43: memref<!tpu.dma_semaphore, #tpu.memory_space<semaphore_mem>>) attributes {dimension_semantics = [#tpu.dimension_semantics<core_parallel>, #tpu.dimension_semantics<subcore_parallel>], iteration_bounds = array<i64: 2, 16>, scalar_prefetch = 0 : i64, scratch_operands = 37 : i64, tpu.core_type = #tpu.core_type<sc_vector_subcore>, window_params = [{transform_indices = #map}, {transform_indices = #map1}, {transform_indices = #map1}, {transform_indices = #map}, {transform_indices = #map2}]} {
    %mul3A = arith.constant 640 : i32
    %mul3A_0 = arith.muli %arg1, %mul3A : i32
    %mul3A_1 = arith.constant 640 : i32
    %mul3A_2 = arith.muli %arg1, %mul3A_1 : i32
    "tpu.region"() ({
      %run_scoped3A = tpu.sem_alloc : memref<!tpu.dma_semaphore, #tpu.memory_space<semaphore_mem>>
      %dma_start3A_92 = arith.constant 0 : i32
      %dma_start3A_93 = tpu.memref_slice %arg27[%mul3A_2, %dma_start3A_92] : memref<10240x128xf32, #tpu.memory_space<vmem_shared>> -> memref<640x128xf32, #tpu.memory_space<vmem_shared>>
      %dma_start3A_94 = arith.constant 0 : i32
      %dma_start3A_95 = tpu.memref_slice %arg5[%mul3A_0, %dma_start3A_94] : memref<10240x128xf32, #tpu.memory_space<hbm>> -> memref<640x128xf32, #tpu.memory_space<hbm>>
      tpu.enqueue_dma source(%dma_start3A_95 : memref<640x128xf32, #tpu.memory_space<hbm>>) target(%dma_start3A_93 : memref<640x128xf32, #tpu.memory_space<vmem_shared>>) target_semaphore(%run_scoped3A : memref<!tpu.dma_semaphore, #tpu.memory_space<semaphore_mem>>)
      %dma_wait3A_96 = arith.constant 0 : i32
      %dma_wait3A_97 = tpu.memref_slice %arg27[%mul3A_2, %dma_wait3A_96] : memref<10240x128xf32, #tpu.memory_space<vmem_shared>> -> memref<640x128xf32, #tpu.memory_space<vmem_shared>>
      %dma_wait3A_98 = arith.constant 0 : i32
      %dma_wait3A_99 = tpu.memref_slice %arg5[%mul3A_0, %dma_wait3A_98] : memref<10240x128xf32, #tpu.memory_space<hbm>> -> memref<640x128xf32, #tpu.memory_space<hbm>>
      tpu.wait_dma2 semaphore(%run_scoped3A : memref<!tpu.dma_semaphore, #tpu.memory_space<semaphore_mem>>) src(%dma_wait3A_99 : memref<640x128xf32, #tpu.memory_space<hbm>>) dst(%dma_wait3A_97 : memref<640x128xf32, #tpu.memory_space<vmem_shared>>)
      tpu.yield
    }) : () -> ()
    %barrier3A = arith.constant 0 : index
    tpu.barrier barrier_id(%barrier3A)
    %mul3A_3 = arith.constant 2560 : i32
    %mul3A_4 = arith.muli %arg0, %mul3A_3 : i32
    %mul3A_5 = arith.constant 160 : i32
    %mul3A_6 = arith.muli %arg1, %mul3A_5 : i32
    %add3A = arith.addi %mul3A_4, %mul3A_6 : i32
    %mul3A_7 = arith.constant 64 : i32
    %mul3A_8 = arith.muli %add3A, %mul3A_7 : i32
    %add3A_9 = arith.constant 0 : i32
    %add3A_10 = arith.addi %mul3A_8, %add3A_9 : i32
    %dma_start3A = tpu.memref_slice %arg3[%add3A_10] : memref<327680xi32, #tpu.memory_space<hbm>> -> memref<64xi32, #tpu.memory_space<hbm>>
    %dma_start3A_11 = tpu.memref_slice %arg3[%add3A_10] : memref<327680xi32, #tpu.memory_space<hbm>> -> memref<64xi32, #tpu.memory_space<hbm>>
    tpu.enqueue_dma source(%dma_start3A_11 : memref<64xi32, #tpu.memory_space<hbm>>) target(%arg7 : memref<64xi32, #tpu.memory_space<vmem>>) target_semaphore(%arg28 : memref<!tpu.dma_semaphore, #tpu.memory_space<semaphore_mem>>)
    %add3A_12 = arith.constant 0 : i32
    %add3A_13 = arith.addi %mul3A_8, %add3A_12 : i32
    %dma_start3A_14 = tpu.memref_slice %arg4[%add3A_13] : memref<327680xi32, #tpu.memory_space<hbm>> -> memref<64xi32, #tpu.memory_space<hbm>>
    %dma_start3A_15 = tpu.memref_slice %arg4[%add3A_13] : memref<327680xi32, #tpu.memory_space<hbm>> -> memref<64xi32, #tpu.memory_space<hbm>>
    tpu.enqueue_dma source(%dma_start3A_15 : memref<64xi32, #tpu.memory_space<hbm>>) target(%arg15 : memref<64xi32, #tpu.memory_space<vmem>>) target_semaphore(%arg28 : memref<!tpu.dma_semaphore, #tpu.memory_space<semaphore_mem>>)
    %add3A_16 = arith.constant 64 : i32
    %add3A_17 = arith.addi %mul3A_8, %add3A_16 : i32
    %dma_start3A_18 = tpu.memref_slice %arg3[%add3A_17] : memref<327680xi32, #tpu.memory_space<hbm>> -> memref<64xi32, #tpu.memory_space<hbm>>
    %dma_start3A_19 = tpu.memref_slice %arg3[%add3A_17] : memref<327680xi32, #tpu.memory_space<hbm>> -> memref<64xi32, #tpu.memory_space<hbm>>
    tpu.enqueue_dma source(%dma_start3A_19 : memref<64xi32, #tpu.memory_space<hbm>>) target(%arg8 : memref<64xi32, #tpu.memory_space<vmem>>) target_semaphore(%arg29 : memref<!tpu.dma_semaphore, #tpu.memory_space<semaphore_mem>>)
    %add3A_20 = arith.constant 64 : i32
    %add3A_21 = arith.addi %mul3A_8, %add3A_20 : i32
    %dma_start3A_22 = tpu.memref_slice %arg4[%add3A_21] : memref<327680xi32, #tpu.memory_space<hbm>> -> memref<64xi32, #tpu.memory_space<hbm>>
    %dma_start3A_23 = tpu.memref_slice %arg4[%add3A_21] : memref<327680xi32, #tpu.memory_space<hbm>> -> memref<64xi32, #tpu.memory_space<hbm>>
    tpu.enqueue_dma source(%dma_start3A_23 : memref<64xi32, #tpu.memory_space<hbm>>) target(%arg16 : memref<64xi32, #tpu.memory_space<vmem>>) target_semaphore(%arg29 : memref<!tpu.dma_semaphore, #tpu.memory_space<semaphore_mem>>)
    %add3A_24 = arith.constant 128 : i32
    %add3A_25 = arith.addi %mul3A_8, %add3A_24 : i32
    %dma_start3A_26 = tpu.memref_slice %arg3[%add3A_25] : memref<327680xi32, #tpu.memory_space<hbm>> -> memref<64xi32, #tpu.memory_space<hbm>>
    %dma_start3A_27 = tpu.memref_slice %arg3[%add3A_25] : memref<327680xi32, #tpu.memory_space<hbm>> -> memref<64xi32, #tpu.memory_space<hbm>>
    tpu.enqueue_dma source(%dma_start3A_27 : memref<64xi32, #tpu.memory_space<hbm>>) target(%arg9 : memref<64xi32, #tpu.memory_space<vmem>>) target_semaphore(%arg30 : memref<!tpu.dma_semaphore, #tpu.memory_space<semaphore_mem>>)
    %add3A_28 = arith.constant 128 : i32
    %add3A_29 = arith.addi %mul3A_8, %add3A_28 : i32
    %dma_start3A_30 = tpu.memref_slice %arg4[%add3A_29] : memref<327680xi32, #tpu.memory_space<hbm>> -> memref<64xi32, #tpu.memory_space<hbm>>
    %dma_start3A_31 = tpu.memref_slice %arg4[%add3A_29] : memref<327680xi32, #tpu.memory_space<hbm>> -> memref<64xi32, #tpu.memory_space<hbm>>
    tpu.enqueue_dma source(%dma_start3A_31 : memref<64xi32, #tpu.memory_space<hbm>>) target(%arg17 : memref<64xi32, #tpu.memory_space<vmem>>) target_semaphore(%arg30 : memref<!tpu.dma_semaphore, #tpu.memory_space<semaphore_mem>>)
    %add3A_32 = arith.constant 192 : i32
    %add3A_33 = arith.addi %mul3A_8, %add3A_32 : i32
    %dma_start3A_34 = tpu.memref_slice %arg3[%add3A_33] : memref<327680xi32, #tpu.memory_space<hbm>> -> memref<64xi32, #tpu.memory_space<hbm>>
    %dma_start3A_35 = tpu.memref_slice %arg3[%add3A_33] : memref<327680xi32, #tpu.memory_space<hbm>> -> memref<64xi32, #tpu.memory_space<hbm>>
    tpu.enqueue_dma source(%dma_start3A_35 : memref<64xi32, #tpu.memory_space<hbm>>) target(%arg10 : memref<64xi32, #tpu.memory_space<vmem>>) target_semaphore(%arg31 : memref<!tpu.dma_semaphore, #tpu.memory_space<semaphore_mem>>)
    %add3A_36 = arith.constant 192 : i32
    %add3A_37 = arith.addi %mul3A_8, %add3A_36 : i32
    %dma_start3A_38 = tpu.memref_slice %arg4[%add3A_37] : memref<327680xi32, #tpu.memory_space<hbm>> -> memref<64xi32, #tpu.memory_space<hbm>>
    %dma_start3A_39 = tpu.memref_slice %arg4[%add3A_37] : memref<327680xi32, #tpu.memory_space<hbm>> -> memref<64xi32, #tpu.memory_space<hbm>>
    tpu.enqueue_dma source(%dma_start3A_39 : memref<64xi32, #tpu.memory_space<hbm>>) target(%arg18 : memref<64xi32, #tpu.memory_space<vmem>>) target_semaphore(%arg31 : memref<!tpu.dma_semaphore, #tpu.memory_space<semaphore_mem>>)
    %add3A_40 = arith.constant 256 : i32
    %add3A_41 = arith.addi %mul3A_8, %add3A_40 : i32
    %dma_start3A_42 = tpu.memref_slice %arg3[%add3A_41] : memref<327680xi32, #tpu.memory_space<hbm>> -> memref<64xi32, #tpu.memory_space<hbm>>
    %dma_start3A_43 = tpu.memref_slice %arg3[%add3A_41] : memref<327680xi32, #tpu.memory_space<hbm>> -> memref<64xi32, #tpu.memory_space<hbm>>
    tpu.enqueue_dma source(%dma_start3A_43 : memref<64xi32, #tpu.memory_space<hbm>>) target(%arg11 : memref<64xi32, #tpu.memory_space<vmem>>) target_semaphore(%arg32 : memref<!tpu.dma_semaphore, #tpu.memory_space<semaphore_mem>>)
    %add3A_44 = arith.constant 256 : i32
    %add3A_45 = arith.addi %mul3A_8, %add3A_44 : i32
    %dma_start3A_46 = tpu.memref_slice %arg4[%add3A_45] : memref<327680xi32, #tpu.memory_space<hbm>> -> memref<64xi32, #tpu.memory_space<hbm>>
    %dma_start3A_47 = tpu.memref_slice %arg4[%add3A_45] : memref<327680xi32, #tpu.memory_space<hbm>> -> memref<64xi32, #tpu.memory_space<hbm>>
    tpu.enqueue_dma source(%dma_start3A_47 : memref<64xi32, #tpu.memory_space<hbm>>) target(%arg19 : memref<64xi32, #tpu.memory_space<vmem>>) target_semaphore(%arg32 : memref<!tpu.dma_semaphore, #tpu.memory_space<semaphore_mem>>)
    %add3A_48 = arith.constant 320 : i32
    %add3A_49 = arith.addi %mul3A_8, %add3A_48 : i32
    %dma_start3A_50 = tpu.memref_slice %arg3[%add3A_49] : memref<327680xi32, #tpu.memory_space<hbm>> -> memref<64xi32, #tpu.memory_space<hbm>>
    %dma_start3A_51 = tpu.memref_slice %arg3[%add3A_49] : memref<327680xi32, #tpu.memory_space<hbm>> -> memref<64xi32, #tpu.memory_space<hbm>>
    tpu.enqueue_dma source(%dma_start3A_51 : memref<64xi32, #tpu.memory_space<hbm>>) target(%arg12 : memref<64xi32, #tpu.memory_space<vmem>>) target_semaphore(%arg33 : memref<!tpu.dma_semaphore, #tpu.memory_space<semaphore_mem>>)
    %add3A_52 = arith.constant 320 : i32
    %add3A_53 = arith.addi %mul3A_8, %add3A_52 : i32
    %dma_start3A_54 = tpu.memref_slice %arg4[%add3A_53] : memref<327680xi32, #tpu.memory_space<hbm>> -> memref<64xi32, #tpu.memory_space<hbm>>
    %dma_start3A_55 = tpu.memref_slice %arg4[%add3A_53] : memref<327680xi32, #tpu.memory_space<hbm>> -> memref<64xi32, #tpu.memory_space<hbm>>
    tpu.enqueue_dma source(%dma_start3A_55 : memref<64xi32, #tpu.memory_space<hbm>>) target(%arg20 : memref<64xi32, #tpu.memory_space<vmem>>) target_semaphore(%arg33 : memref<!tpu.dma_semaphore, #tpu.memory_space<semaphore_mem>>)
    %dma_wait3A = arith.constant 0 : i32
    %dma_wait3A_56 = tpu.memref_slice %arg3[%dma_wait3A] : memref<327680xi32, #tpu.memory_space<hbm>> -> memref<64xi32, #tpu.memory_space<hbm>>
    %dma_wait3A_57 = arith.constant 0 : i32
    %dma_wait3A_58 = tpu.memref_slice %arg3[%dma_wait3A_57] : memref<327680xi32, #tpu.memory_space<hbm>> -> memref<64xi32, #tpu.memory_space<hbm>>
    tpu.wait_dma2 semaphore(%arg28 : memref<!tpu.dma_semaphore, #tpu.memory_space<semaphore_mem>>) src(%dma_wait3A_58 : memref<64xi32, #tpu.memory_space<hbm>>) dst(%arg7 : memref<64xi32, #tpu.memory_space<vmem>>)
    %dma_wait3A_59 = arith.constant 0 : i32
    %dma_wait3A_60 = tpu.memref_slice %arg4[%dma_wait3A_59] : memref<327680xi32, #tpu.memory_space<hbm>> -> memref<64xi32, #tpu.memory_space<hbm>>
    %dma_wait3A_61 = arith.constant 0 : i32
    %dma_wait3A_62 = tpu.memref_slice %arg4[%dma_wait3A_61] : memref<327680xi32, #tpu.memory_space<hbm>> -> memref<64xi32, #tpu.memory_space<hbm>>
    tpu.wait_dma2 semaphore(%arg28 : memref<!tpu.dma_semaphore, #tpu.memory_space<semaphore_mem>>) src(%dma_wait3A_62 : memref<64xi32, #tpu.memory_space<hbm>>) dst(%arg15 : memref<64xi32, #tpu.memory_space<vmem>>)
    %dma_start3A_63 = arith.constant 0 : i32
    %dma_start3A_64 = arith.constant 0 : i32
    %dma_start3A_65 = tpu.memref_slice %arg2[%dma_start3A_63, %dma_start3A_64] : memref<10000x128xf32, #tpu.memory_space<hbm>> -> memref<10000x128xf32, #tpu.memory_space<hbm>>
    tpu.enqueue_indirect_dma source(%dma_start3A_65 : memref<10000x128xf32, #tpu.memory_space<hbm>>) target(%arg23 : memref<64x128xf32, #tpu.memory_space<vmem>>) offsets(%arg7 : memref<64xi32, #tpu.memory_space<vmem>>) semaphore(%arg36 : memref<!tpu.dma_semaphore, #tpu.memory_space<semaphore_mem>>)
    %dma_wait3A_66 = arith.constant 0 : i32
    %dma_wait3A_67 = tpu.memref_slice %arg3[%dma_wait3A_66] : memref<327680xi32, #tpu.memory_space<hbm>> -> memref<64xi32, #tpu.memory_space<hbm>>
    %dma_wait3A_68 = arith.constant 0 : i32
    %dma_wait3A_69 = tpu.memref_slice %arg3[%dma_wait3A_68] : memref<327680xi32, #tpu.memory_space<hbm>> -> memref<64xi32, #tpu.memory_space<hbm>>
    tpu.wait_dma2 semaphore(%arg29 : memref<!tpu.dma_semaphore, #tpu.memory_space<semaphore_mem>>) src(%dma_wait3A_69 : memref<64xi32, #tpu.memory_space<hbm>>) dst(%arg8 : memref<64xi32, #tpu.memory_space<vmem>>)
    %dma_wait3A_70 = arith.constant 0 : i32
    %dma_wait3A_71 = tpu.memref_slice %arg4[%dma_wait3A_70] : memref<327680xi32, #tpu.memory_space<hbm>> -> memref<64xi32, #tpu.memory_space<hbm>>
    %dma_wait3A_72 = arith.constant 0 : i32
    %dma_wait3A_73 = tpu.memref_slice %arg4[%dma_wait3A_72] : memref<327680xi32, #tpu.memory_space<hbm>> -> memref<64xi32, #tpu.memory_space<hbm>>
    tpu.wait_dma2 semaphore(%arg29 : memref<!tpu.dma_semaphore, #tpu.memory_space<semaphore_mem>>) src(%dma_wait3A_73 : memref<64xi32, #tpu.memory_space<hbm>>) dst(%arg16 : memref<64xi32, #tpu.memory_space<vmem>>)
    %dma_start3A_74 = arith.constant 0 : i32
    %dma_start3A_75 = arith.constant 0 : i32
    %dma_start3A_76 = tpu.memref_slice %arg2[%dma_start3A_74, %dma_start3A_75] : memref<10000x128xf32, #tpu.memory_space<hbm>> -> memref<10000x128xf32, #tpu.memory_space<hbm>>
    tpu.enqueue_indirect_dma source(%dma_start3A_76 : memref<10000x128xf32, #tpu.memory_space<hbm>>) target(%arg24 : memref<64x128xf32, #tpu.memory_space<vmem>>) offsets(%arg8 : memref<64xi32, #tpu.memory_space<vmem>>) semaphore(%arg37 : memref<!tpu.dma_semaphore, #tpu.memory_space<semaphore_mem>>)
    %scan3A = arith.constant 0 : i32
    %scan3A_77 = arith.constant 20 : i32
    %scan3A_78 = arith.addi %scan3A, %scan3A_77 : i32
    %scan3A_79 = arith.constant 1 : i32
    scf.for %scan3A_92 = %scan3A to %scan3A_78 step %scan3A_79  : i32 {
      %mul3A_93 = arith.constant 1 : i32
      %mul3A_94 = arith.muli %scan3A_92, %mul3A_93 : i32
      %add3A_95 = arith.constant 0 : i32
      %add3A_96 = arith.addi %add3A_95, %mul3A_94 : i32
      %mul3A_97 = arith.constant 8 : i32
      %mul3A_98 = arith.muli %add3A_96, %mul3A_97 : i32
      %dma_wait3A_99 = arith.constant 0 : i32
      %dma_wait3A_100 = arith.constant 0 : i32
      %dma_wait3A_101 = tpu.memref_slice %arg2[%dma_wait3A_99, %dma_wait3A_100] : memref<10000x128xf32, #tpu.memory_space<hbm>> -> memref<10000x128xf32, #tpu.memory_space<hbm>>
      tpu.wait_indirect_dma semaphore(%arg36 : memref<!tpu.dma_semaphore, #tpu.memory_space<semaphore_mem>>) src(%dma_wait3A_101 : memref<10000x128xf32, #tpu.memory_space<hbm>>) dst(%arg23 : memref<64x128xf32, #tpu.memory_space<vmem>>)
      %dma_start3A_102 = arith.constant 0 : i32
      %dma_start3A_103 = arith.constant 0 : i32
      %dma_start3A_104 = tpu.memref_slice %arg27[%dma_start3A_102, %dma_start3A_103] : memref<10240x128xf32, #tpu.memory_space<vmem_shared>> -> memref<10240x128xf32, #tpu.memory_space<vmem_shared>>
      tpu.enqueue_indirect_dma source(%arg23 : memref<64x128xf32, #tpu.memory_space<vmem>>) target(%dma_start3A_104 : memref<10240x128xf32, #tpu.memory_space<vmem_shared>>) offsets(%arg15 : memref<64xi32, #tpu.memory_space<vmem>>) semaphore(%arg40 : memref<!tpu.dma_semaphore, #tpu.memory_space<semaphore_mem>>) {add = true}
      %gt3A = arith.constant 0 : i32
      %gt3A_105 = arith.cmpi sgt, %add3A_96, %gt3A : i32
      %convert_element_type3A = arith.extui %gt3A_105 : i1 to i32
      %cond3A = arith.constant 0 : i32
      %cond3A_106 = arith.cmpi ne, %convert_element_type3A, %cond3A : i32
      scf.if %cond3A_106 {
        %dma_wait3A_305 = arith.constant 0 : i32
        %dma_wait3A_306 = arith.constant 0 : i32
        %dma_wait3A_307 = tpu.memref_slice %arg27[%dma_wait3A_305, %dma_wait3A_306] : memref<10240x128xf32, #tpu.memory_space<vmem_shared>> -> memref<10240x128xf32, #tpu.memory_space<vmem_shared>>
        tpu.wait_indirect_dma semaphore(%arg42 : memref<!tpu.dma_semaphore, #tpu.memory_space<semaphore_mem>>) src(%arg25 : memref<64x128xf32, #tpu.memory_space<vmem>>) dst(%dma_wait3A_307 : memref<10240x128xf32, #tpu.memory_space<vmem_shared>>)
      } else {
      }
      %add3A_107 = arith.constant 0 : i32
      %add3A_108 = arith.addi %mul3A_98, %add3A_107 : i32
      %add3A_109 = arith.constant 6 : i32
      %add3A_110 = arith.addi %add3A_108, %add3A_109 : i32
      %mul3A_111 = arith.constant 64 : i32
      %mul3A_112 = arith.muli %add3A_110, %mul3A_111 : i32
      %add3A_113 = arith.addi %mul3A_8, %mul3A_112 : i32
      %dma_start3A_114 = tpu.memref_slice %arg3[%add3A_113] : memref<327680xi32, #tpu.memory_space<hbm>> -> memref<64xi32, #tpu.memory_space<hbm>>
      %dma_start3A_115 = tpu.memref_slice %arg3[%add3A_113] : memref<327680xi32, #tpu.memory_space<hbm>> -> memref<64xi32, #tpu.memory_space<hbm>>
      tpu.enqueue_dma source(%dma_start3A_115 : memref<64xi32, #tpu.memory_space<hbm>>) target(%arg13 : memref<64xi32, #tpu.memory_space<vmem>>) target_semaphore(%arg34 : memref<!tpu.dma_semaphore, #tpu.memory_space<semaphore_mem>>)
      %mul3A_116 = arith.constant 64 : i32
      %mul3A_117 = arith.muli %add3A_110, %mul3A_116 : i32
      %add3A_118 = arith.addi %mul3A_8, %mul3A_117 : i32
      %dma_start3A_119 = tpu.memref_slice %arg4[%add3A_118] : memref<327680xi32, #tpu.memory_space<hbm>> -> memref<64xi32, #tpu.memory_space<hbm>>
      %dma_start3A_120 = tpu.memref_slice %arg4[%add3A_118] : memref<327680xi32, #tpu.memory_space<hbm>> -> memref<64xi32, #tpu.memory_space<hbm>>
      tpu.enqueue_dma source(%dma_start3A_120 : memref<64xi32, #tpu.memory_space<hbm>>) target(%arg21 : memref<64xi32, #tpu.memory_space<vmem>>) target_semaphore(%arg34 : memref<!tpu.dma_semaphore, #tpu.memory_space<semaphore_mem>>)
      %dma_wait3A_121 = arith.constant 0 : i32
      %dma_wait3A_122 = tpu.memref_slice %arg3[%dma_wait3A_121] : memref<327680xi32, #tpu.memory_space<hbm>> -> memref<64xi32, #tpu.memory_space<hbm>>
      %dma_wait3A_123 = arith.constant 0 : i32
      %dma_wait3A_124 = tpu.memref_slice %arg3[%dma_wait3A_123] : memref<327680xi32, #tpu.memory_space<hbm>> -> memref<64xi32, #tpu.memory_space<hbm>>
      tpu.wait_dma2 semaphore(%arg30 : memref<!tpu.dma_semaphore, #tpu.memory_space<semaphore_mem>>) src(%dma_wait3A_124 : memref<64xi32, #tpu.memory_space<hbm>>) dst(%arg9 : memref<64xi32, #tpu.memory_space<vmem>>)
      %dma_wait3A_125 = arith.constant 0 : i32
      %dma_wait3A_126 = tpu.memref_slice %arg4[%dma_wait3A_125] : memref<327680xi32, #tpu.memory_space<hbm>> -> memref<64xi32, #tpu.memory_space<hbm>>
      %dma_wait3A_127 = arith.constant 0 : i32
      %dma_wait3A_128 = tpu.memref_slice %arg4[%dma_wait3A_127] : memref<327680xi32, #tpu.memory_space<hbm>> -> memref<64xi32, #tpu.memory_space<hbm>>
      tpu.wait_dma2 semaphore(%arg30 : memref<!tpu.dma_semaphore, #tpu.memory_space<semaphore_mem>>) src(%dma_wait3A_128 : memref<64xi32, #tpu.memory_space<hbm>>) dst(%arg17 : memref<64xi32, #tpu.memory_space<vmem>>)
      %dma_start3A_129 = arith.constant 0 : i32
      %dma_start3A_130 = arith.constant 0 : i32
      %dma_start3A_131 = tpu.memref_slice %arg2[%dma_start3A_129, %dma_start3A_130] : memref<10000x128xf32, #tpu.memory_space<hbm>> -> memref<10000x128xf32, #tpu.memory_space<hbm>>
      tpu.enqueue_indirect_dma source(%dma_start3A_131 : memref<10000x128xf32, #tpu.memory_space<hbm>>) target(%arg25 : memref<64x128xf32, #tpu.memory_space<vmem>>) offsets(%arg9 : memref<64xi32, #tpu.memory_space<vmem>>) semaphore(%arg38 : memref<!tpu.dma_semaphore, #tpu.memory_space<semaphore_mem>>)
      %dma_wait3A_132 = arith.constant 0 : i32
      %dma_wait3A_133 = arith.constant 0 : i32
      %dma_wait3A_134 = tpu.memref_slice %arg2[%dma_wait3A_132, %dma_wait3A_133] : memref<10000x128xf32, #tpu.memory_space<hbm>> -> memref<10000x128xf32, #tpu.memory_space<hbm>>
      tpu.wait_indirect_dma semaphore(%arg37 : memref<!tpu.dma_semaphore, #tpu.memory_space<semaphore_mem>>) src(%dma_wait3A_134 : memref<10000x128xf32, #tpu.memory_space<hbm>>) dst(%arg24 : memref<64x128xf32, #tpu.memory_space<vmem>>)
      %dma_start3A_135 = arith.constant 0 : i32
      %dma_start3A_136 = arith.constant 0 : i32
      %dma_start3A_137 = tpu.memref_slice %arg27[%dma_start3A_135, %dma_start3A_136] : memref<10240x128xf32, #tpu.memory_space<vmem_shared>> -> memref<10240x128xf32, #tpu.memory_space<vmem_shared>>
      tpu.enqueue_indirect_dma source(%arg24 : memref<64x128xf32, #tpu.memory_space<vmem>>) target(%dma_start3A_137 : memref<10240x128xf32, #tpu.memory_space<vmem_shared>>) offsets(%arg16 : memref<64xi32, #tpu.memory_space<vmem>>) semaphore(%arg41 : memref<!tpu.dma_semaphore, #tpu.memory_space<semaphore_mem>>) {add = true}
      %gt3A_138 = arith.constant 0 : i32
      %gt3A_139 = arith.cmpi sgt, %add3A_96, %gt3A_138 : i32
      %convert_element_type3A_140 = arith.extui %gt3A_139 : i1 to i32
      %cond3A_141 = arith.constant 0 : i32
      %cond3A_142 = arith.cmpi ne, %convert_element_type3A_140, %cond3A_141 : i32
      scf.if %cond3A_142 {
        %dma_wait3A_305 = arith.constant 0 : i32
        %dma_wait3A_306 = arith.constant 0 : i32
        %dma_wait3A_307 = tpu.memref_slice %arg27[%dma_wait3A_305, %dma_wait3A_306] : memref<10240x128xf32, #tpu.memory_space<vmem_shared>> -> memref<10240x128xf32, #tpu.memory_space<vmem_shared>>
        tpu.wait_indirect_dma semaphore(%arg43 : memref<!tpu.dma_semaphore, #tpu.memory_space<semaphore_mem>>) src(%arg26 : memref<64x128xf32, #tpu.memory_space<vmem>>) dst(%dma_wait3A_307 : memref<10240x128xf32, #tpu.memory_space<vmem_shared>>)
      } else {
      }
      %add3A_143 = arith.constant 1 : i32
      %add3A_144 = arith.addi %mul3A_98, %add3A_143 : i32
      %add3A_145 = arith.constant 6 : i32
      %add3A_146 = arith.addi %add3A_144, %add3A_145 : i32
      %mul3A_147 = arith.constant 64 : i32
      %mul3A_148 = arith.muli %add3A_146, %mul3A_147 : i32
      %add3A_149 = arith.addi %mul3A_8, %mul3A_148 : i32
      %dma_start3A_150 = tpu.memref_slice %arg3[%add3A_149] : memref<327680xi32, #tpu.memory_space<hbm>> -> memref<64xi32, #tpu.memory_space<hbm>>
      %dma_start3A_151 = tpu.memref_slice %arg3[%add3A_149] : memref<327680xi32, #tpu.memory_space<hbm>> -> memref<64xi32, #tpu.memory_space<hbm>>
      tpu.enqueue_dma source(%dma_start3A_151 : memref<64xi32, #tpu.memory_space<hbm>>) target(%arg14 : memref<64xi32, #tpu.memory_space<vmem>>) target_semaphore(%arg35 : memref<!tpu.dma_semaphore, #tpu.memory_space<semaphore_mem>>)
      %mul3A_152 = arith.constant 64 : i32
      %mul3A_153 = arith.muli %add3A_146, %mul3A_152 : i32
      %add3A_154 = arith.addi %mul3A_8, %mul3A_153 : i32
      %dma_start3A_155 = tpu.memref_slice %arg4[%add3A_154] : memref<327680xi32, #tpu.memory_space<hbm>> -> memref<64xi32, #tpu.memory_space<hbm>>
      %dma_start3A_156 = tpu.memref_slice %arg4[%add3A_154] : memref<327680xi32, #tpu.memory_space<hbm>> -> memref<64xi32, #tpu.memory_space<hbm>>
      tpu.enqueue_dma source(%dma_start3A_156 : memref<64xi32, #tpu.memory_space<hbm>>) target(%arg22 : memref<64xi32, #tpu.memory_space<vmem>>) target_semaphore(%arg35 : memref<!tpu.dma_semaphore, #tpu.memory_space<semaphore_mem>>)
      %dma_wait3A_157 = arith.constant 0 : i32
      %dma_wait3A_158 = tpu.memref_slice %arg3[%dma_wait3A_157] : memref<327680xi32, #tpu.memory_space<hbm>> -> memref<64xi32, #tpu.memory_space<hbm>>
      %dma_wait3A_159 = arith.constant 0 : i32
      %dma_wait3A_160 = tpu.memref_slice %arg3[%dma_wait3A_159] : memref<327680xi32, #tpu.memory_space<hbm>> -> memref<64xi32, #tpu.memory_space<hbm>>
      tpu.wait_dma2 semaphore(%arg31 : memref<!tpu.dma_semaphore, #tpu.memory_space<semaphore_mem>>) src(%dma_wait3A_160 : memref<64xi32, #tpu.memory_space<hbm>>) dst(%arg10 : memref<64xi32, #tpu.memory_space<vmem>>)
      %dma_wait3A_161 = arith.constant 0 : i32
      %dma_wait3A_162 = tpu.memref_slice %arg4[%dma_wait3A_161] : memref<327680xi32, #tpu.memory_space<hbm>> -> memref<64xi32, #tpu.memory_space<hbm>>
      %dma_wait3A_163 = arith.constant 0 : i32
      %dma_wait3A_164 = tpu.memref_slice %arg4[%dma_wait3A_163] : memref<327680xi32, #tpu.memory_space<hbm>> -> memref<64xi32, #tpu.memory_space<hbm>>
      tpu.wait_dma2 semaphore(%arg31 : memref<!tpu.dma_semaphore, #tpu.memory_space<semaphore_mem>>) src(%dma_wait3A_164 : memref<64xi32, #tpu.memory_space<hbm>>) dst(%arg18 : memref<64xi32, #tpu.memory_space<vmem>>)
      %dma_start3A_165 = arith.constant 0 : i32
      %dma_start3A_166 = arith.constant 0 : i32
      %dma_start3A_167 = tpu.memref_slice %arg2[%dma_start3A_165, %dma_start3A_166] : memref<10000x128xf32, #tpu.memory_space<hbm>> -> memref<10000x128xf32, #tpu.memory_space<hbm>>
      tpu.enqueue_indirect_dma source(%dma_start3A_167 : memref<10000x128xf32, #tpu.memory_space<hbm>>) target(%arg26 : memref<64x128xf32, #tpu.memory_space<vmem>>) offsets(%arg10 : memref<64xi32, #tpu.memory_space<vmem>>) semaphore(%arg39 : memref<!tpu.dma_semaphore, #tpu.memory_space<semaphore_mem>>)
      %dma_wait3A_168 = arith.constant 0 : i32
      %dma_wait3A_169 = arith.constant 0 : i32
      %dma_wait3A_170 = tpu.memref_slice %arg2[%dma_wait3A_168, %dma_wait3A_169] : memref<10000x128xf32, #tpu.memory_space<hbm>> -> memref<10000x128xf32, #tpu.memory_space<hbm>>
      tpu.wait_indirect_dma semaphore(%arg38 : memref<!tpu.dma_semaphore, #tpu.memory_space<semaphore_mem>>) src(%dma_wait3A_170 : memref<10000x128xf32, #tpu.memory_space<hbm>>) dst(%arg25 : memref<64x128xf32, #tpu.memory_space<vmem>>)
      %dma_start3A_171 = arith.constant 0 : i32
      %dma_start3A_172 = arith.constant 0 : i32
      %dma_start3A_173 = tpu.memref_slice %arg27[%dma_start3A_171, %dma_start3A_172] : memref<10240x128xf32, #tpu.memory_space<vmem_shared>> -> memref<10240x128xf32, #tpu.memory_space<vmem_shared>>
      tpu.enqueue_indirect_dma source(%arg25 : memref<64x128xf32, #tpu.memory_space<vmem>>) target(%dma_start3A_173 : memref<10240x128xf32, #tpu.memory_space<vmem_shared>>) offsets(%arg17 : memref<64xi32, #tpu.memory_space<vmem>>) semaphore(%arg42 : memref<!tpu.dma_semaphore, #tpu.memory_space<semaphore_mem>>) {add = true}
      %dma_wait3A_174 = arith.constant 0 : i32
      %dma_wait3A_175 = arith.constant 0 : i32
      %dma_wait3A_176 = tpu.memref_slice %arg27[%dma_wait3A_174, %dma_wait3A_175] : memref<10240x128xf32, #tpu.memory_space<vmem_shared>> -> memref<10240x128xf32, #tpu.memory_space<vmem_shared>>
      tpu.wait_indirect_dma semaphore(%arg40 : memref<!tpu.dma_semaphore, #tpu.memory_space<semaphore_mem>>) src(%arg23 : memref<64x128xf32, #tpu.memory_space<vmem>>) dst(%dma_wait3A_176 : memref<10240x128xf32, #tpu.memory_space<vmem_shared>>)
      %lt3A = arith.constant 19 : i32
      %lt3A_177 = arith.cmpi slt, %add3A_96, %lt3A : i32
      %convert_element_type3A_178 = arith.extui %lt3A_177 : i1 to i32
      %cond3A_179 = arith.constant 0 : i32
      %cond3A_180 = arith.cmpi ne, %convert_element_type3A_178, %cond3A_179 : i32
      scf.if %cond3A_180 {
        %add3A_305 = arith.constant 2 : i32
        %add3A_306 = arith.addi %mul3A_98, %add3A_305 : i32
        %add3A_307 = arith.constant 6 : i32
        %add3A_308 = arith.addi %add3A_306, %add3A_307 : i32
        %mul3A_309 = arith.constant 64 : i32
        %mul3A_310 = arith.muli %add3A_308, %mul3A_309 : i32
        %add3A_311 = arith.addi %mul3A_8, %mul3A_310 : i32
        %dma_start3A_312 = tpu.memref_slice %arg3[%add3A_311] : memref<327680xi32, #tpu.memory_space<hbm>> -> memref<64xi32, #tpu.memory_space<hbm>>
        %dma_start3A_313 = tpu.memref_slice %arg3[%add3A_311] : memref<327680xi32, #tpu.memory_space<hbm>> -> memref<64xi32, #tpu.memory_space<hbm>>
        tpu.enqueue_dma source(%dma_start3A_313 : memref<64xi32, #tpu.memory_space<hbm>>) target(%arg7 : memref<64xi32, #tpu.memory_space<vmem>>) target_semaphore(%arg28 : memref<!tpu.dma_semaphore, #tpu.memory_space<semaphore_mem>>)
        %mul3A_314 = arith.constant 64 : i32
        %mul3A_315 = arith.muli %add3A_308, %mul3A_314 : i32
        %add3A_316 = arith.addi %mul3A_8, %mul3A_315 : i32
        %dma_start3A_317 = tpu.memref_slice %arg4[%add3A_316] : memref<327680xi32, #tpu.memory_space<hbm>> -> memref<64xi32, #tpu.memory_space<hbm>>
        %dma_start3A_318 = tpu.memref_slice %arg4[%add3A_316] : memref<327680xi32, #tpu.memory_space<hbm>> -> memref<64xi32, #tpu.memory_space<hbm>>
        tpu.enqueue_dma source(%dma_start3A_318 : memref<64xi32, #tpu.memory_space<hbm>>) target(%arg15 : memref<64xi32, #tpu.memory_space<vmem>>) target_semaphore(%arg28 : memref<!tpu.dma_semaphore, #tpu.memory_space<semaphore_mem>>)
      } else {
      }
      %dma_wait3A_181 = arith.constant 0 : i32
      %dma_wait3A_182 = tpu.memref_slice %arg3[%dma_wait3A_181] : memref<327680xi32, #tpu.memory_space<hbm>> -> memref<64xi32, #tpu.memory_space<hbm>>
      %dma_wait3A_183 = arith.constant 0 : i32
      %dma_wait3A_184 = tpu.memref_slice %arg3[%dma_wait3A_183] : memref<327680xi32, #tpu.memory_space<hbm>> -> memref<64xi32, #tpu.memory_space<hbm>>
      tpu.wait_dma2 semaphore(%arg32 : memref<!tpu.dma_semaphore, #tpu.memory_space<semaphore_mem>>) src(%dma_wait3A_184 : memref<64xi32, #tpu.memory_space<hbm>>) dst(%arg11 : memref<64xi32, #tpu.memory_space<vmem>>)
      %dma_wait3A_185 = arith.constant 0 : i32
      %dma_wait3A_186 = tpu.memref_slice %arg4[%dma_wait3A_185] : memref<327680xi32, #tpu.memory_space<hbm>> -> memref<64xi32, #tpu.memory_space<hbm>>
      %dma_wait3A_187 = arith.constant 0 : i32
      %dma_wait3A_188 = tpu.memref_slice %arg4[%dma_wait3A_187] : memref<327680xi32, #tpu.memory_space<hbm>> -> memref<64xi32, #tpu.memory_space<hbm>>
      tpu.wait_dma2 semaphore(%arg32 : memref<!tpu.dma_semaphore, #tpu.memory_space<semaphore_mem>>) src(%dma_wait3A_188 : memref<64xi32, #tpu.memory_space<hbm>>) dst(%arg19 : memref<64xi32, #tpu.memory_space<vmem>>)
      %dma_start3A_189 = arith.constant 0 : i32
      %dma_start3A_190 = arith.constant 0 : i32
      %dma_start3A_191 = tpu.memref_slice %arg2[%dma_start3A_189, %dma_start3A_190] : memref<10000x128xf32, #tpu.memory_space<hbm>> -> memref<10000x128xf32, #tpu.memory_space<hbm>>
      tpu.enqueue_indirect_dma source(%dma_start3A_191 : memref<10000x128xf32, #tpu.memory_space<hbm>>) target(%arg23 : memref<64x128xf32, #tpu.memory_space<vmem>>) offsets(%arg11 : memref<64xi32, #tpu.memory_space<vmem>>) semaphore(%arg36 : memref<!tpu.dma_semaphore, #tpu.memory_space<semaphore_mem>>)
      %dma_wait3A_192 = arith.constant 0 : i32
      %dma_wait3A_193 = arith.constant 0 : i32
      %dma_wait3A_194 = tpu.memref_slice %arg2[%dma_wait3A_192, %dma_wait3A_193] : memref<10000x128xf32, #tpu.memory_space<hbm>> -> memref<10000x128xf32, #tpu.memory_space<hbm>>
      tpu.wait_indirect_dma semaphore(%arg39 : memref<!tpu.dma_semaphore, #tpu.memory_space<semaphore_mem>>) src(%dma_wait3A_194 : memref<10000x128xf32, #tpu.memory_space<hbm>>) dst(%arg26 : memref<64x128xf32, #tpu.memory_space<vmem>>)
      %dma_start3A_195 = arith.constant 0 : i32
      %dma_start3A_196 = arith.constant 0 : i32
      %dma_start3A_197 = tpu.memref_slice %arg27[%dma_start3A_195, %dma_start3A_196] : memref<10240x128xf32, #tpu.memory_space<vmem_shared>> -> memref<10240x128xf32, #tpu.memory_space<vmem_shared>>
      tpu.enqueue_indirect_dma source(%arg26 : memref<64x128xf32, #tpu.memory_space<vmem>>) target(%dma_start3A_197 : memref<10240x128xf32, #tpu.memory_space<vmem_shared>>) offsets(%arg18 : memref<64xi32, #tpu.memory_space<vmem>>) semaphore(%arg43 : memref<!tpu.dma_semaphore, #tpu.memory_space<semaphore_mem>>) {add = true}
      %dma_wait3A_198 = arith.constant 0 : i32
      %dma_wait3A_199 = arith.constant 0 : i32
      %dma_wait3A_200 = tpu.memref_slice %arg27[%dma_wait3A_198, %dma_wait3A_199] : memref<10240x128xf32, #tpu.memory_space<vmem_shared>> -> memref<10240x128xf32, #tpu.memory_space<vmem_shared>>
      tpu.wait_indirect_dma semaphore(%arg41 : memref<!tpu.dma_semaphore, #tpu.memory_space<semaphore_mem>>) src(%arg24 : memref<64x128xf32, #tpu.memory_space<vmem>>) dst(%dma_wait3A_200 : memref<10240x128xf32, #tpu.memory_space<vmem_shared>>)
      %lt3A_201 = arith.constant 19 : i32
      %lt3A_202 = arith.cmpi slt, %add3A_96, %lt3A_201 : i32
      %convert_element_type3A_203 = arith.extui %lt3A_202 : i1 to i32
      %cond3A_204 = arith.constant 0 : i32
      %cond3A_205 = arith.cmpi ne, %convert_element_type3A_203, %cond3A_204 : i32
      scf.if %cond3A_205 {
        %add3A_305 = arith.constant 3 : i32
        %add3A_306 = arith.addi %mul3A_98, %add3A_305 : i32
        %add3A_307 = arith.constant 6 : i32
        %add3A_308 = arith.addi %add3A_306, %add3A_307 : i32
        %mul3A_309 = arith.constant 64 : i32
        %mul3A_310 = arith.muli %add3A_308, %mul3A_309 : i32
        %add3A_311 = arith.addi %mul3A_8, %mul3A_310 : i32
        %dma_start3A_312 = tpu.memref_slice %arg3[%add3A_311] : memref<327680xi32, #tpu.memory_space<hbm>> -> memref<64xi32, #tpu.memory_space<hbm>>
        %dma_start3A_313 = tpu.memref_slice %arg3[%add3A_311] : memref<327680xi32, #tpu.memory_space<hbm>> -> memref<64xi32, #tpu.memory_space<hbm>>
        tpu.enqueue_dma source(%dma_start3A_313 : memref<64xi32, #tpu.memory_space<hbm>>) target(%arg8 : memref<64xi32, #tpu.memory_space<vmem>>) target_semaphore(%arg29 : memref<!tpu.dma_semaphore, #tpu.memory_space<semaphore_mem>>)
        %mul3A_314 = arith.constant 64 : i32
        %mul3A_315 = arith.muli %add3A_308, %mul3A_314 : i32
        %add3A_316 = arith.addi %mul3A_8, %mul3A_315 : i32
        %dma_start3A_317 = tpu.memref_slice %arg4[%add3A_316] : memref<327680xi32, #tpu.memory_space<hbm>> -> memref<64xi32, #tpu.memory_space<hbm>>
        %dma_start3A_318 = tpu.memref_slice %arg4[%add3A_316] : memref<327680xi32, #tpu.memory_space<hbm>> -> memref<64xi32, #tpu.memory_space<hbm>>
        tpu.enqueue_dma source(%dma_start3A_318 : memref<64xi32, #tpu.memory_space<hbm>>) target(%arg16 : memref<64xi32, #tpu.memory_space<vmem>>) target_semaphore(%arg29 : memref<!tpu.dma_semaphore, #tpu.memory_space<semaphore_mem>>)
      } else {
      }
      %dma_wait3A_206 = arith.constant 0 : i32
      %dma_wait3A_207 = tpu.memref_slice %arg3[%dma_wait3A_206] : memref<327680xi32, #tpu.memory_space<hbm>> -> memref<64xi32, #tpu.memory_space<hbm>>
      %dma_wait3A_208 = arith.constant 0 : i32
      %dma_wait3A_209 = tpu.memref_slice %arg3[%dma_wait3A_208] : memref<327680xi32, #tpu.memory_space<hbm>> -> memref<64xi32, #tpu.memory_space<hbm>>
      tpu.wait_dma2 semaphore(%arg33 : memref<!tpu.dma_semaphore, #tpu.memory_space<semaphore_mem>>) src(%dma_wait3A_209 : memref<64xi32, #tpu.memory_space<hbm>>) dst(%arg12 : memref<64xi32, #tpu.memory_space<vmem>>)
      %dma_wait3A_210 = arith.constant 0 : i32
      %dma_wait3A_211 = tpu.memref_slice %arg4[%dma_wait3A_210] : memref<327680xi32, #tpu.memory_space<hbm>> -> memref<64xi32, #tpu.memory_space<hbm>>
      %dma_wait3A_212 = arith.constant 0 : i32
      %dma_wait3A_213 = tpu.memref_slice %arg4[%dma_wait3A_212] : memref<327680xi32, #tpu.memory_space<hbm>> -> memref<64xi32, #tpu.memory_space<hbm>>
      tpu.wait_dma2 semaphore(%arg33 : memref<!tpu.dma_semaphore, #tpu.memory_space<semaphore_mem>>) src(%dma_wait3A_213 : memref<64xi32, #tpu.memory_space<hbm>>) dst(%arg20 : memref<64xi32, #tpu.memory_space<vmem>>)
      %dma_start3A_214 = arith.constant 0 : i32
      %dma_start3A_215 = arith.constant 0 : i32
      %dma_start3A_216 = tpu.memref_slice %arg2[%dma_start3A_214, %dma_start3A_215] : memref<10000x128xf32, #tpu.memory_space<hbm>> -> memref<10000x128xf32, #tpu.memory_space<hbm>>
      tpu.enqueue_indirect_dma source(%dma_start3A_216 : memref<10000x128xf32, #tpu.memory_space<hbm>>) target(%arg24 : memref<64x128xf32, #tpu.memory_space<vmem>>) offsets(%arg12 : memref<64xi32, #tpu.memory_space<vmem>>) semaphore(%arg37 : memref<!tpu.dma_semaphore, #tpu.memory_space<semaphore_mem>>)
      %dma_wait3A_217 = arith.constant 0 : i32
      %dma_wait3A_218 = arith.constant 0 : i32
      %dma_wait3A_219 = tpu.memref_slice %arg2[%dma_wait3A_217, %dma_wait3A_218] : memref<10000x128xf32, #tpu.memory_space<hbm>> -> memref<10000x128xf32, #tpu.memory_space<hbm>>
      tpu.wait_indirect_dma semaphore(%arg36 : memref<!tpu.dma_semaphore, #tpu.memory_space<semaphore_mem>>) src(%dma_wait3A_219 : memref<10000x128xf32, #tpu.memory_space<hbm>>) dst(%arg23 : memref<64x128xf32, #tpu.memory_space<vmem>>)
      %dma_start3A_220 = arith.constant 0 : i32
      %dma_start3A_221 = arith.constant 0 : i32
      %dma_start3A_222 = tpu.memref_slice %arg27[%dma_start3A_220, %dma_start3A_221] : memref<10240x128xf32, #tpu.memory_space<vmem_shared>> -> memref<10240x128xf32, #tpu.memory_space<vmem_shared>>
      tpu.enqueue_indirect_dma source(%arg23 : memref<64x128xf32, #tpu.memory_space<vmem>>) target(%dma_start3A_222 : memref<10240x128xf32, #tpu.memory_space<vmem_shared>>) offsets(%arg19 : memref<64xi32, #tpu.memory_space<vmem>>) semaphore(%arg40 : memref<!tpu.dma_semaphore, #tpu.memory_space<semaphore_mem>>) {add = true}
      %dma_wait3A_223 = arith.constant 0 : i32
      %dma_wait3A_224 = arith.constant 0 : i32
      %dma_wait3A_225 = tpu.memref_slice %arg27[%dma_wait3A_223, %dma_wait3A_224] : memref<10240x128xf32, #tpu.memory_space<vmem_shared>> -> memref<10240x128xf32, #tpu.memory_space<vmem_shared>>
      tpu.wait_indirect_dma semaphore(%arg42 : memref<!tpu.dma_semaphore, #tpu.memory_space<semaphore_mem>>) src(%arg25 : memref<64x128xf32, #tpu.memory_space<vmem>>) dst(%dma_wait3A_225 : memref<10240x128xf32, #tpu.memory_space<vmem_shared>>)
      %lt3A_226 = arith.constant 19 : i32
      %lt3A_227 = arith.cmpi slt, %add3A_96, %lt3A_226 : i32
      %convert_element_type3A_228 = arith.extui %lt3A_227 : i1 to i32
      %cond3A_229 = arith.constant 0 : i32
      %cond3A_230 = arith.cmpi ne, %convert_element_type3A_228, %cond3A_229 : i32
      scf.if %cond3A_230 {
        %add3A_305 = arith.constant 4 : i32
        %add3A_306 = arith.addi %mul3A_98, %add3A_305 : i32
        %add3A_307 = arith.constant 6 : i32
        %add3A_308 = arith.addi %add3A_306, %add3A_307 : i32
        %mul3A_309 = arith.constant 64 : i32
        %mul3A_310 = arith.muli %add3A_308, %mul3A_309 : i32
        %add3A_311 = arith.addi %mul3A_8, %mul3A_310 : i32
        %dma_start3A_312 = tpu.memref_slice %arg3[%add3A_311] : memref<327680xi32, #tpu.memory_space<hbm>> -> memref<64xi32, #tpu.memory_space<hbm>>
        %dma_start3A_313 = tpu.memref_slice %arg3[%add3A_311] : memref<327680xi32, #tpu.memory_space<hbm>> -> memref<64xi32, #tpu.memory_space<hbm>>
        tpu.enqueue_dma source(%dma_start3A_313 : memref<64xi32, #tpu.memory_space<hbm>>) target(%arg9 : memref<64xi32, #tpu.memory_space<vmem>>) target_semaphore(%arg30 : memref<!tpu.dma_semaphore, #tpu.memory_space<semaphore_mem>>)
        %mul3A_314 = arith.constant 64 : i32
        %mul3A_315 = arith.muli %add3A_308, %mul3A_314 : i32
        %add3A_316 = arith.addi %mul3A_8, %mul3A_315 : i32
        %dma_start3A_317 = tpu.memref_slice %arg4[%add3A_316] : memref<327680xi32, #tpu.memory_space<hbm>> -> memref<64xi32, #tpu.memory_space<hbm>>
        %dma_start3A_318 = tpu.memref_slice %arg4[%add3A_316] : memref<327680xi32, #tpu.memory_space<hbm>> -> memref<64xi32, #tpu.memory_space<hbm>>
        tpu.enqueue_dma source(%dma_start3A_318 : memref<64xi32, #tpu.memory_space<hbm>>) target(%arg17 : memref<64xi32, #tpu.memory_space<vmem>>) target_semaphore(%arg30 : memref<!tpu.dma_semaphore, #tpu.memory_space<semaphore_mem>>)
      } else {
      }
      %dma_wait3A_231 = arith.constant 0 : i32
      %dma_wait3A_232 = tpu.memref_slice %arg3[%dma_wait3A_231] : memref<327680xi32, #tpu.memory_space<hbm>> -> memref<64xi32, #tpu.memory_space<hbm>>
      %dma_wait3A_233 = arith.constant 0 : i32
      %dma_wait3A_234 = tpu.memref_slice %arg3[%dma_wait3A_233] : memref<327680xi32, #tpu.memory_space<hbm>> -> memref<64xi32, #tpu.memory_space<hbm>>
      tpu.wait_dma2 semaphore(%arg34 : memref<!tpu.dma_semaphore, #tpu.memory_space<semaphore_mem>>) src(%dma_wait3A_234 : memref<64xi32, #tpu.memory_space<hbm>>) dst(%arg13 : memref<64xi32, #tpu.memory_space<vmem>>)
      %dma_wait3A_235 = arith.constant 0 : i32
      %dma_wait3A_236 = tpu.memref_slice %arg4[%dma_wait3A_235] : memref<327680xi32, #tpu.memory_space<hbm>> -> memref<64xi32, #tpu.memory_space<hbm>>
      %dma_wait3A_237 = arith.constant 0 : i32
      %dma_wait3A_238 = tpu.memref_slice %arg4[%dma_wait3A_237] : memref<327680xi32, #tpu.memory_space<hbm>> -> memref<64xi32, #tpu.memory_space<hbm>>
      tpu.wait_dma2 semaphore(%arg34 : memref<!tpu.dma_semaphore, #tpu.memory_space<semaphore_mem>>) src(%dma_wait3A_238 : memref<64xi32, #tpu.memory_space<hbm>>) dst(%arg21 : memref<64xi32, #tpu.memory_space<vmem>>)
      %dma_start3A_239 = arith.constant 0 : i32
      %dma_start3A_240 = arith.constant 0 : i32
      %dma_start3A_241 = tpu.memref_slice %arg2[%dma_start3A_239, %dma_start3A_240] : memref<10000x128xf32, #tpu.memory_space<hbm>> -> memref<10000x128xf32, #tpu.memory_space<hbm>>
      tpu.enqueue_indirect_dma source(%dma_start3A_241 : memref<10000x128xf32, #tpu.memory_space<hbm>>) target(%arg25 : memref<64x128xf32, #tpu.memory_space<vmem>>) offsets(%arg13 : memref<64xi32, #tpu.memory_space<vmem>>) semaphore(%arg38 : memref<!tpu.dma_semaphore, #tpu.memory_space<semaphore_mem>>)
      %dma_wait3A_242 = arith.constant 0 : i32
      %dma_wait3A_243 = arith.constant 0 : i32
      %dma_wait3A_244 = tpu.memref_slice %arg2[%dma_wait3A_242, %dma_wait3A_243] : memref<10000x128xf32, #tpu.memory_space<hbm>> -> memref<10000x128xf32, #tpu.memory_space<hbm>>
      tpu.wait_indirect_dma semaphore(%arg37 : memref<!tpu.dma_semaphore, #tpu.memory_space<semaphore_mem>>) src(%dma_wait3A_244 : memref<10000x128xf32, #tpu.memory_space<hbm>>) dst(%arg24 : memref<64x128xf32, #tpu.memory_space<vmem>>)
      %dma_start3A_245 = arith.constant 0 : i32
      %dma_start3A_246 = arith.constant 0 : i32
      %dma_start3A_247 = tpu.memref_slice %arg27[%dma_start3A_245, %dma_start3A_246] : memref<10240x128xf32, #tpu.memory_space<vmem_shared>> -> memref<10240x128xf32, #tpu.memory_space<vmem_shared>>
      tpu.enqueue_indirect_dma source(%arg24 : memref<64x128xf32, #tpu.memory_space<vmem>>) target(%dma_start3A_247 : memref<10240x128xf32, #tpu.memory_space<vmem_shared>>) offsets(%arg20 : memref<64xi32, #tpu.memory_space<vmem>>) semaphore(%arg41 : memref<!tpu.dma_semaphore, #tpu.memory_space<semaphore_mem>>) {add = true}
      %dma_wait3A_248 = arith.constant 0 : i32
      %dma_wait3A_249 = arith.constant 0 : i32
      %dma_wait3A_250 = tpu.memref_slice %arg27[%dma_wait3A_248, %dma_wait3A_249] : memref<10240x128xf32, #tpu.memory_space<vmem_shared>> -> memref<10240x128xf32, #tpu.memory_space<vmem_shared>>
      tpu.wait_indirect_dma semaphore(%arg43 : memref<!tpu.dma_semaphore, #tpu.memory_space<semaphore_mem>>) src(%arg26 : memref<64x128xf32, #tpu.memory_space<vmem>>) dst(%dma_wait3A_250 : memref<10240x128xf32, #tpu.memory_space<vmem_shared>>)
      %lt3A_251 = arith.constant 19 : i32
      %lt3A_252 = arith.cmpi slt, %add3A_96, %lt3A_251 : i32
      %convert_element_type3A_253 = arith.extui %lt3A_252 : i1 to i32
      %cond3A_254 = arith.constant 0 : i32
      %cond3A_255 = arith.cmpi ne, %convert_element_type3A_253, %cond3A_254 : i32
      scf.if %cond3A_255 {
        %add3A_305 = arith.constant 5 : i32
        %add3A_306 = arith.addi %mul3A_98, %add3A_305 : i32
        %add3A_307 = arith.constant 6 : i32
        %add3A_308 = arith.addi %add3A_306, %add3A_307 : i32
        %mul3A_309 = arith.constant 64 : i32
        %mul3A_310 = arith.muli %add3A_308, %mul3A_309 : i32
        %add3A_311 = arith.addi %mul3A_8, %mul3A_310 : i32
        %dma_start3A_312 = tpu.memref_slice %arg3[%add3A_311] : memref<327680xi32, #tpu.memory_space<hbm>> -> memref<64xi32, #tpu.memory_space<hbm>>
        %dma_start3A_313 = tpu.memref_slice %arg3[%add3A_311] : memref<327680xi32, #tpu.memory_space<hbm>> -> memref<64xi32, #tpu.memory_space<hbm>>
        tpu.enqueue_dma source(%dma_start3A_313 : memref<64xi32, #tpu.memory_space<hbm>>) target(%arg10 : memref<64xi32, #tpu.memory_space<vmem>>) target_semaphore(%arg31 : memref<!tpu.dma_semaphore, #tpu.memory_space<semaphore_mem>>)
        %mul3A_314 = arith.constant 64 : i32
        %mul3A_315 = arith.muli %add3A_308, %mul3A_314 : i32
        %add3A_316 = arith.addi %mul3A_8, %mul3A_315 : i32
        %dma_start3A_317 = tpu.memref_slice %arg4[%add3A_316] : memref<327680xi32, #tpu.memory_space<hbm>> -> memref<64xi32, #tpu.memory_space<hbm>>
        %dma_start3A_318 = tpu.memref_slice %arg4[%add3A_316] : memref<327680xi32, #tpu.memory_space<hbm>> -> memref<64xi32, #tpu.memory_space<hbm>>
        tpu.enqueue_dma source(%dma_start3A_318 : memref<64xi32, #tpu.memory_space<hbm>>) target(%arg18 : memref<64xi32, #tpu.memory_space<vmem>>) target_semaphore(%arg31 : memref<!tpu.dma_semaphore, #tpu.memory_space<semaphore_mem>>)
      } else {
      }
      %dma_wait3A_256 = arith.constant 0 : i32
      %dma_wait3A_257 = tpu.memref_slice %arg3[%dma_wait3A_256] : memref<327680xi32, #tpu.memory_space<hbm>> -> memref<64xi32, #tpu.memory_space<hbm>>
      %dma_wait3A_258 = arith.constant 0 : i32
      %dma_wait3A_259 = tpu.memref_slice %arg3[%dma_wait3A_258] : memref<327680xi32, #tpu.memory_space<hbm>> -> memref<64xi32, #tpu.memory_space<hbm>>
      tpu.wait_dma2 semaphore(%arg35 : memref<!tpu.dma_semaphore, #tpu.memory_space<semaphore_mem>>) src(%dma_wait3A_259 : memref<64xi32, #tpu.memory_space<hbm>>) dst(%arg14 : memref<64xi32, #tpu.memory_space<vmem>>)
      %dma_wait3A_260 = arith.constant 0 : i32
      %dma_wait3A_261 = tpu.memref_slice %arg4[%dma_wait3A_260] : memref<327680xi32, #tpu.memory_space<hbm>> -> memref<64xi32, #tpu.memory_space<hbm>>
      %dma_wait3A_262 = arith.constant 0 : i32
      %dma_wait3A_263 = tpu.memref_slice %arg4[%dma_wait3A_262] : memref<327680xi32, #tpu.memory_space<hbm>> -> memref<64xi32, #tpu.memory_space<hbm>>
      tpu.wait_dma2 semaphore(%arg35 : memref<!tpu.dma_semaphore, #tpu.memory_space<semaphore_mem>>) src(%dma_wait3A_263 : memref<64xi32, #tpu.memory_space<hbm>>) dst(%arg22 : memref<64xi32, #tpu.memory_space<vmem>>)
      %dma_start3A_264 = arith.constant 0 : i32
      %dma_start3A_265 = arith.constant 0 : i32
      %dma_start3A_266 = tpu.memref_slice %arg2[%dma_start3A_264, %dma_start3A_265] : memref<10000x128xf32, #tpu.memory_space<hbm>> -> memref<10000x128xf32, #tpu.memory_space<hbm>>
      tpu.enqueue_indirect_dma source(%dma_start3A_266 : memref<10000x128xf32, #tpu.memory_space<hbm>>) target(%arg26 : memref<64x128xf32, #tpu.memory_space<vmem>>) offsets(%arg14 : memref<64xi32, #tpu.memory_space<vmem>>) semaphore(%arg39 : memref<!tpu.dma_semaphore, #tpu.memory_space<semaphore_mem>>)
      %dma_wait3A_267 = arith.constant 0 : i32
      %dma_wait3A_268 = arith.constant 0 : i32
      %dma_wait3A_269 = tpu.memref_slice %arg2[%dma_wait3A_267, %dma_wait3A_268] : memref<10000x128xf32, #tpu.memory_space<hbm>> -> memref<10000x128xf32, #tpu.memory_space<hbm>>
      tpu.wait_indirect_dma semaphore(%arg38 : memref<!tpu.dma_semaphore, #tpu.memory_space<semaphore_mem>>) src(%dma_wait3A_269 : memref<10000x128xf32, #tpu.memory_space<hbm>>) dst(%arg25 : memref<64x128xf32, #tpu.memory_space<vmem>>)
      %dma_start3A_270 = arith.constant 0 : i32
      %dma_start3A_271 = arith.constant 0 : i32
      %dma_start3A_272 = tpu.memref_slice %arg27[%dma_start3A_270, %dma_start3A_271] : memref<10240x128xf32, #tpu.memory_space<vmem_shared>> -> memref<10240x128xf32, #tpu.memory_space<vmem_shared>>
      tpu.enqueue_indirect_dma source(%arg25 : memref<64x128xf32, #tpu.memory_space<vmem>>) target(%dma_start3A_272 : memref<10240x128xf32, #tpu.memory_space<vmem_shared>>) offsets(%arg21 : memref<64xi32, #tpu.memory_space<vmem>>) semaphore(%arg42 : memref<!tpu.dma_semaphore, #tpu.memory_space<semaphore_mem>>) {add = true}
      %dma_wait3A_273 = arith.constant 0 : i32
      %dma_wait3A_274 = arith.constant 0 : i32
      %dma_wait3A_275 = tpu.memref_slice %arg27[%dma_wait3A_273, %dma_wait3A_274] : memref<10240x128xf32, #tpu.memory_space<vmem_shared>> -> memref<10240x128xf32, #tpu.memory_space<vmem_shared>>
      tpu.wait_indirect_dma semaphore(%arg40 : memref<!tpu.dma_semaphore, #tpu.memory_space<semaphore_mem>>) src(%arg23 : memref<64x128xf32, #tpu.memory_space<vmem>>) dst(%dma_wait3A_275 : memref<10240x128xf32, #tpu.memory_space<vmem_shared>>)
      %lt3A_276 = arith.constant 19 : i32
      %lt3A_277 = arith.cmpi slt, %add3A_96, %lt3A_276 : i32
      %convert_element_type3A_278 = arith.extui %lt3A_277 : i1 to i32
      %cond3A_279 = arith.constant 0 : i32
      %cond3A_280 = arith.cmpi ne, %convert_element_type3A_278, %cond3A_279 : i32
      scf.if %cond3A_280 {
        %add3A_305 = arith.constant 6 : i32
        %add3A_306 = arith.addi %mul3A_98, %add3A_305 : i32
        %add3A_307 = arith.constant 6 : i32
        %add3A_308 = arith.addi %add3A_306, %add3A_307 : i32
        %mul3A_309 = arith.constant 64 : i32
        %mul3A_310 = arith.muli %add3A_308, %mul3A_309 : i32
        %add3A_311 = arith.addi %mul3A_8, %mul3A_310 : i32
        %dma_start3A_312 = tpu.memref_slice %arg3[%add3A_311] : memref<327680xi32, #tpu.memory_space<hbm>> -> memref<64xi32, #tpu.memory_space<hbm>>
        %dma_start3A_313 = tpu.memref_slice %arg3[%add3A_311] : memref<327680xi32, #tpu.memory_space<hbm>> -> memref<64xi32, #tpu.memory_space<hbm>>
        tpu.enqueue_dma source(%dma_start3A_313 : memref<64xi32, #tpu.memory_space<hbm>>) target(%arg11 : memref<64xi32, #tpu.memory_space<vmem>>) target_semaphore(%arg32 : memref<!tpu.dma_semaphore, #tpu.memory_space<semaphore_mem>>)
        %mul3A_314 = arith.constant 64 : i32
        %mul3A_315 = arith.muli %add3A_308, %mul3A_314 : i32
        %add3A_316 = arith.addi %mul3A_8, %mul3A_315 : i32
        %dma_start3A_317 = tpu.memref_slice %arg4[%add3A_316] : memref<327680xi32, #tpu.memory_space<hbm>> -> memref<64xi32, #tpu.memory_space<hbm>>
        %dma_start3A_318 = tpu.memref_slice %arg4[%add3A_316] : memref<327680xi32, #tpu.memory_space<hbm>> -> memref<64xi32, #tpu.memory_space<hbm>>
        tpu.enqueue_dma source(%dma_start3A_318 : memref<64xi32, #tpu.memory_space<hbm>>) target(%arg19 : memref<64xi32, #tpu.memory_space<vmem>>) target_semaphore(%arg32 : memref<!tpu.dma_semaphore, #tpu.memory_space<semaphore_mem>>)
      } else {
      }
      %lt3A_281 = arith.constant 19 : i32
      %lt3A_282 = arith.cmpi slt, %add3A_96, %lt3A_281 : i32
      %convert_element_type3A_283 = arith.extui %lt3A_282 : i1 to i32
      %cond3A_284 = arith.constant 0 : i32
      %cond3A_285 = arith.cmpi ne, %convert_element_type3A_283, %cond3A_284 : i32
      scf.if %cond3A_285 {
        %dma_wait3A_305 = arith.constant 0 : i32
        %dma_wait3A_306 = tpu.memref_slice %arg3[%dma_wait3A_305] : memref<327680xi32, #tpu.memory_space<hbm>> -> memref<64xi32, #tpu.memory_space<hbm>>
        %dma_wait3A_307 = arith.constant 0 : i32
        %dma_wait3A_308 = tpu.memref_slice %arg3[%dma_wait3A_307] : memref<327680xi32, #tpu.memory_space<hbm>> -> memref<64xi32, #tpu.memory_space<hbm>>
        tpu.wait_dma2 semaphore(%arg28 : memref<!tpu.dma_semaphore, #tpu.memory_space<semaphore_mem>>) src(%dma_wait3A_308 : memref<64xi32, #tpu.memory_space<hbm>>) dst(%arg7 : memref<64xi32, #tpu.memory_space<vmem>>)
        %dma_wait3A_309 = arith.constant 0 : i32
        %dma_wait3A_310 = tpu.memref_slice %arg4[%dma_wait3A_309] : memref<327680xi32, #tpu.memory_space<hbm>> -> memref<64xi32, #tpu.memory_space<hbm>>
        %dma_wait3A_311 = arith.constant 0 : i32
        %dma_wait3A_312 = tpu.memref_slice %arg4[%dma_wait3A_311] : memref<327680xi32, #tpu.memory_space<hbm>> -> memref<64xi32, #tpu.memory_space<hbm>>
        tpu.wait_dma2 semaphore(%arg28 : memref<!tpu.dma_semaphore, #tpu.memory_space<semaphore_mem>>) src(%dma_wait3A_312 : memref<64xi32, #tpu.memory_space<hbm>>) dst(%arg15 : memref<64xi32, #tpu.memory_space<vmem>>)
        %dma_start3A_313 = arith.constant 0 : i32
        %dma_start3A_314 = arith.constant 0 : i32
        %dma_start3A_315 = tpu.memref_slice %arg2[%dma_start3A_313, %dma_start3A_314] : memref<10000x128xf32, #tpu.memory_space<hbm>> -> memref<10000x128xf32, #tpu.memory_space<hbm>>
        tpu.enqueue_indirect_dma source(%dma_start3A_315 : memref<10000x128xf32, #tpu.memory_space<hbm>>) target(%arg23 : memref<64x128xf32, #tpu.memory_space<vmem>>) offsets(%arg7 : memref<64xi32, #tpu.memory_space<vmem>>) semaphore(%arg36 : memref<!tpu.dma_semaphore, #tpu.memory_space<semaphore_mem>>)
      } else {
      }
      %dma_wait3A_286 = arith.constant 0 : i32
      %dma_wait3A_287 = arith.constant 0 : i32
      %dma_wait3A_288 = tpu.memref_slice %arg2[%dma_wait3A_286, %dma_wait3A_287] : memref<10000x128xf32, #tpu.memory_space<hbm>> -> memref<10000x128xf32, #tpu.memory_space<hbm>>
      tpu.wait_indirect_dma semaphore(%arg39 : memref<!tpu.dma_semaphore, #tpu.memory_space<semaphore_mem>>) src(%dma_wait3A_288 : memref<10000x128xf32, #tpu.memory_space<hbm>>) dst(%arg26 : memref<64x128xf32, #tpu.memory_space<vmem>>)
      %dma_start3A_289 = arith.constant 0 : i32
      %dma_start3A_290 = arith.constant 0 : i32
      %dma_start3A_291 = tpu.memref_slice %arg27[%dma_start3A_289, %dma_start3A_290] : memref<10240x128xf32, #tpu.memory_space<vmem_shared>> -> memref<10240x128xf32, #tpu.memory_space<vmem_shared>>
      tpu.enqueue_indirect_dma source(%arg26 : memref<64x128xf32, #tpu.memory_space<vmem>>) target(%dma_start3A_291 : memref<10240x128xf32, #tpu.memory_space<vmem_shared>>) offsets(%arg22 : memref<64xi32, #tpu.memory_space<vmem>>) semaphore(%arg43 : memref<!tpu.dma_semaphore, #tpu.memory_space<semaphore_mem>>) {add = true}
      %dma_wait3A_292 = arith.constant 0 : i32
      %dma_wait3A_293 = arith.constant 0 : i32
      %dma_wait3A_294 = tpu.memref_slice %arg27[%dma_wait3A_292, %dma_wait3A_293] : memref<10240x128xf32, #tpu.memory_space<vmem_shared>> -> memref<10240x128xf32, #tpu.memory_space<vmem_shared>>
      tpu.wait_indirect_dma semaphore(%arg41 : memref<!tpu.dma_semaphore, #tpu.memory_space<semaphore_mem>>) src(%arg24 : memref<64x128xf32, #tpu.memory_space<vmem>>) dst(%dma_wait3A_294 : memref<10240x128xf32, #tpu.memory_space<vmem_shared>>)
      %lt3A_295 = arith.constant 19 : i32
      %lt3A_296 = arith.cmpi slt, %add3A_96, %lt3A_295 : i32
      %convert_element_type3A_297 = arith.extui %lt3A_296 : i1 to i32
      %cond3A_298 = arith.constant 0 : i32
      %cond3A_299 = arith.cmpi ne, %convert_element_type3A_297, %cond3A_298 : i32
      scf.if %cond3A_299 {
        %add3A_305 = arith.constant 7 : i32
        %add3A_306 = arith.addi %mul3A_98, %add3A_305 : i32
        %add3A_307 = arith.constant 6 : i32
        %add3A_308 = arith.addi %add3A_306, %add3A_307 : i32
        %mul3A_309 = arith.constant 64 : i32
        %mul3A_310 = arith.muli %add3A_308, %mul3A_309 : i32
        %add3A_311 = arith.addi %mul3A_8, %mul3A_310 : i32
        %dma_start3A_312 = tpu.memref_slice %arg3[%add3A_311] : memref<327680xi32, #tpu.memory_space<hbm>> -> memref<64xi32, #tpu.memory_space<hbm>>
        %dma_start3A_313 = tpu.memref_slice %arg3[%add3A_311] : memref<327680xi32, #tpu.memory_space<hbm>> -> memref<64xi32, #tpu.memory_space<hbm>>
        tpu.enqueue_dma source(%dma_start3A_313 : memref<64xi32, #tpu.memory_space<hbm>>) target(%arg12 : memref<64xi32, #tpu.memory_space<vmem>>) target_semaphore(%arg33 : memref<!tpu.dma_semaphore, #tpu.memory_space<semaphore_mem>>)
        %mul3A_314 = arith.constant 64 : i32
        %mul3A_315 = arith.muli %add3A_308, %mul3A_314 : i32
        %add3A_316 = arith.addi %mul3A_8, %mul3A_315 : i32
        %dma_start3A_317 = tpu.memref_slice %arg4[%add3A_316] : memref<327680xi32, #tpu.memory_space<hbm>> -> memref<64xi32, #tpu.memory_space<hbm>>
        %dma_start3A_318 = tpu.memref_slice %arg4[%add3A_316] : memref<327680xi32, #tpu.memory_space<hbm>> -> memref<64xi32, #tpu.memory_space<hbm>>
        tpu.enqueue_dma source(%dma_start3A_318 : memref<64xi32, #tpu.memory_space<hbm>>) target(%arg20 : memref<64xi32, #tpu.memory_space<vmem>>) target_semaphore(%arg33 : memref<!tpu.dma_semaphore, #tpu.memory_space<semaphore_mem>>)
      } else {
      }
      %lt3A_300 = arith.constant 19 : i32
      %lt3A_301 = arith.cmpi slt, %add3A_96, %lt3A_300 : i32
      %convert_element_type3A_302 = arith.extui %lt3A_301 : i1 to i32
      %cond3A_303 = arith.constant 0 : i32
      %cond3A_304 = arith.cmpi ne, %convert_element_type3A_302, %cond3A_303 : i32
      scf.if %cond3A_304 {
        %dma_wait3A_305 = arith.constant 0 : i32
        %dma_wait3A_306 = tpu.memref_slice %arg3[%dma_wait3A_305] : memref<327680xi32, #tpu.memory_space<hbm>> -> memref<64xi32, #tpu.memory_space<hbm>>
        %dma_wait3A_307 = arith.constant 0 : i32
        %dma_wait3A_308 = tpu.memref_slice %arg3[%dma_wait3A_307] : memref<327680xi32, #tpu.memory_space<hbm>> -> memref<64xi32, #tpu.memory_space<hbm>>
        tpu.wait_dma2 semaphore(%arg29 : memref<!tpu.dma_semaphore, #tpu.memory_space<semaphore_mem>>) src(%dma_wait3A_308 : memref<64xi32, #tpu.memory_space<hbm>>) dst(%arg8 : memref<64xi32, #tpu.memory_space<vmem>>)
        %dma_wait3A_309 = arith.constant 0 : i32
        %dma_wait3A_310 = tpu.memref_slice %arg4[%dma_wait3A_309] : memref<327680xi32, #tpu.memory_space<hbm>> -> memref<64xi32, #tpu.memory_space<hbm>>
        %dma_wait3A_311 = arith.constant 0 : i32
        %dma_wait3A_312 = tpu.memref_slice %arg4[%dma_wait3A_311] : memref<327680xi32, #tpu.memory_space<hbm>> -> memref<64xi32, #tpu.memory_space<hbm>>
        tpu.wait_dma2 semaphore(%arg29 : memref<!tpu.dma_semaphore, #tpu.memory_space<semaphore_mem>>) src(%dma_wait3A_312 : memref<64xi32, #tpu.memory_space<hbm>>) dst(%arg16 : memref<64xi32, #tpu.memory_space<vmem>>)
        %dma_start3A_313 = arith.constant 0 : i32
        %dma_start3A_314 = arith.constant 0 : i32
        %dma_start3A_315 = tpu.memref_slice %arg2[%dma_start3A_313, %dma_start3A_314] : memref<10000x128xf32, #tpu.memory_space<hbm>> -> memref<10000x128xf32, #tpu.memory_space<hbm>>
        tpu.enqueue_indirect_dma source(%dma_start3A_315 : memref<10000x128xf32, #tpu.memory_space<hbm>>) target(%arg24 : memref<64x128xf32, #tpu.memory_space<vmem>>) offsets(%arg8 : memref<64xi32, #tpu.memory_space<vmem>>) semaphore(%arg37 : memref<!tpu.dma_semaphore, #tpu.memory_space<semaphore_mem>>)
      } else {
      }
    }
    %scan3A_80 = arith.constant 20 : i32
    %dma_wait3A_81 = arith.constant 0 : i32
    %dma_wait3A_82 = arith.constant 0 : i32
    %dma_wait3A_83 = tpu.memref_slice %arg27[%dma_wait3A_81, %dma_wait3A_82] : memref<10240x128xf32, #tpu.memory_space<vmem_shared>> -> memref<10240x128xf32, #tpu.memory_space<vmem_shared>>
    tpu.wait_indirect_dma semaphore(%arg42 : memref<!tpu.dma_semaphore, #tpu.memory_space<semaphore_mem>>) src(%arg25 : memref<64x128xf32, #tpu.memory_space<vmem>>) dst(%dma_wait3A_83 : memref<10240x128xf32, #tpu.memory_space<vmem_shared>>)
    %dma_wait3A_84 = arith.constant 0 : i32
    %dma_wait3A_85 = arith.constant 0 : i32
    %dma_wait3A_86 = tpu.memref_slice %arg27[%dma_wait3A_84, %dma_wait3A_85] : memref<10240x128xf32, #tpu.memory_space<vmem_shared>> -> memref<10240x128xf32, #tpu.memory_space<vmem_shared>>
    tpu.wait_indirect_dma semaphore(%arg43 : memref<!tpu.dma_semaphore, #tpu.memory_space<semaphore_mem>>) src(%arg26 : memref<64x128xf32, #tpu.memory_space<vmem>>) dst(%dma_wait3A_86 : memref<10240x128xf32, #tpu.memory_space<vmem_shared>>)
    %barrier3A_87 = arith.constant 0 : index
    tpu.barrier barrier_id(%barrier3A_87)
    %mul3A_88 = arith.constant 640 : i32
    %mul3A_89 = arith.muli %arg1, %mul3A_88 : i32
    %mul3A_90 = arith.constant 640 : i32
    %mul3A_91 = arith.muli %arg1, %mul3A_90 : i32
    "tpu.region"() ({
      %run_scoped3A = tpu.sem_alloc : memref<!tpu.dma_semaphore, #tpu.memory_space<semaphore_mem>>
      %dma_start3A_92 = arith.constant 0 : i32
      %dma_start3A_93 = tpu.memref_slice %arg6[%arg0, %mul3A_91, %dma_start3A_92] : memref<2x10240x128xf32, #tpu.memory_space<hbm>> -> memref<1x640x128xf32, #tpu.memory_space<hbm>>
      %dma_start3A_94 = tpu.memref_squeeze %dma_start3A_93 : memref<1x640x128xf32, #tpu.memory_space<hbm>> -> memref<640x128xf32, #tpu.memory_space<hbm>>
      %dma_start3A_95 = arith.constant 0 : i32
      %dma_start3A_96 = tpu.memref_slice %arg27[%mul3A_89, %dma_start3A_95] : memref<10240x128xf32, #tpu.memory_space<vmem_shared>> -> memref<640x128xf32, #tpu.memory_space<vmem_shared>>
      tpu.enqueue_dma source(%dma_start3A_96 : memref<640x128xf32, #tpu.memory_space<vmem_shared>>) target(%dma_start3A_94 : memref<640x128xf32, #tpu.memory_space<hbm>>) target_semaphore(%run_scoped3A : memref<!tpu.dma_semaphore, #tpu.memory_space<semaphore_mem>>)
      %dma_wait3A_97 = arith.constant 0 : i32
      %dma_wait3A_98 = tpu.memref_slice %arg6[%arg0, %mul3A_91, %dma_wait3A_97] : memref<2x10240x128xf32, #tpu.memory_space<hbm>> -> memref<1x640x128xf32, #tpu.memory_space<hbm>>
      %dma_wait3A_99 = tpu.memref_squeeze %dma_wait3A_98 : memref<1x640x128xf32, #tpu.memory_space<hbm>> -> memref<640x128xf32, #tpu.memory_space<hbm>>
      %dma_wait3A_100 = arith.constant 0 : i32
      %dma_wait3A_101 = tpu.memref_slice %arg27[%mul3A_89, %dma_wait3A_100] : memref<10240x128xf32, #tpu.memory_space<vmem_shared>> -> memref<640x128xf32, #tpu.memory_space<vmem_shared>>
      tpu.wait_dma2 semaphore(%run_scoped3A : memref<!tpu.dma_semaphore, #tpu.memory_space<semaphore_mem>>) src(%dma_wait3A_101 : memref<640x128xf32, #tpu.memory_space<vmem_shared>>) dst(%dma_wait3A_99 : memref<640x128xf32, #tpu.memory_space<hbm>>)
      tpu.yield
    }) : () -> ()
    return
  }
}

#map = affine_map<(d0, d1) -> (0)>
#map1 = affine_map<(d0, d1) -> (0, 0)>
#map2 = affine_map<(d0, d1) -> (0, 0, 0)>
module attributes {stable_mosaic.version = 14 : i64} {
  func.func @deg_kernel(%arg0: i32, %arg1: i32, %arg2: memref<327680xi32, #tpu.memory_space<hbm>>, %arg3: memref<10240x128xf32, #tpu.memory_space<hbm>>, %arg4: memref<128x128xf32, #tpu.memory_space<hbm>>, %arg5: memref<2x10240x128xf32, #tpu.memory_space<hbm>>, %arg6: memref<128xi32, #tpu.memory_space<vmem>>, %arg7: memref<128xi32, #tpu.memory_space<vmem>>, %arg8: memref<128xi32, #tpu.memory_space<vmem>>, %arg9: memref<128xi32, #tpu.memory_space<vmem>>, %arg10: memref<128xi32, #tpu.memory_space<vmem>>, %arg11: memref<128xi32, #tpu.memory_space<vmem>>, %arg12: memref<128xi32, #tpu.memory_space<vmem>>, %arg13: memref<128xi32, #tpu.memory_space<vmem>>, %arg14: memref<128x128xf32, #tpu.memory_space<vmem>>, %arg15: memref<10240x128xf32, #tpu.memory_space<vmem_shared>>, %arg16: memref<!tpu.dma_semaphore, #tpu.memory_space<semaphore_mem>>, %arg17: memref<!tpu.dma_semaphore, #tpu.memory_space<semaphore_mem>>, %arg18: memref<!tpu.dma_semaphore, #tpu.memory_space<semaphore_mem>>, %arg19: memref<!tpu.dma_semaphore, #tpu.memory_space<semaphore_mem>>, %arg20: memref<!tpu.dma_semaphore, #tpu.memory_space<semaphore_mem>>, %arg21: memref<!tpu.dma_semaphore, #tpu.memory_space<semaphore_mem>>, %arg22: memref<!tpu.dma_semaphore, #tpu.memory_space<semaphore_mem>>, %arg23: memref<!tpu.dma_semaphore, #tpu.memory_space<semaphore_mem>>, %arg24: memref<!tpu.dma_semaphore, #tpu.memory_space<semaphore_mem>>, %arg25: memref<!tpu.dma_semaphore, #tpu.memory_space<semaphore_mem>>, %arg26: memref<!tpu.dma_semaphore, #tpu.memory_space<semaphore_mem>>, %arg27: memref<!tpu.dma_semaphore, #tpu.memory_space<semaphore_mem>>, %arg28: memref<!tpu.dma_semaphore, #tpu.memory_space<semaphore_mem>>, %arg29: memref<!tpu.dma_semaphore, #tpu.memory_space<semaphore_mem>>, %arg30: memref<!tpu.dma_semaphore, #tpu.memory_space<semaphore_mem>>, %arg31: memref<!tpu.dma_semaphore, #tpu.memory_space<semaphore_mem>>) attributes {dimension_semantics = [#tpu.dimension_semantics<core_parallel>, #tpu.dimension_semantics<subcore_parallel>], iteration_bounds = array<i64: 2, 16>, scalar_prefetch = 0 : i64, scratch_operands = 26 : i64, tpu.core_type = #tpu.core_type<sc_vector_subcore>, window_params = [{transform_indices = #map}, {transform_indices = #map1}, {transform_indices = #map1}, {transform_indices = #map2}]} {
    "tpu.region"() ({
      %run_scoped3A = tpu.sem_alloc : memref<!tpu.dma_semaphore, #tpu.memory_space<semaphore_mem>>
      tpu.enqueue_dma source(%arg4 : memref<128x128xf32, #tpu.memory_space<hbm>>) target(%arg14 : memref<128x128xf32, #tpu.memory_space<vmem>>) target_semaphore(%run_scoped3A : memref<!tpu.dma_semaphore, #tpu.memory_space<semaphore_mem>>)
      tpu.wait_dma2 semaphore(%run_scoped3A : memref<!tpu.dma_semaphore, #tpu.memory_space<semaphore_mem>>) src(%arg4 : memref<128x128xf32, #tpu.memory_space<hbm>>) dst(%arg14 : memref<128x128xf32, #tpu.memory_space<vmem>>)
      tpu.yield
    }) : () -> ()
    %mul3A = arith.constant 640 : i32
    %mul3A_0 = arith.muli %arg1, %mul3A : i32
    %mul3A_1 = arith.constant 640 : i32
    %mul3A_2 = arith.muli %arg1, %mul3A_1 : i32
    "tpu.region"() ({
      %run_scoped3A = tpu.sem_alloc : memref<!tpu.dma_semaphore, #tpu.memory_space<semaphore_mem>>
      %dma_start3A_44 = arith.constant 0 : i32
      %dma_start3A_45 = tpu.memref_slice %arg15[%mul3A_2, %dma_start3A_44] : memref<10240x128xf32, #tpu.memory_space<vmem_shared>> -> memref<640x128xf32, #tpu.memory_space<vmem_shared>>
      %dma_start3A_46 = arith.constant 0 : i32
      %dma_start3A_47 = tpu.memref_slice %arg3[%mul3A_0, %dma_start3A_46] : memref<10240x128xf32, #tpu.memory_space<hbm>> -> memref<640x128xf32, #tpu.memory_space<hbm>>
      tpu.enqueue_dma source(%dma_start3A_47 : memref<640x128xf32, #tpu.memory_space<hbm>>) target(%dma_start3A_45 : memref<640x128xf32, #tpu.memory_space<vmem_shared>>) target_semaphore(%run_scoped3A : memref<!tpu.dma_semaphore, #tpu.memory_space<semaphore_mem>>)
      %dma_wait3A_48 = arith.constant 0 : i32
      %dma_wait3A_49 = tpu.memref_slice %arg15[%mul3A_2, %dma_wait3A_48] : memref<10240x128xf32, #tpu.memory_space<vmem_shared>> -> memref<640x128xf32, #tpu.memory_space<vmem_shared>>
      %dma_wait3A_50 = arith.constant 0 : i32
      %dma_wait3A_51 = tpu.memref_slice %arg3[%mul3A_0, %dma_wait3A_50] : memref<10240x128xf32, #tpu.memory_space<hbm>> -> memref<640x128xf32, #tpu.memory_space<hbm>>
      tpu.wait_dma2 semaphore(%run_scoped3A : memref<!tpu.dma_semaphore, #tpu.memory_space<semaphore_mem>>) src(%dma_wait3A_51 : memref<640x128xf32, #tpu.memory_space<hbm>>) dst(%dma_wait3A_49 : memref<640x128xf32, #tpu.memory_space<vmem_shared>>)
      tpu.yield
    }) : () -> ()
    %barrier3A = arith.constant 0 : index
    tpu.barrier barrier_id(%barrier3A)
    %mul3A_3 = arith.constant 1280 : i32
    %mul3A_4 = arith.muli %arg0, %mul3A_3 : i32
    %mul3A_5 = arith.constant 80 : i32
    %mul3A_6 = arith.muli %arg1, %mul3A_5 : i32
    %add3A = arith.addi %mul3A_4, %mul3A_6 : i32
    %mul3A_7 = arith.constant 128 : i32
    %mul3A_8 = arith.muli %add3A, %mul3A_7 : i32
    %add3A_9 = arith.constant 0 : i32
    %add3A_10 = arith.addi %mul3A_8, %add3A_9 : i32
    %dma_start3A = tpu.memref_slice %arg2[%add3A_10] : memref<327680xi32, #tpu.memory_space<hbm>> -> memref<128xi32, #tpu.memory_space<hbm>>
    %dma_start3A_11 = tpu.memref_slice %arg2[%add3A_10] : memref<327680xi32, #tpu.memory_space<hbm>> -> memref<128xi32, #tpu.memory_space<hbm>>
    tpu.enqueue_dma source(%dma_start3A_11 : memref<128xi32, #tpu.memory_space<hbm>>) target(%arg6 : memref<128xi32, #tpu.memory_space<vmem>>) target_semaphore(%arg16 : memref<!tpu.dma_semaphore, #tpu.memory_space<semaphore_mem>>)
    %add3A_12 = arith.constant 128 : i32
    %add3A_13 = arith.addi %mul3A_8, %add3A_12 : i32
    %dma_start3A_14 = tpu.memref_slice %arg2[%add3A_13] : memref<327680xi32, #tpu.memory_space<hbm>> -> memref<128xi32, #tpu.memory_space<hbm>>
    %dma_start3A_15 = tpu.memref_slice %arg2[%add3A_13] : memref<327680xi32, #tpu.memory_space<hbm>> -> memref<128xi32, #tpu.memory_space<hbm>>
    tpu.enqueue_dma source(%dma_start3A_15 : memref<128xi32, #tpu.memory_space<hbm>>) target(%arg7 : memref<128xi32, #tpu.memory_space<vmem>>) target_semaphore(%arg17 : memref<!tpu.dma_semaphore, #tpu.memory_space<semaphore_mem>>)
    %add3A_16 = arith.constant 256 : i32
    %add3A_17 = arith.addi %mul3A_8, %add3A_16 : i32
    %dma_start3A_18 = tpu.memref_slice %arg2[%add3A_17] : memref<327680xi32, #tpu.memory_space<hbm>> -> memref<128xi32, #tpu.memory_space<hbm>>
    %dma_start3A_19 = tpu.memref_slice %arg2[%add3A_17] : memref<327680xi32, #tpu.memory_space<hbm>> -> memref<128xi32, #tpu.memory_space<hbm>>
    tpu.enqueue_dma source(%dma_start3A_19 : memref<128xi32, #tpu.memory_space<hbm>>) target(%arg8 : memref<128xi32, #tpu.memory_space<vmem>>) target_semaphore(%arg18 : memref<!tpu.dma_semaphore, #tpu.memory_space<semaphore_mem>>)
    %add3A_20 = arith.constant 384 : i32
    %add3A_21 = arith.addi %mul3A_8, %add3A_20 : i32
    %dma_start3A_22 = tpu.memref_slice %arg2[%add3A_21] : memref<327680xi32, #tpu.memory_space<hbm>> -> memref<128xi32, #tpu.memory_space<hbm>>
    %dma_start3A_23 = tpu.memref_slice %arg2[%add3A_21] : memref<327680xi32, #tpu.memory_space<hbm>> -> memref<128xi32, #tpu.memory_space<hbm>>
    tpu.enqueue_dma source(%dma_start3A_23 : memref<128xi32, #tpu.memory_space<hbm>>) target(%arg9 : memref<128xi32, #tpu.memory_space<vmem>>) target_semaphore(%arg19 : memref<!tpu.dma_semaphore, #tpu.memory_space<semaphore_mem>>)
    %scan3A = arith.constant 0 : i32
    %scan3A_24 = arith.constant 10 : i32
    %scan3A_25 = arith.addi %scan3A, %scan3A_24 : i32
    %scan3A_26 = arith.constant 1 : i32
    scf.for %scan3A_44 = %scan3A to %scan3A_25 step %scan3A_26  : i32 {
      %mul3A_45 = arith.constant 1 : i32
      %mul3A_46 = arith.muli %scan3A_44, %mul3A_45 : i32
      %add3A_47 = arith.constant 0 : i32
      %add3A_48 = arith.addi %add3A_47, %mul3A_46 : i32
      %mul3A_49 = arith.constant 8 : i32
      %mul3A_50 = arith.muli %add3A_48, %mul3A_49 : i32
      %dma_wait3A_51 = arith.constant 0 : i32
      %dma_wait3A_52 = tpu.memref_slice %arg2[%dma_wait3A_51] : memref<327680xi32, #tpu.memory_space<hbm>> -> memref<128xi32, #tpu.memory_space<hbm>>
      %dma_wait3A_53 = arith.constant 0 : i32
      %dma_wait3A_54 = tpu.memref_slice %arg2[%dma_wait3A_53] : memref<327680xi32, #tpu.memory_space<hbm>> -> memref<128xi32, #tpu.memory_space<hbm>>
      tpu.wait_dma2 semaphore(%arg16 : memref<!tpu.dma_semaphore, #tpu.memory_space<semaphore_mem>>) src(%dma_wait3A_54 : memref<128xi32, #tpu.memory_space<hbm>>) dst(%arg6 : memref<128xi32, #tpu.memory_space<vmem>>)
      %dma_start3A_55 = arith.constant 0 : i32
      %dma_start3A_56 = arith.constant 0 : i32
      %dma_start3A_57 = tpu.memref_slice %arg15[%dma_start3A_55, %dma_start3A_56] : memref<10240x128xf32, #tpu.memory_space<vmem_shared>> -> memref<10240x128xf32, #tpu.memory_space<vmem_shared>>
      tpu.enqueue_indirect_dma source(%arg14 : memref<128x128xf32, #tpu.memory_space<vmem>>) target(%dma_start3A_57 : memref<10240x128xf32, #tpu.memory_space<vmem_shared>>) offsets(%arg6 : memref<128xi32, #tpu.memory_space<vmem>>) semaphore(%arg24 : memref<!tpu.dma_semaphore, #tpu.memory_space<semaphore_mem>>) {add = true}
      %gt3A = arith.constant 0 : i32
      %gt3A_58 = arith.cmpi sgt, %add3A_48, %gt3A : i32
      %convert_element_type3A = arith.extui %gt3A_58 : i1 to i32
      %cond3A = arith.constant 0 : i32
      %cond3A_59 = arith.cmpi ne, %convert_element_type3A, %cond3A : i32
      scf.if %cond3A_59 {
        %dma_wait3A_198 = arith.constant 0 : i32
        %dma_wait3A_199 = arith.constant 0 : i32
        %dma_wait3A_200 = tpu.memref_slice %arg15[%dma_wait3A_198, %dma_wait3A_199] : memref<10240x128xf32, #tpu.memory_space<vmem_shared>> -> memref<10240x128xf32, #tpu.memory_space<vmem_shared>>
        tpu.wait_indirect_dma semaphore(%arg28 : memref<!tpu.dma_semaphore, #tpu.memory_space<semaphore_mem>>) src(%arg14 : memref<128x128xf32, #tpu.memory_space<vmem>>) dst(%dma_wait3A_200 : memref<10240x128xf32, #tpu.memory_space<vmem_shared>>)
      } else {
      }
      %add3A_60 = arith.constant 0 : i32
      %add3A_61 = arith.addi %mul3A_50, %add3A_60 : i32
      %add3A_62 = arith.constant 8 : i32
      %add3A_63 = arith.addi %add3A_61, %add3A_62 : i32
      %sub3A = arith.constant 4 : i32
      %sub3A_64 = arith.subi %add3A_63, %sub3A : i32
      %mul3A_65 = arith.constant 128 : i32
      %mul3A_66 = arith.muli %sub3A_64, %mul3A_65 : i32
      %add3A_67 = arith.addi %mul3A_8, %mul3A_66 : i32
      %dma_start3A_68 = tpu.memref_slice %arg2[%add3A_67] : memref<327680xi32, #tpu.memory_space<hbm>> -> memref<128xi32, #tpu.memory_space<hbm>>
      %dma_start3A_69 = tpu.memref_slice %arg2[%add3A_67] : memref<327680xi32, #tpu.memory_space<hbm>> -> memref<128xi32, #tpu.memory_space<hbm>>
      tpu.enqueue_dma source(%dma_start3A_69 : memref<128xi32, #tpu.memory_space<hbm>>) target(%arg10 : memref<128xi32, #tpu.memory_space<vmem>>) target_semaphore(%arg20 : memref<!tpu.dma_semaphore, #tpu.memory_space<semaphore_mem>>)
      %dma_wait3A_70 = arith.constant 0 : i32
      %dma_wait3A_71 = tpu.memref_slice %arg2[%dma_wait3A_70] : memref<327680xi32, #tpu.memory_space<hbm>> -> memref<128xi32, #tpu.memory_space<hbm>>
      %dma_wait3A_72 = arith.constant 0 : i32
      %dma_wait3A_73 = tpu.memref_slice %arg2[%dma_wait3A_72] : memref<327680xi32, #tpu.memory_space<hbm>> -> memref<128xi32, #tpu.memory_space<hbm>>
      tpu.wait_dma2 semaphore(%arg17 : memref<!tpu.dma_semaphore, #tpu.memory_space<semaphore_mem>>) src(%dma_wait3A_73 : memref<128xi32, #tpu.memory_space<hbm>>) dst(%arg7 : memref<128xi32, #tpu.memory_space<vmem>>)
      %dma_start3A_74 = arith.constant 0 : i32
      %dma_start3A_75 = arith.constant 0 : i32
      %dma_start3A_76 = tpu.memref_slice %arg15[%dma_start3A_74, %dma_start3A_75] : memref<10240x128xf32, #tpu.memory_space<vmem_shared>> -> memref<10240x128xf32, #tpu.memory_space<vmem_shared>>
      tpu.enqueue_indirect_dma source(%arg14 : memref<128x128xf32, #tpu.memory_space<vmem>>) target(%dma_start3A_76 : memref<10240x128xf32, #tpu.memory_space<vmem_shared>>) offsets(%arg7 : memref<128xi32, #tpu.memory_space<vmem>>) semaphore(%arg25 : memref<!tpu.dma_semaphore, #tpu.memory_space<semaphore_mem>>) {add = true}
      %gt3A_77 = arith.constant 0 : i32
      %gt3A_78 = arith.cmpi sgt, %add3A_48, %gt3A_77 : i32
      %convert_element_type3A_79 = arith.extui %gt3A_78 : i1 to i32
      %cond3A_80 = arith.constant 0 : i32
      %cond3A_81 = arith.cmpi ne, %convert_element_type3A_79, %cond3A_80 : i32
      scf.if %cond3A_81 {
        %dma_wait3A_198 = arith.constant 0 : i32
        %dma_wait3A_199 = arith.constant 0 : i32
        %dma_wait3A_200 = tpu.memref_slice %arg15[%dma_wait3A_198, %dma_wait3A_199] : memref<10240x128xf32, #tpu.memory_space<vmem_shared>> -> memref<10240x128xf32, #tpu.memory_space<vmem_shared>>
        tpu.wait_indirect_dma semaphore(%arg29 : memref<!tpu.dma_semaphore, #tpu.memory_space<semaphore_mem>>) src(%arg14 : memref<128x128xf32, #tpu.memory_space<vmem>>) dst(%dma_wait3A_200 : memref<10240x128xf32, #tpu.memory_space<vmem_shared>>)
      } else {
      }
      %add3A_82 = arith.constant 1 : i32
      %add3A_83 = arith.addi %mul3A_50, %add3A_82 : i32
      %add3A_84 = arith.constant 8 : i32
      %add3A_85 = arith.addi %add3A_83, %add3A_84 : i32
      %sub3A_86 = arith.constant 4 : i32
      %sub3A_87 = arith.subi %add3A_85, %sub3A_86 : i32
      %mul3A_88 = arith.constant 128 : i32
      %mul3A_89 = arith.muli %sub3A_87, %mul3A_88 : i32
      %add3A_90 = arith.addi %mul3A_8, %mul3A_89 : i32
      %dma_start3A_91 = tpu.memref_slice %arg2[%add3A_90] : memref<327680xi32, #tpu.memory_space<hbm>> -> memref<128xi32, #tpu.memory_space<hbm>>
      %dma_start3A_92 = tpu.memref_slice %arg2[%add3A_90] : memref<327680xi32, #tpu.memory_space<hbm>> -> memref<128xi32, #tpu.memory_space<hbm>>
      tpu.enqueue_dma source(%dma_start3A_92 : memref<128xi32, #tpu.memory_space<hbm>>) target(%arg11 : memref<128xi32, #tpu.memory_space<vmem>>) target_semaphore(%arg21 : memref<!tpu.dma_semaphore, #tpu.memory_space<semaphore_mem>>)
      %dma_wait3A_93 = arith.constant 0 : i32
      %dma_wait3A_94 = tpu.memref_slice %arg2[%dma_wait3A_93] : memref<327680xi32, #tpu.memory_space<hbm>> -> memref<128xi32, #tpu.memory_space<hbm>>
      %dma_wait3A_95 = arith.constant 0 : i32
      %dma_wait3A_96 = tpu.memref_slice %arg2[%dma_wait3A_95] : memref<327680xi32, #tpu.memory_space<hbm>> -> memref<128xi32, #tpu.memory_space<hbm>>
      tpu.wait_dma2 semaphore(%arg18 : memref<!tpu.dma_semaphore, #tpu.memory_space<semaphore_mem>>) src(%dma_wait3A_96 : memref<128xi32, #tpu.memory_space<hbm>>) dst(%arg8 : memref<128xi32, #tpu.memory_space<vmem>>)
      %dma_start3A_97 = arith.constant 0 : i32
      %dma_start3A_98 = arith.constant 0 : i32
      %dma_start3A_99 = tpu.memref_slice %arg15[%dma_start3A_97, %dma_start3A_98] : memref<10240x128xf32, #tpu.memory_space<vmem_shared>> -> memref<10240x128xf32, #tpu.memory_space<vmem_shared>>
      tpu.enqueue_indirect_dma source(%arg14 : memref<128x128xf32, #tpu.memory_space<vmem>>) target(%dma_start3A_99 : memref<10240x128xf32, #tpu.memory_space<vmem_shared>>) offsets(%arg8 : memref<128xi32, #tpu.memory_space<vmem>>) semaphore(%arg26 : memref<!tpu.dma_semaphore, #tpu.memory_space<semaphore_mem>>) {add = true}
      %gt3A_100 = arith.constant 0 : i32
      %gt3A_101 = arith.cmpi sgt, %add3A_48, %gt3A_100 : i32
      %convert_element_type3A_102 = arith.extui %gt3A_101 : i1 to i32
      %cond3A_103 = arith.constant 0 : i32
      %cond3A_104 = arith.cmpi ne, %convert_element_type3A_102, %cond3A_103 : i32
      scf.if %cond3A_104 {
        %dma_wait3A_198 = arith.constant 0 : i32
        %dma_wait3A_199 = arith.constant 0 : i32
        %dma_wait3A_200 = tpu.memref_slice %arg15[%dma_wait3A_198, %dma_wait3A_199] : memref<10240x128xf32, #tpu.memory_space<vmem_shared>> -> memref<10240x128xf32, #tpu.memory_space<vmem_shared>>
        tpu.wait_indirect_dma semaphore(%arg30 : memref<!tpu.dma_semaphore, #tpu.memory_space<semaphore_mem>>) src(%arg14 : memref<128x128xf32, #tpu.memory_space<vmem>>) dst(%dma_wait3A_200 : memref<10240x128xf32, #tpu.memory_space<vmem_shared>>)
      } else {
      }
      %add3A_105 = arith.constant 2 : i32
      %add3A_106 = arith.addi %mul3A_50, %add3A_105 : i32
      %add3A_107 = arith.constant 8 : i32
      %add3A_108 = arith.addi %add3A_106, %add3A_107 : i32
      %sub3A_109 = arith.constant 4 : i32
      %sub3A_110 = arith.subi %add3A_108, %sub3A_109 : i32
      %mul3A_111 = arith.constant 128 : i32
      %mul3A_112 = arith.muli %sub3A_110, %mul3A_111 : i32
      %add3A_113 = arith.addi %mul3A_8, %mul3A_112 : i32
      %dma_start3A_114 = tpu.memref_slice %arg2[%add3A_113] : memref<327680xi32, #tpu.memory_space<hbm>> -> memref<128xi32, #tpu.memory_space<hbm>>
      %dma_start3A_115 = tpu.memref_slice %arg2[%add3A_113] : memref<327680xi32, #tpu.memory_space<hbm>> -> memref<128xi32, #tpu.memory_space<hbm>>
      tpu.enqueue_dma source(%dma_start3A_115 : memref<128xi32, #tpu.memory_space<hbm>>) target(%arg12 : memref<128xi32, #tpu.memory_space<vmem>>) target_semaphore(%arg22 : memref<!tpu.dma_semaphore, #tpu.memory_space<semaphore_mem>>)
      %dma_wait3A_116 = arith.constant 0 : i32
      %dma_wait3A_117 = tpu.memref_slice %arg2[%dma_wait3A_116] : memref<327680xi32, #tpu.memory_space<hbm>> -> memref<128xi32, #tpu.memory_space<hbm>>
      %dma_wait3A_118 = arith.constant 0 : i32
      %dma_wait3A_119 = tpu.memref_slice %arg2[%dma_wait3A_118] : memref<327680xi32, #tpu.memory_space<hbm>> -> memref<128xi32, #tpu.memory_space<hbm>>
      tpu.wait_dma2 semaphore(%arg19 : memref<!tpu.dma_semaphore, #tpu.memory_space<semaphore_mem>>) src(%dma_wait3A_119 : memref<128xi32, #tpu.memory_space<hbm>>) dst(%arg9 : memref<128xi32, #tpu.memory_space<vmem>>)
      %dma_start3A_120 = arith.constant 0 : i32
      %dma_start3A_121 = arith.constant 0 : i32
      %dma_start3A_122 = tpu.memref_slice %arg15[%dma_start3A_120, %dma_start3A_121] : memref<10240x128xf32, #tpu.memory_space<vmem_shared>> -> memref<10240x128xf32, #tpu.memory_space<vmem_shared>>
      tpu.enqueue_indirect_dma source(%arg14 : memref<128x128xf32, #tpu.memory_space<vmem>>) target(%dma_start3A_122 : memref<10240x128xf32, #tpu.memory_space<vmem_shared>>) offsets(%arg9 : memref<128xi32, #tpu.memory_space<vmem>>) semaphore(%arg27 : memref<!tpu.dma_semaphore, #tpu.memory_space<semaphore_mem>>) {add = true}
      %gt3A_123 = arith.constant 0 : i32
      %gt3A_124 = arith.cmpi sgt, %add3A_48, %gt3A_123 : i32
      %convert_element_type3A_125 = arith.extui %gt3A_124 : i1 to i32
      %cond3A_126 = arith.constant 0 : i32
      %cond3A_127 = arith.cmpi ne, %convert_element_type3A_125, %cond3A_126 : i32
      scf.if %cond3A_127 {
        %dma_wait3A_198 = arith.constant 0 : i32
        %dma_wait3A_199 = arith.constant 0 : i32
        %dma_wait3A_200 = tpu.memref_slice %arg15[%dma_wait3A_198, %dma_wait3A_199] : memref<10240x128xf32, #tpu.memory_space<vmem_shared>> -> memref<10240x128xf32, #tpu.memory_space<vmem_shared>>
        tpu.wait_indirect_dma semaphore(%arg31 : memref<!tpu.dma_semaphore, #tpu.memory_space<semaphore_mem>>) src(%arg14 : memref<128x128xf32, #tpu.memory_space<vmem>>) dst(%dma_wait3A_200 : memref<10240x128xf32, #tpu.memory_space<vmem_shared>>)
      } else {
      }
      %add3A_128 = arith.constant 3 : i32
      %add3A_129 = arith.addi %mul3A_50, %add3A_128 : i32
      %add3A_130 = arith.constant 8 : i32
      %add3A_131 = arith.addi %add3A_129, %add3A_130 : i32
      %sub3A_132 = arith.constant 4 : i32
      %sub3A_133 = arith.subi %add3A_131, %sub3A_132 : i32
      %mul3A_134 = arith.constant 128 : i32
      %mul3A_135 = arith.muli %sub3A_133, %mul3A_134 : i32
      %add3A_136 = arith.addi %mul3A_8, %mul3A_135 : i32
      %dma_start3A_137 = tpu.memref_slice %arg2[%add3A_136] : memref<327680xi32, #tpu.memory_space<hbm>> -> memref<128xi32, #tpu.memory_space<hbm>>
      %dma_start3A_138 = tpu.memref_slice %arg2[%add3A_136] : memref<327680xi32, #tpu.memory_space<hbm>> -> memref<128xi32, #tpu.memory_space<hbm>>
      tpu.enqueue_dma source(%dma_start3A_138 : memref<128xi32, #tpu.memory_space<hbm>>) target(%arg13 : memref<128xi32, #tpu.memory_space<vmem>>) target_semaphore(%arg23 : memref<!tpu.dma_semaphore, #tpu.memory_space<semaphore_mem>>)
      %dma_wait3A_139 = arith.constant 0 : i32
      %dma_wait3A_140 = tpu.memref_slice %arg2[%dma_wait3A_139] : memref<327680xi32, #tpu.memory_space<hbm>> -> memref<128xi32, #tpu.memory_space<hbm>>
      %dma_wait3A_141 = arith.constant 0 : i32
      %dma_wait3A_142 = tpu.memref_slice %arg2[%dma_wait3A_141] : memref<327680xi32, #tpu.memory_space<hbm>> -> memref<128xi32, #tpu.memory_space<hbm>>
      tpu.wait_dma2 semaphore(%arg20 : memref<!tpu.dma_semaphore, #tpu.memory_space<semaphore_mem>>) src(%dma_wait3A_142 : memref<128xi32, #tpu.memory_space<hbm>>) dst(%arg10 : memref<128xi32, #tpu.memory_space<vmem>>)
      %dma_start3A_143 = arith.constant 0 : i32
      %dma_start3A_144 = arith.constant 0 : i32
      %dma_start3A_145 = tpu.memref_slice %arg15[%dma_start3A_143, %dma_start3A_144] : memref<10240x128xf32, #tpu.memory_space<vmem_shared>> -> memref<10240x128xf32, #tpu.memory_space<vmem_shared>>
      tpu.enqueue_indirect_dma source(%arg14 : memref<128x128xf32, #tpu.memory_space<vmem>>) target(%dma_start3A_145 : memref<10240x128xf32, #tpu.memory_space<vmem_shared>>) offsets(%arg10 : memref<128xi32, #tpu.memory_space<vmem>>) semaphore(%arg28 : memref<!tpu.dma_semaphore, #tpu.memory_space<semaphore_mem>>) {add = true}
      %dma_wait3A_146 = arith.constant 0 : i32
      %dma_wait3A_147 = arith.constant 0 : i32
      %dma_wait3A_148 = tpu.memref_slice %arg15[%dma_wait3A_146, %dma_wait3A_147] : memref<10240x128xf32, #tpu.memory_space<vmem_shared>> -> memref<10240x128xf32, #tpu.memory_space<vmem_shared>>
      tpu.wait_indirect_dma semaphore(%arg24 : memref<!tpu.dma_semaphore, #tpu.memory_space<semaphore_mem>>) src(%arg14 : memref<128x128xf32, #tpu.memory_space<vmem>>) dst(%dma_wait3A_148 : memref<10240x128xf32, #tpu.memory_space<vmem_shared>>)
      %lt3A = arith.constant 9 : i32
      %lt3A_149 = arith.cmpi slt, %add3A_48, %lt3A : i32
      %convert_element_type3A_150 = arith.extui %lt3A_149 : i1 to i32
      %cond3A_151 = arith.constant 0 : i32
      %cond3A_152 = arith.cmpi ne, %convert_element_type3A_150, %cond3A_151 : i32
      scf.if %cond3A_152 {
        %add3A_198 = arith.constant 4 : i32
        %add3A_199 = arith.addi %mul3A_50, %add3A_198 : i32
        %add3A_200 = arith.constant 8 : i32
        %add3A_201 = arith.addi %add3A_199, %add3A_200 : i32
        %sub3A_202 = arith.constant 4 : i32
        %sub3A_203 = arith.subi %add3A_201, %sub3A_202 : i32
        %mul3A_204 = arith.constant 128 : i32
        %mul3A_205 = arith.muli %sub3A_203, %mul3A_204 : i32
        %add3A_206 = arith.addi %mul3A_8, %mul3A_205 : i32
        %dma_start3A_207 = tpu.memref_slice %arg2[%add3A_206] : memref<327680xi32, #tpu.memory_space<hbm>> -> memref<128xi32, #tpu.memory_space<hbm>>
        %dma_start3A_208 = tpu.memref_slice %arg2[%add3A_206] : memref<327680xi32, #tpu.memory_space<hbm>> -> memref<128xi32, #tpu.memory_space<hbm>>
        tpu.enqueue_dma source(%dma_start3A_208 : memref<128xi32, #tpu.memory_space<hbm>>) target(%arg6 : memref<128xi32, #tpu.memory_space<vmem>>) target_semaphore(%arg16 : memref<!tpu.dma_semaphore, #tpu.memory_space<semaphore_mem>>)
      } else {
      }
      %dma_wait3A_153 = arith.constant 0 : i32
      %dma_wait3A_154 = tpu.memref_slice %arg2[%dma_wait3A_153] : memref<327680xi32, #tpu.memory_space<hbm>> -> memref<128xi32, #tpu.memory_space<hbm>>
      %dma_wait3A_155 = arith.constant 0 : i32
      %dma_wait3A_156 = tpu.memref_slice %arg2[%dma_wait3A_155] : memref<327680xi32, #tpu.memory_space<hbm>> -> memref<128xi32, #tpu.memory_space<hbm>>
      tpu.wait_dma2 semaphore(%arg21 : memref<!tpu.dma_semaphore, #tpu.memory_space<semaphore_mem>>) src(%dma_wait3A_156 : memref<128xi32, #tpu.memory_space<hbm>>) dst(%arg11 : memref<128xi32, #tpu.memory_space<vmem>>)
      %dma_start3A_157 = arith.constant 0 : i32
      %dma_start3A_158 = arith.constant 0 : i32
      %dma_start3A_159 = tpu.memref_slice %arg15[%dma_start3A_157, %dma_start3A_158] : memref<10240x128xf32, #tpu.memory_space<vmem_shared>> -> memref<10240x128xf32, #tpu.memory_space<vmem_shared>>
      tpu.enqueue_indirect_dma source(%arg14 : memref<128x128xf32, #tpu.memory_space<vmem>>) target(%dma_start3A_159 : memref<10240x128xf32, #tpu.memory_space<vmem_shared>>) offsets(%arg11 : memref<128xi32, #tpu.memory_space<vmem>>) semaphore(%arg29 : memref<!tpu.dma_semaphore, #tpu.memory_space<semaphore_mem>>) {add = true}
      %dma_wait3A_160 = arith.constant 0 : i32
      %dma_wait3A_161 = arith.constant 0 : i32
      %dma_wait3A_162 = tpu.memref_slice %arg15[%dma_wait3A_160, %dma_wait3A_161] : memref<10240x128xf32, #tpu.memory_space<vmem_shared>> -> memref<10240x128xf32, #tpu.memory_space<vmem_shared>>
      tpu.wait_indirect_dma semaphore(%arg25 : memref<!tpu.dma_semaphore, #tpu.memory_space<semaphore_mem>>) src(%arg14 : memref<128x128xf32, #tpu.memory_space<vmem>>) dst(%dma_wait3A_162 : memref<10240x128xf32, #tpu.memory_space<vmem_shared>>)
      %lt3A_163 = arith.constant 9 : i32
      %lt3A_164 = arith.cmpi slt, %add3A_48, %lt3A_163 : i32
      %convert_element_type3A_165 = arith.extui %lt3A_164 : i1 to i32
      %cond3A_166 = arith.constant 0 : i32
      %cond3A_167 = arith.cmpi ne, %convert_element_type3A_165, %cond3A_166 : i32
      scf.if %cond3A_167 {
        %add3A_198 = arith.constant 5 : i32
        %add3A_199 = arith.addi %mul3A_50, %add3A_198 : i32
        %add3A_200 = arith.constant 8 : i32
        %add3A_201 = arith.addi %add3A_199, %add3A_200 : i32
        %sub3A_202 = arith.constant 4 : i32
        %sub3A_203 = arith.subi %add3A_201, %sub3A_202 : i32
        %mul3A_204 = arith.constant 128 : i32
        %mul3A_205 = arith.muli %sub3A_203, %mul3A_204 : i32
        %add3A_206 = arith.addi %mul3A_8, %mul3A_205 : i32
        %dma_start3A_207 = tpu.memref_slice %arg2[%add3A_206] : memref<327680xi32, #tpu.memory_space<hbm>> -> memref<128xi32, #tpu.memory_space<hbm>>
        %dma_start3A_208 = tpu.memref_slice %arg2[%add3A_206] : memref<327680xi32, #tpu.memory_space<hbm>> -> memref<128xi32, #tpu.memory_space<hbm>>
        tpu.enqueue_dma source(%dma_start3A_208 : memref<128xi32, #tpu.memory_space<hbm>>) target(%arg7 : memref<128xi32, #tpu.memory_space<vmem>>) target_semaphore(%arg17 : memref<!tpu.dma_semaphore, #tpu.memory_space<semaphore_mem>>)
      } else {
      }
      %dma_wait3A_168 = arith.constant 0 : i32
      %dma_wait3A_169 = tpu.memref_slice %arg2[%dma_wait3A_168] : memref<327680xi32, #tpu.memory_space<hbm>> -> memref<128xi32, #tpu.memory_space<hbm>>
      %dma_wait3A_170 = arith.constant 0 : i32
      %dma_wait3A_171 = tpu.memref_slice %arg2[%dma_wait3A_170] : memref<327680xi32, #tpu.memory_space<hbm>> -> memref<128xi32, #tpu.memory_space<hbm>>
      tpu.wait_dma2 semaphore(%arg22 : memref<!tpu.dma_semaphore, #tpu.memory_space<semaphore_mem>>) src(%dma_wait3A_171 : memref<128xi32, #tpu.memory_space<hbm>>) dst(%arg12 : memref<128xi32, #tpu.memory_space<vmem>>)
      %dma_start3A_172 = arith.constant 0 : i32
      %dma_start3A_173 = arith.constant 0 : i32
      %dma_start3A_174 = tpu.memref_slice %arg15[%dma_start3A_172, %dma_start3A_173] : memref<10240x128xf32, #tpu.memory_space<vmem_shared>> -> memref<10240x128xf32, #tpu.memory_space<vmem_shared>>
      tpu.enqueue_indirect_dma source(%arg14 : memref<128x128xf32, #tpu.memory_space<vmem>>) target(%dma_start3A_174 : memref<10240x128xf32, #tpu.memory_space<vmem_shared>>) offsets(%arg12 : memref<128xi32, #tpu.memory_space<vmem>>) semaphore(%arg30 : memref<!tpu.dma_semaphore, #tpu.memory_space<semaphore_mem>>) {add = true}
      %dma_wait3A_175 = arith.constant 0 : i32
      %dma_wait3A_176 = arith.constant 0 : i32
      %dma_wait3A_177 = tpu.memref_slice %arg15[%dma_wait3A_175, %dma_wait3A_176] : memref<10240x128xf32, #tpu.memory_space<vmem_shared>> -> memref<10240x128xf32, #tpu.memory_space<vmem_shared>>
      tpu.wait_indirect_dma semaphore(%arg26 : memref<!tpu.dma_semaphore, #tpu.memory_space<semaphore_mem>>) src(%arg14 : memref<128x128xf32, #tpu.memory_space<vmem>>) dst(%dma_wait3A_177 : memref<10240x128xf32, #tpu.memory_space<vmem_shared>>)
      %lt3A_178 = arith.constant 9 : i32
      %lt3A_179 = arith.cmpi slt, %add3A_48, %lt3A_178 : i32
      %convert_element_type3A_180 = arith.extui %lt3A_179 : i1 to i32
      %cond3A_181 = arith.constant 0 : i32
      %cond3A_182 = arith.cmpi ne, %convert_element_type3A_180, %cond3A_181 : i32
      scf.if %cond3A_182 {
        %add3A_198 = arith.constant 6 : i32
        %add3A_199 = arith.addi %mul3A_50, %add3A_198 : i32
        %add3A_200 = arith.constant 8 : i32
        %add3A_201 = arith.addi %add3A_199, %add3A_200 : i32
        %sub3A_202 = arith.constant 4 : i32
        %sub3A_203 = arith.subi %add3A_201, %sub3A_202 : i32
        %mul3A_204 = arith.constant 128 : i32
        %mul3A_205 = arith.muli %sub3A_203, %mul3A_204 : i32
        %add3A_206 = arith.addi %mul3A_8, %mul3A_205 : i32
        %dma_start3A_207 = tpu.memref_slice %arg2[%add3A_206] : memref<327680xi32, #tpu.memory_space<hbm>> -> memref<128xi32, #tpu.memory_space<hbm>>
        %dma_start3A_208 = tpu.memref_slice %arg2[%add3A_206] : memref<327680xi32, #tpu.memory_space<hbm>> -> memref<128xi32, #tpu.memory_space<hbm>>
        tpu.enqueue_dma source(%dma_start3A_208 : memref<128xi32, #tpu.memory_space<hbm>>) target(%arg8 : memref<128xi32, #tpu.memory_space<vmem>>) target_semaphore(%arg18 : memref<!tpu.dma_semaphore, #tpu.memory_space<semaphore_mem>>)
      } else {
      }
      %dma_wait3A_183 = arith.constant 0 : i32
      %dma_wait3A_184 = tpu.memref_slice %arg2[%dma_wait3A_183] : memref<327680xi32, #tpu.memory_space<hbm>> -> memref<128xi32, #tpu.memory_space<hbm>>
      %dma_wait3A_185 = arith.constant 0 : i32
      %dma_wait3A_186 = tpu.memref_slice %arg2[%dma_wait3A_185] : memref<327680xi32, #tpu.memory_space<hbm>> -> memref<128xi32, #tpu.memory_space<hbm>>
      tpu.wait_dma2 semaphore(%arg23 : memref<!tpu.dma_semaphore, #tpu.memory_space<semaphore_mem>>) src(%dma_wait3A_186 : memref<128xi32, #tpu.memory_space<hbm>>) dst(%arg13 : memref<128xi32, #tpu.memory_space<vmem>>)
      %dma_start3A_187 = arith.constant 0 : i32
      %dma_start3A_188 = arith.constant 0 : i32
      %dma_start3A_189 = tpu.memref_slice %arg15[%dma_start3A_187, %dma_start3A_188] : memref<10240x128xf32, #tpu.memory_space<vmem_shared>> -> memref<10240x128xf32, #tpu.memory_space<vmem_shared>>
      tpu.enqueue_indirect_dma source(%arg14 : memref<128x128xf32, #tpu.memory_space<vmem>>) target(%dma_start3A_189 : memref<10240x128xf32, #tpu.memory_space<vmem_shared>>) offsets(%arg13 : memref<128xi32, #tpu.memory_space<vmem>>) semaphore(%arg31 : memref<!tpu.dma_semaphore, #tpu.memory_space<semaphore_mem>>) {add = true}
      %dma_wait3A_190 = arith.constant 0 : i32
      %dma_wait3A_191 = arith.constant 0 : i32
      %dma_wait3A_192 = tpu.memref_slice %arg15[%dma_wait3A_190, %dma_wait3A_191] : memref<10240x128xf32, #tpu.memory_space<vmem_shared>> -> memref<10240x128xf32, #tpu.memory_space<vmem_shared>>
      tpu.wait_indirect_dma semaphore(%arg27 : memref<!tpu.dma_semaphore, #tpu.memory_space<semaphore_mem>>) src(%arg14 : memref<128x128xf32, #tpu.memory_space<vmem>>) dst(%dma_wait3A_192 : memref<10240x128xf32, #tpu.memory_space<vmem_shared>>)
      %lt3A_193 = arith.constant 9 : i32
      %lt3A_194 = arith.cmpi slt, %add3A_48, %lt3A_193 : i32
      %convert_element_type3A_195 = arith.extui %lt3A_194 : i1 to i32
      %cond3A_196 = arith.constant 0 : i32
      %cond3A_197 = arith.cmpi ne, %convert_element_type3A_195, %cond3A_196 : i32
      scf.if %cond3A_197 {
        %add3A_198 = arith.constant 7 : i32
        %add3A_199 = arith.addi %mul3A_50, %add3A_198 : i32
        %add3A_200 = arith.constant 8 : i32
        %add3A_201 = arith.addi %add3A_199, %add3A_200 : i32
        %sub3A_202 = arith.constant 4 : i32
        %sub3A_203 = arith.subi %add3A_201, %sub3A_202 : i32
        %mul3A_204 = arith.constant 128 : i32
        %mul3A_205 = arith.muli %sub3A_203, %mul3A_204 : i32
        %add3A_206 = arith.addi %mul3A_8, %mul3A_205 : i32
        %dma_start3A_207 = tpu.memref_slice %arg2[%add3A_206] : memref<327680xi32, #tpu.memory_space<hbm>> -> memref<128xi32, #tpu.memory_space<hbm>>
        %dma_start3A_208 = tpu.memref_slice %arg2[%add3A_206] : memref<327680xi32, #tpu.memory_space<hbm>> -> memref<128xi32, #tpu.memory_space<hbm>>
        tpu.enqueue_dma source(%dma_start3A_208 : memref<128xi32, #tpu.memory_space<hbm>>) target(%arg9 : memref<128xi32, #tpu.memory_space<vmem>>) target_semaphore(%arg19 : memref<!tpu.dma_semaphore, #tpu.memory_space<semaphore_mem>>)
      } else {
      }
    }
    %scan3A_27 = arith.constant 10 : i32
    %dma_wait3A = arith.constant 0 : i32
    %dma_wait3A_28 = arith.constant 0 : i32
    %dma_wait3A_29 = tpu.memref_slice %arg15[%dma_wait3A, %dma_wait3A_28] : memref<10240x128xf32, #tpu.memory_space<vmem_shared>> -> memref<10240x128xf32, #tpu.memory_space<vmem_shared>>
    tpu.wait_indirect_dma semaphore(%arg28 : memref<!tpu.dma_semaphore, #tpu.memory_space<semaphore_mem>>) src(%arg14 : memref<128x128xf32, #tpu.memory_space<vmem>>) dst(%dma_wait3A_29 : memref<10240x128xf32, #tpu.memory_space<vmem_shared>>)
    %dma_wait3A_30 = arith.constant 0 : i32
    %dma_wait3A_31 = arith.constant 0 : i32
    %dma_wait3A_32 = tpu.memref_slice %arg15[%dma_wait3A_30, %dma_wait3A_31] : memref<10240x128xf32, #tpu.memory_space<vmem_shared>> -> memref<10240x128xf32, #tpu.memory_space<vmem_shared>>
    tpu.wait_indirect_dma semaphore(%arg29 : memref<!tpu.dma_semaphore, #tpu.memory_space<semaphore_mem>>) src(%arg14 : memref<128x128xf32, #tpu.memory_space<vmem>>) dst(%dma_wait3A_32 : memref<10240x128xf32, #tpu.memory_space<vmem_shared>>)
    %dma_wait3A_33 = arith.constant 0 : i32
    %dma_wait3A_34 = arith.constant 0 : i32
    %dma_wait3A_35 = tpu.memref_slice %arg15[%dma_wait3A_33, %dma_wait3A_34] : memref<10240x128xf32, #tpu.memory_space<vmem_shared>> -> memref<10240x128xf32, #tpu.memory_space<vmem_shared>>
    tpu.wait_indirect_dma semaphore(%arg30 : memref<!tpu.dma_semaphore, #tpu.memory_space<semaphore_mem>>) src(%arg14 : memref<128x128xf32, #tpu.memory_space<vmem>>) dst(%dma_wait3A_35 : memref<10240x128xf32, #tpu.memory_space<vmem_shared>>)
    %dma_wait3A_36 = arith.constant 0 : i32
    %dma_wait3A_37 = arith.constant 0 : i32
    %dma_wait3A_38 = tpu.memref_slice %arg15[%dma_wait3A_36, %dma_wait3A_37] : memref<10240x128xf32, #tpu.memory_space<vmem_shared>> -> memref<10240x128xf32, #tpu.memory_space<vmem_shared>>
    tpu.wait_indirect_dma semaphore(%arg31 : memref<!tpu.dma_semaphore, #tpu.memory_space<semaphore_mem>>) src(%arg14 : memref<128x128xf32, #tpu.memory_space<vmem>>) dst(%dma_wait3A_38 : memref<10240x128xf32, #tpu.memory_space<vmem_shared>>)
    %barrier3A_39 = arith.constant 0 : index
    tpu.barrier barrier_id(%barrier3A_39)
    %mul3A_40 = arith.constant 640 : i32
    %mul3A_41 = arith.muli %arg1, %mul3A_40 : i32
    %mul3A_42 = arith.constant 640 : i32
    %mul3A_43 = arith.muli %arg1, %mul3A_42 : i32
    "tpu.region"() ({
      %run_scoped3A = tpu.sem_alloc : memref<!tpu.dma_semaphore, #tpu.memory_space<semaphore_mem>>
      %dma_start3A_44 = arith.constant 0 : i32
      %dma_start3A_45 = tpu.memref_slice %arg5[%arg0, %mul3A_43, %dma_start3A_44] : memref<2x10240x128xf32, #tpu.memory_space<hbm>> -> memref<1x640x128xf32, #tpu.memory_space<hbm>>
      %dma_start3A_46 = tpu.memref_squeeze %dma_start3A_45 : memref<1x640x128xf32, #tpu.memory_space<hbm>> -> memref<640x128xf32, #tpu.memory_space<hbm>>
      %dma_start3A_47 = arith.constant 0 : i32
      %dma_start3A_48 = tpu.memref_slice %arg15[%mul3A_41, %dma_start3A_47] : memref<10240x128xf32, #tpu.memory_space<vmem_shared>> -> memref<640x128xf32, #tpu.memory_space<vmem_shared>>
      tpu.enqueue_dma source(%dma_start3A_48 : memref<640x128xf32, #tpu.memory_space<vmem_shared>>) target(%dma_start3A_46 : memref<640x128xf32, #tpu.memory_space<hbm>>) target_semaphore(%run_scoped3A : memref<!tpu.dma_semaphore, #tpu.memory_space<semaphore_mem>>)
      %dma_wait3A_49 = arith.constant 0 : i32
      %dma_wait3A_50 = tpu.memref_slice %arg5[%arg0, %mul3A_43, %dma_wait3A_49] : memref<2x10240x128xf32, #tpu.memory_space<hbm>> -> memref<1x640x128xf32, #tpu.memory_space<hbm>>
      %dma_wait3A_51 = tpu.memref_squeeze %dma_wait3A_50 : memref<1x640x128xf32, #tpu.memory_space<hbm>> -> memref<640x128xf32, #tpu.memory_space<hbm>>
      %dma_wait3A_52 = arith.constant 0 : i32
      %dma_wait3A_53 = tpu.memref_slice %arg15[%mul3A_41, %dma_wait3A_52] : memref<10240x128xf32, #tpu.memory_space<vmem_shared>> -> memref<640x128xf32, #tpu.memory_space<vmem_shared>>
      tpu.wait_dma2 semaphore(%run_scoped3A : memref<!tpu.dma_semaphore, #tpu.memory_space<semaphore_mem>>) src(%dma_wait3A_53 : memref<640x128xf32, #tpu.memory_space<vmem_shared>>) dst(%dma_wait3A_51 : memref<640x128xf32, #tpu.memory_space<hbm>>)
      tpu.yield
    }) : () -> ()
    return
  }
}

#map = affine_map<(d0, d1) -> (0, 0)>
#map1 = affine_map<(d0, d1) -> (0)>
#map2 = affine_map<(d0, d1) -> (0, 0, 0)>
module attributes {stable_mosaic.version = 14 : i64} {
  func.func @seg_kernel(%arg0: i32, %arg1: i32, %arg2: memref<10000x128xf32, #tpu.memory_space<hbm>>, %arg3: memref<327680xi32, #tpu.memory_space<hbm>>, %arg4: memref<327680xi32, #tpu.memory_space<hbm>>, %arg5: memref<10240x128xf32, #tpu.memory_space<hbm>>, %arg6: memref<2x10240x128xf32, #tpu.memory_space<hbm>>, %arg7: memref<64xi32, #tpu.memory_space<vmem>>, %arg8: memref<64xi32, #tpu.memory_space<vmem>>, %arg9: memref<64xi32, #tpu.memory_space<vmem>>, %arg10: memref<64xi32, #tpu.memory_space<vmem>>, %arg11: memref<64xi32, #tpu.memory_space<vmem>>, %arg12: memref<64xi32, #tpu.memory_space<vmem>>, %arg13: memref<64xi32, #tpu.memory_space<vmem>>, %arg14: memref<64xi32, #tpu.memory_space<vmem>>, %arg15: memref<64xi32, #tpu.memory_space<vmem>>, %arg16: memref<64xi32, #tpu.memory_space<vmem>>, %arg17: memref<64xi32, #tpu.memory_space<vmem>>, %arg18: memref<64xi32, #tpu.memory_space<vmem>>, %arg19: memref<64xi32, #tpu.memory_space<vmem>>, %arg20: memref<64xi32, #tpu.memory_space<vmem>>, %arg21: memref<64xi32, #tpu.memory_space<vmem>>, %arg22: memref<64xi32, #tpu.memory_space<vmem>>, %arg23: memref<64x128xf32, #tpu.memory_space<vmem>>, %arg24: memref<64x128xf32, #tpu.memory_space<vmem>>, %arg25: memref<64x128xf32, #tpu.memory_space<vmem>>, %arg26: memref<64x128xf32, #tpu.memory_space<vmem>>, %arg27: memref<10240x128xf32, #tpu.memory_space<vmem_shared>>, %arg28: memref<!tpu.dma_semaphore, #tpu.memory_space<semaphore_mem>>, %arg29: memref<!tpu.dma_semaphore, #tpu.memory_space<semaphore_mem>>, %arg30: memref<!tpu.dma_semaphore, #tpu.memory_space<semaphore_mem>>, %arg31: memref<!tpu.dma_semaphore, #tpu.memory_space<semaphore_mem>>, %arg32: memref<!tpu.dma_semaphore, #tpu.memory_space<semaphore_mem>>, %arg33: memref<!tpu.dma_semaphore, #tpu.memory_space<semaphore_mem>>, %arg34: memref<!tpu.dma_semaphore, #tpu.memory_space<semaphore_mem>>, %arg35: memref<!tpu.dma_semaphore, #tpu.memory_space<semaphore_mem>>, %arg36: memref<!tpu.dma_semaphore, #tpu.memory_space<semaphore_mem>>, %arg37: memref<!tpu.dma_semaphore, #tpu.memory_space<semaphore_mem>>, %arg38: memref<!tpu.dma_semaphore, #tpu.memory_space<semaphore_mem>>, %arg39: memref<!tpu.dma_semaphore, #tpu.memory_space<semaphore_mem>>, %arg40: memref<!tpu.dma_semaphore, #tpu.memory_space<semaphore_mem>>, %arg41: memref<!tpu.dma_semaphore, #tpu.memory_space<semaphore_mem>>, %arg42: memref<!tpu.dma_semaphore, #tpu.memory_space<semaphore_mem>>, %arg43: memref<!tpu.dma_semaphore, #tpu.memory_space<semaphore_mem>>) attributes {dimension_semantics = [#tpu.dimension_semantics<core_parallel>, #tpu.dimension_semantics<subcore_parallel>], iteration_bounds = array<i64: 2, 16>, scalar_prefetch = 0 : i64, scratch_operands = 37 : i64, tpu.core_type = #tpu.core_type<sc_vector_subcore>, window_params = [{transform_indices = #map}, {transform_indices = #map1}, {transform_indices = #map1}, {transform_indices = #map}, {transform_indices = #map2}]} {
    %mul3A = arith.constant 640 : i32
    %mul3A_0 = arith.muli %arg1, %mul3A : i32
    %mul3A_1 = arith.constant 640 : i32
    %mul3A_2 = arith.muli %arg1, %mul3A_1 : i32
    "tpu.region"() ({
      %run_scoped3A = tpu.sem_alloc : memref<!tpu.dma_semaphore, #tpu.memory_space<semaphore_mem>>
      %dma_start3A_92 = arith.constant 0 : i32
      %dma_start3A_93 = tpu.memref_slice %arg27[%mul3A_2, %dma_start3A_92] : memref<10240x128xf32, #tpu.memory_space<vmem_shared>> -> memref<640x128xf32, #tpu.memory_space<vmem_shared>>
      %dma_start3A_94 = arith.constant 0 : i32
      %dma_start3A_95 = tpu.memref_slice %arg5[%mul3A_0, %dma_start3A_94] : memref<10240x128xf32, #tpu.memory_space<hbm>> -> memref<640x128xf32, #tpu.memory_space<hbm>>
      tpu.enqueue_dma source(%dma_start3A_95 : memref<640x128xf32, #tpu.memory_space<hbm>>) target(%dma_start3A_93 : memref<640x128xf32, #tpu.memory_space<vmem_shared>>) target_semaphore(%run_scoped3A : memref<!tpu.dma_semaphore, #tpu.memory_space<semaphore_mem>>)
      %dma_wait3A_96 = arith.constant 0 : i32
      %dma_wait3A_97 = tpu.memref_slice %arg27[%mul3A_2, %dma_wait3A_96] : memref<10240x128xf32, #tpu.memory_space<vmem_shared>> -> memref<640x128xf32, #tpu.memory_space<vmem_shared>>
      %dma_wait3A_98 = arith.constant 0 : i32
      %dma_wait3A_99 = tpu.memref_slice %arg5[%mul3A_0, %dma_wait3A_98] : memref<10240x128xf32, #tpu.memory_space<hbm>> -> memref<640x128xf32, #tpu.memory_space<hbm>>
      tpu.wait_dma2 semaphore(%run_scoped3A : memref<!tpu.dma_semaphore, #tpu.memory_space<semaphore_mem>>) src(%dma_wait3A_99 : memref<640x128xf32, #tpu.memory_space<hbm>>) dst(%dma_wait3A_97 : memref<640x128xf32, #tpu.memory_space<vmem_shared>>)
      tpu.yield
    }) : () -> ()
    %barrier3A = arith.constant 0 : index
    tpu.barrier barrier_id(%barrier3A)
    %mul3A_3 = arith.constant 2560 : i32
    %mul3A_4 = arith.muli %arg0, %mul3A_3 : i32
    %mul3A_5 = arith.constant 160 : i32
    %mul3A_6 = arith.muli %arg1, %mul3A_5 : i32
    %add3A = arith.addi %mul3A_4, %mul3A_6 : i32
    %mul3A_7 = arith.constant 64 : i32
    %mul3A_8 = arith.muli %add3A, %mul3A_7 : i32
    %add3A_9 = arith.constant 0 : i32
    %add3A_10 = arith.addi %mul3A_8, %add3A_9 : i32
    %dma_start3A = tpu.memref_slice %arg3[%add3A_10] : memref<327680xi32, #tpu.memory_space<hbm>> -> memref<64xi32, #tpu.memory_space<hbm>>
    %dma_start3A_11 = tpu.memref_slice %arg3[%add3A_10] : memref<327680xi32, #tpu.memory_space<hbm>> -> memref<64xi32, #tpu.memory_space<hbm>>
    tpu.enqueue_dma source(%dma_start3A_11 : memref<64xi32, #tpu.memory_space<hbm>>) target(%arg7 : memref<64xi32, #tpu.memory_space<vmem>>) target_semaphore(%arg28 : memref<!tpu.dma_semaphore, #tpu.memory_space<semaphore_mem>>)
    %add3A_12 = arith.constant 0 : i32
    %add3A_13 = arith.addi %mul3A_8, %add3A_12 : i32
    %dma_start3A_14 = tpu.memref_slice %arg4[%add3A_13] : memref<327680xi32, #tpu.memory_space<hbm>> -> memref<64xi32, #tpu.memory_space<hbm>>
    %dma_start3A_15 = tpu.memref_slice %arg4[%add3A_13] : memref<327680xi32, #tpu.memory_space<hbm>> -> memref<64xi32, #tpu.memory_space<hbm>>
    tpu.enqueue_dma source(%dma_start3A_15 : memref<64xi32, #tpu.memory_space<hbm>>) target(%arg15 : memref<64xi32, #tpu.memory_space<vmem>>) target_semaphore(%arg28 : memref<!tpu.dma_semaphore, #tpu.memory_space<semaphore_mem>>)
    %add3A_16 = arith.constant 64 : i32
    %add3A_17 = arith.addi %mul3A_8, %add3A_16 : i32
    %dma_start3A_18 = tpu.memref_slice %arg3[%add3A_17] : memref<327680xi32, #tpu.memory_space<hbm>> -> memref<64xi32, #tpu.memory_space<hbm>>
    %dma_start3A_19 = tpu.memref_slice %arg3[%add3A_17] : memref<327680xi32, #tpu.memory_space<hbm>> -> memref<64xi32, #tpu.memory_space<hbm>>
    tpu.enqueue_dma source(%dma_start3A_19 : memref<64xi32, #tpu.memory_space<hbm>>) target(%arg8 : memref<64xi32, #tpu.memory_space<vmem>>) target_semaphore(%arg29 : memref<!tpu.dma_semaphore, #tpu.memory_space<semaphore_mem>>)
    %add3A_20 = arith.constant 64 : i32
    %add3A_21 = arith.addi %mul3A_8, %add3A_20 : i32
    %dma_start3A_22 = tpu.memref_slice %arg4[%add3A_21] : memref<327680xi32, #tpu.memory_space<hbm>> -> memref<64xi32, #tpu.memory_space<hbm>>
    %dma_start3A_23 = tpu.memref_slice %arg4[%add3A_21] : memref<327680xi32, #tpu.memory_space<hbm>> -> memref<64xi32, #tpu.memory_space<hbm>>
    tpu.enqueue_dma source(%dma_start3A_23 : memref<64xi32, #tpu.memory_space<hbm>>) target(%arg16 : memref<64xi32, #tpu.memory_space<vmem>>) target_semaphore(%arg29 : memref<!tpu.dma_semaphore, #tpu.memory_space<semaphore_mem>>)
    %add3A_24 = arith.constant 128 : i32
    %add3A_25 = arith.addi %mul3A_8, %add3A_24 : i32
    %dma_start3A_26 = tpu.memref_slice %arg3[%add3A_25] : memref<327680xi32, #tpu.memory_space<hbm>> -> memref<64xi32, #tpu.memory_space<hbm>>
    %dma_start3A_27 = tpu.memref_slice %arg3[%add3A_25] : memref<327680xi32, #tpu.memory_space<hbm>> -> memref<64xi32, #tpu.memory_space<hbm>>
    tpu.enqueue_dma source(%dma_start3A_27 : memref<64xi32, #tpu.memory_space<hbm>>) target(%arg9 : memref<64xi32, #tpu.memory_space<vmem>>) target_semaphore(%arg30 : memref<!tpu.dma_semaphore, #tpu.memory_space<semaphore_mem>>)
    %add3A_28 = arith.constant 128 : i32
    %add3A_29 = arith.addi %mul3A_8, %add3A_28 : i32
    %dma_start3A_30 = tpu.memref_slice %arg4[%add3A_29] : memref<327680xi32, #tpu.memory_space<hbm>> -> memref<64xi32, #tpu.memory_space<hbm>>
    %dma_start3A_31 = tpu.memref_slice %arg4[%add3A_29] : memref<327680xi32, #tpu.memory_space<hbm>> -> memref<64xi32, #tpu.memory_space<hbm>>
    tpu.enqueue_dma source(%dma_start3A_31 : memref<64xi32, #tpu.memory_space<hbm>>) target(%arg17 : memref<64xi32, #tpu.memory_space<vmem>>) target_semaphore(%arg30 : memref<!tpu.dma_semaphore, #tpu.memory_space<semaphore_mem>>)
    %add3A_32 = arith.constant 192 : i32
    %add3A_33 = arith.addi %mul3A_8, %add3A_32 : i32
    %dma_start3A_34 = tpu.memref_slice %arg3[%add3A_33] : memref<327680xi32, #tpu.memory_space<hbm>> -> memref<64xi32, #tpu.memory_space<hbm>>
    %dma_start3A_35 = tpu.memref_slice %arg3[%add3A_33] : memref<327680xi32, #tpu.memory_space<hbm>> -> memref<64xi32, #tpu.memory_space<hbm>>
    tpu.enqueue_dma source(%dma_start3A_35 : memref<64xi32, #tpu.memory_space<hbm>>) target(%arg10 : memref<64xi32, #tpu.memory_space<vmem>>) target_semaphore(%arg31 : memref<!tpu.dma_semaphore, #tpu.memory_space<semaphore_mem>>)
    %add3A_36 = arith.constant 192 : i32
    %add3A_37 = arith.addi %mul3A_8, %add3A_36 : i32
    %dma_start3A_38 = tpu.memref_slice %arg4[%add3A_37] : memref<327680xi32, #tpu.memory_space<hbm>> -> memref<64xi32, #tpu.memory_space<hbm>>
    %dma_start3A_39 = tpu.memref_slice %arg4[%add3A_37] : memref<327680xi32, #tpu.memory_space<hbm>> -> memref<64xi32, #tpu.memory_space<hbm>>
    tpu.enqueue_dma source(%dma_start3A_39 : memref<64xi32, #tpu.memory_space<hbm>>) target(%arg18 : memref<64xi32, #tpu.memory_space<vmem>>) target_semaphore(%arg31 : memref<!tpu.dma_semaphore, #tpu.memory_space<semaphore_mem>>)
    %add3A_40 = arith.constant 256 : i32
    %add3A_41 = arith.addi %mul3A_8, %add3A_40 : i32
    %dma_start3A_42 = tpu.memref_slice %arg3[%add3A_41] : memref<327680xi32, #tpu.memory_space<hbm>> -> memref<64xi32, #tpu.memory_space<hbm>>
    %dma_start3A_43 = tpu.memref_slice %arg3[%add3A_41] : memref<327680xi32, #tpu.memory_space<hbm>> -> memref<64xi32, #tpu.memory_space<hbm>>
    tpu.enqueue_dma source(%dma_start3A_43 : memref<64xi32, #tpu.memory_space<hbm>>) target(%arg11 : memref<64xi32, #tpu.memory_space<vmem>>) target_semaphore(%arg32 : memref<!tpu.dma_semaphore, #tpu.memory_space<semaphore_mem>>)
    %add3A_44 = arith.constant 256 : i32
    %add3A_45 = arith.addi %mul3A_8, %add3A_44 : i32
    %dma_start3A_46 = tpu.memref_slice %arg4[%add3A_45] : memref<327680xi32, #tpu.memory_space<hbm>> -> memref<64xi32, #tpu.memory_space<hbm>>
    %dma_start3A_47 = tpu.memref_slice %arg4[%add3A_45] : memref<327680xi32, #tpu.memory_space<hbm>> -> memref<64xi32, #tpu.memory_space<hbm>>
    tpu.enqueue_dma source(%dma_start3A_47 : memref<64xi32, #tpu.memory_space<hbm>>) target(%arg19 : memref<64xi32, #tpu.memory_space<vmem>>) target_semaphore(%arg32 : memref<!tpu.dma_semaphore, #tpu.memory_space<semaphore_mem>>)
    %add3A_48 = arith.constant 320 : i32
    %add3A_49 = arith.addi %mul3A_8, %add3A_48 : i32
    %dma_start3A_50 = tpu.memref_slice %arg3[%add3A_49] : memref<327680xi32, #tpu.memory_space<hbm>> -> memref<64xi32, #tpu.memory_space<hbm>>
    %dma_start3A_51 = tpu.memref_slice %arg3[%add3A_49] : memref<327680xi32, #tpu.memory_space<hbm>> -> memref<64xi32, #tpu.memory_space<hbm>>
    tpu.enqueue_dma source(%dma_start3A_51 : memref<64xi32, #tpu.memory_space<hbm>>) target(%arg12 : memref<64xi32, #tpu.memory_space<vmem>>) target_semaphore(%arg33 : memref<!tpu.dma_semaphore, #tpu.memory_space<semaphore_mem>>)
    %add3A_52 = arith.constant 320 : i32
    %add3A_53 = arith.addi %mul3A_8, %add3A_52 : i32
    %dma_start3A_54 = tpu.memref_slice %arg4[%add3A_53] : memref<327680xi32, #tpu.memory_space<hbm>> -> memref<64xi32, #tpu.memory_space<hbm>>
    %dma_start3A_55 = tpu.memref_slice %arg4[%add3A_53] : memref<327680xi32, #tpu.memory_space<hbm>> -> memref<64xi32, #tpu.memory_space<hbm>>
    tpu.enqueue_dma source(%dma_start3A_55 : memref<64xi32, #tpu.memory_space<hbm>>) target(%arg20 : memref<64xi32, #tpu.memory_space<vmem>>) target_semaphore(%arg33 : memref<!tpu.dma_semaphore, #tpu.memory_space<semaphore_mem>>)
    %dma_wait3A = arith.constant 0 : i32
    %dma_wait3A_56 = tpu.memref_slice %arg3[%dma_wait3A] : memref<327680xi32, #tpu.memory_space<hbm>> -> memref<64xi32, #tpu.memory_space<hbm>>
    %dma_wait3A_57 = arith.constant 0 : i32
    %dma_wait3A_58 = tpu.memref_slice %arg3[%dma_wait3A_57] : memref<327680xi32, #tpu.memory_space<hbm>> -> memref<64xi32, #tpu.memory_space<hbm>>
    tpu.wait_dma2 semaphore(%arg28 : memref<!tpu.dma_semaphore, #tpu.memory_space<semaphore_mem>>) src(%dma_wait3A_58 : memref<64xi32, #tpu.memory_space<hbm>>) dst(%arg7 : memref<64xi32, #tpu.memory_space<vmem>>)
    %dma_wait3A_59 = arith.constant 0 : i32
    %dma_wait3A_60 = tpu.memref_slice %arg4[%dma_wait3A_59] : memref<327680xi32, #tpu.memory_space<hbm>> -> memref<64xi32, #tpu.memory_space<hbm>>
    %dma_wait3A_61 = arith.constant 0 : i32
    %dma_wait3A_62 = tpu.memref_slice %arg4[%dma_wait3A_61] : memref<327680xi32, #tpu.memory_space<hbm>> -> memref<64xi32, #tpu.memory_space<hbm>>
    tpu.wait_dma2 semaphore(%arg28 : memref<!tpu.dma_semaphore, #tpu.memory_space<semaphore_mem>>) src(%dma_wait3A_62 : memref<64xi32, #tpu.memory_space<hbm>>) dst(%arg15 : memref<64xi32, #tpu.memory_space<vmem>>)
    %dma_start3A_63 = arith.constant 0 : i32
    %dma_start3A_64 = arith.constant 0 : i32
    %dma_start3A_65 = tpu.memref_slice %arg2[%dma_start3A_63, %dma_start3A_64] : memref<10000x128xf32, #tpu.memory_space<hbm>> -> memref<10000x128xf32, #tpu.memory_space<hbm>>
    tpu.enqueue_indirect_dma source(%dma_start3A_65 : memref<10000x128xf32, #tpu.memory_space<hbm>>) target(%arg23 : memref<64x128xf32, #tpu.memory_space<vmem>>) offsets(%arg7 : memref<64xi32, #tpu.memory_space<vmem>>) semaphore(%arg36 : memref<!tpu.dma_semaphore, #tpu.memory_space<semaphore_mem>>)
    %dma_wait3A_66 = arith.constant 0 : i32
    %dma_wait3A_67 = tpu.memref_slice %arg3[%dma_wait3A_66] : memref<327680xi32, #tpu.memory_space<hbm>> -> memref<64xi32, #tpu.memory_space<hbm>>
    %dma_wait3A_68 = arith.constant 0 : i32
    %dma_wait3A_69 = tpu.memref_slice %arg3[%dma_wait3A_68] : memref<327680xi32, #tpu.memory_space<hbm>> -> memref<64xi32, #tpu.memory_space<hbm>>
    tpu.wait_dma2 semaphore(%arg29 : memref<!tpu.dma_semaphore, #tpu.memory_space<semaphore_mem>>) src(%dma_wait3A_69 : memref<64xi32, #tpu.memory_space<hbm>>) dst(%arg8 : memref<64xi32, #tpu.memory_space<vmem>>)
    %dma_wait3A_70 = arith.constant 0 : i32
    %dma_wait3A_71 = tpu.memref_slice %arg4[%dma_wait3A_70] : memref<327680xi32, #tpu.memory_space<hbm>> -> memref<64xi32, #tpu.memory_space<hbm>>
    %dma_wait3A_72 = arith.constant 0 : i32
    %dma_wait3A_73 = tpu.memref_slice %arg4[%dma_wait3A_72] : memref<327680xi32, #tpu.memory_space<hbm>> -> memref<64xi32, #tpu.memory_space<hbm>>
    tpu.wait_dma2 semaphore(%arg29 : memref<!tpu.dma_semaphore, #tpu.memory_space<semaphore_mem>>) src(%dma_wait3A_73 : memref<64xi32, #tpu.memory_space<hbm>>) dst(%arg16 : memref<64xi32, #tpu.memory_space<vmem>>)
    %dma_start3A_74 = arith.constant 0 : i32
    %dma_start3A_75 = arith.constant 0 : i32
    %dma_start3A_76 = tpu.memref_slice %arg2[%dma_start3A_74, %dma_start3A_75] : memref<10000x128xf32, #tpu.memory_space<hbm>> -> memref<10000x128xf32, #tpu.memory_space<hbm>>
    tpu.enqueue_indirect_dma source(%dma_start3A_76 : memref<10000x128xf32, #tpu.memory_space<hbm>>) target(%arg24 : memref<64x128xf32, #tpu.memory_space<vmem>>) offsets(%arg8 : memref<64xi32, #tpu.memory_space<vmem>>) semaphore(%arg37 : memref<!tpu.dma_semaphore, #tpu.memory_space<semaphore_mem>>)
    %scan3A = arith.constant 0 : i32
    %scan3A_77 = arith.constant 20 : i32
    %scan3A_78 = arith.addi %scan3A, %scan3A_77 : i32
    %scan3A_79 = arith.constant 1 : i32
    scf.for %scan3A_92 = %scan3A to %scan3A_78 step %scan3A_79  : i32 {
      %mul3A_93 = arith.constant 1 : i32
      %mul3A_94 = arith.muli %scan3A_92, %mul3A_93 : i32
      %add3A_95 = arith.constant 0 : i32
      %add3A_96 = arith.addi %add3A_95, %mul3A_94 : i32
      %mul3A_97 = arith.constant 8 : i32
      %mul3A_98 = arith.muli %add3A_96, %mul3A_97 : i32
      %dma_wait3A_99 = arith.constant 0 : i32
      %dma_wait3A_100 = arith.constant 0 : i32
      %dma_wait3A_101 = tpu.memref_slice %arg2[%dma_wait3A_99, %dma_wait3A_100] : memref<10000x128xf32, #tpu.memory_space<hbm>> -> memref<10000x128xf32, #tpu.memory_space<hbm>>
      tpu.wait_indirect_dma semaphore(%arg36 : memref<!tpu.dma_semaphore, #tpu.memory_space<semaphore_mem>>) src(%dma_wait3A_101 : memref<10000x128xf32, #tpu.memory_space<hbm>>) dst(%arg23 : memref<64x128xf32, #tpu.memory_space<vmem>>)
      %dma_start3A_102 = arith.constant 0 : i32
      %dma_start3A_103 = arith.constant 0 : i32
      %dma_start3A_104 = tpu.memref_slice %arg27[%dma_start3A_102, %dma_start3A_103] : memref<10240x128xf32, #tpu.memory_space<vmem_shared>> -> memref<10240x128xf32, #tpu.memory_space<vmem_shared>>
      tpu.enqueue_indirect_dma source(%arg23 : memref<64x128xf32, #tpu.memory_space<vmem>>) target(%dma_start3A_104 : memref<10240x128xf32, #tpu.memory_space<vmem_shared>>) offsets(%arg15 : memref<64xi32, #tpu.memory_space<vmem>>) semaphore(%arg40 : memref<!tpu.dma_semaphore, #tpu.memory_space<semaphore_mem>>) {add = true}
      %gt3A = arith.constant 0 : i32
      %gt3A_105 = arith.cmpi sgt, %add3A_96, %gt3A : i32
      %convert_element_type3A = arith.extui %gt3A_105 : i1 to i32
      %cond3A = arith.constant 0 : i32
      %cond3A_106 = arith.cmpi ne, %convert_element_type3A, %cond3A : i32
      scf.if %cond3A_106 {
        %dma_wait3A_305 = arith.constant 0 : i32
        %dma_wait3A_306 = arith.constant 0 : i32
        %dma_wait3A_307 = tpu.memref_slice %arg27[%dma_wait3A_305, %dma_wait3A_306] : memref<10240x128xf32, #tpu.memory_space<vmem_shared>> -> memref<10240x128xf32, #tpu.memory_space<vmem_shared>>
        tpu.wait_indirect_dma semaphore(%arg42 : memref<!tpu.dma_semaphore, #tpu.memory_space<semaphore_mem>>) src(%arg25 : memref<64x128xf32, #tpu.memory_space<vmem>>) dst(%dma_wait3A_307 : memref<10240x128xf32, #tpu.memory_space<vmem_shared>>)
      } else {
      }
      %add3A_107 = arith.constant 0 : i32
      %add3A_108 = arith.addi %mul3A_98, %add3A_107 : i32
      %add3A_109 = arith.constant 6 : i32
      %add3A_110 = arith.addi %add3A_108, %add3A_109 : i32
      %mul3A_111 = arith.constant 64 : i32
      %mul3A_112 = arith.muli %add3A_110, %mul3A_111 : i32
      %add3A_113 = arith.addi %mul3A_8, %mul3A_112 : i32
      %dma_start3A_114 = tpu.memref_slice %arg3[%add3A_113] : memref<327680xi32, #tpu.memory_space<hbm>> -> memref<64xi32, #tpu.memory_space<hbm>>
      %dma_start3A_115 = tpu.memref_slice %arg3[%add3A_113] : memref<327680xi32, #tpu.memory_space<hbm>> -> memref<64xi32, #tpu.memory_space<hbm>>
      tpu.enqueue_dma source(%dma_start3A_115 : memref<64xi32, #tpu.memory_space<hbm>>) target(%arg13 : memref<64xi32, #tpu.memory_space<vmem>>) target_semaphore(%arg34 : memref<!tpu.dma_semaphore, #tpu.memory_space<semaphore_mem>>)
      %mul3A_116 = arith.constant 64 : i32
      %mul3A_117 = arith.muli %add3A_110, %mul3A_116 : i32
      %add3A_118 = arith.addi %mul3A_8, %mul3A_117 : i32
      %dma_start3A_119 = tpu.memref_slice %arg4[%add3A_118] : memref<327680xi32, #tpu.memory_space<hbm>> -> memref<64xi32, #tpu.memory_space<hbm>>
      %dma_start3A_120 = tpu.memref_slice %arg4[%add3A_118] : memref<327680xi32, #tpu.memory_space<hbm>> -> memref<64xi32, #tpu.memory_space<hbm>>
      tpu.enqueue_dma source(%dma_start3A_120 : memref<64xi32, #tpu.memory_space<hbm>>) target(%arg21 : memref<64xi32, #tpu.memory_space<vmem>>) target_semaphore(%arg34 : memref<!tpu.dma_semaphore, #tpu.memory_space<semaphore_mem>>)
      %dma_wait3A_121 = arith.constant 0 : i32
      %dma_wait3A_122 = tpu.memref_slice %arg3[%dma_wait3A_121] : memref<327680xi32, #tpu.memory_space<hbm>> -> memref<64xi32, #tpu.memory_space<hbm>>
      %dma_wait3A_123 = arith.constant 0 : i32
      %dma_wait3A_124 = tpu.memref_slice %arg3[%dma_wait3A_123] : memref<327680xi32, #tpu.memory_space<hbm>> -> memref<64xi32, #tpu.memory_space<hbm>>
      tpu.wait_dma2 semaphore(%arg30 : memref<!tpu.dma_semaphore, #tpu.memory_space<semaphore_mem>>) src(%dma_wait3A_124 : memref<64xi32, #tpu.memory_space<hbm>>) dst(%arg9 : memref<64xi32, #tpu.memory_space<vmem>>)
      %dma_wait3A_125 = arith.constant 0 : i32
      %dma_wait3A_126 = tpu.memref_slice %arg4[%dma_wait3A_125] : memref<327680xi32, #tpu.memory_space<hbm>> -> memref<64xi32, #tpu.memory_space<hbm>>
      %dma_wait3A_127 = arith.constant 0 : i32
      %dma_wait3A_128 = tpu.memref_slice %arg4[%dma_wait3A_127] : memref<327680xi32, #tpu.memory_space<hbm>> -> memref<64xi32, #tpu.memory_space<hbm>>
      tpu.wait_dma2 semaphore(%arg30 : memref<!tpu.dma_semaphore, #tpu.memory_space<semaphore_mem>>) src(%dma_wait3A_128 : memref<64xi32, #tpu.memory_space<hbm>>) dst(%arg17 : memref<64xi32, #tpu.memory_space<vmem>>)
      %dma_start3A_129 = arith.constant 0 : i32
      %dma_start3A_130 = arith.constant 0 : i32
      %dma_start3A_131 = tpu.memref_slice %arg2[%dma_start3A_129, %dma_start3A_130] : memref<10000x128xf32, #tpu.memory_space<hbm>> -> memref<10000x128xf32, #tpu.memory_space<hbm>>
      tpu.enqueue_indirect_dma source(%dma_start3A_131 : memref<10000x128xf32, #tpu.memory_space<hbm>>) target(%arg25 : memref<64x128xf32, #tpu.memory_space<vmem>>) offsets(%arg9 : memref<64xi32, #tpu.memory_space<vmem>>) semaphore(%arg38 : memref<!tpu.dma_semaphore, #tpu.memory_space<semaphore_mem>>)
      %dma_wait3A_132 = arith.constant 0 : i32
      %dma_wait3A_133 = arith.constant 0 : i32
      %dma_wait3A_134 = tpu.memref_slice %arg2[%dma_wait3A_132, %dma_wait3A_133] : memref<10000x128xf32, #tpu.memory_space<hbm>> -> memref<10000x128xf32, #tpu.memory_space<hbm>>
      tpu.wait_indirect_dma semaphore(%arg37 : memref<!tpu.dma_semaphore, #tpu.memory_space<semaphore_mem>>) src(%dma_wait3A_134 : memref<10000x128xf32, #tpu.memory_space<hbm>>) dst(%arg24 : memref<64x128xf32, #tpu.memory_space<vmem>>)
      %dma_start3A_135 = arith.constant 0 : i32
      %dma_start3A_136 = arith.constant 0 : i32
      %dma_start3A_137 = tpu.memref_slice %arg27[%dma_start3A_135, %dma_start3A_136] : memref<10240x128xf32, #tpu.memory_space<vmem_shared>> -> memref<10240x128xf32, #tpu.memory_space<vmem_shared>>
      tpu.enqueue_indirect_dma source(%arg24 : memref<64x128xf32, #tpu.memory_space<vmem>>) target(%dma_start3A_137 : memref<10240x128xf32, #tpu.memory_space<vmem_shared>>) offsets(%arg16 : memref<64xi32, #tpu.memory_space<vmem>>) semaphore(%arg41 : memref<!tpu.dma_semaphore, #tpu.memory_space<semaphore_mem>>) {add = true}
      %gt3A_138 = arith.constant 0 : i32
      %gt3A_139 = arith.cmpi sgt, %add3A_96, %gt3A_138 : i32
      %convert_element_type3A_140 = arith.extui %gt3A_139 : i1 to i32
      %cond3A_141 = arith.constant 0 : i32
      %cond3A_142 = arith.cmpi ne, %convert_element_type3A_140, %cond3A_141 : i32
      scf.if %cond3A_142 {
        %dma_wait3A_305 = arith.constant 0 : i32
        %dma_wait3A_306 = arith.constant 0 : i32
        %dma_wait3A_307 = tpu.memref_slice %arg27[%dma_wait3A_305, %dma_wait3A_306] : memref<10240x128xf32, #tpu.memory_space<vmem_shared>> -> memref<10240x128xf32, #tpu.memory_space<vmem_shared>>
        tpu.wait_indirect_dma semaphore(%arg43 : memref<!tpu.dma_semaphore, #tpu.memory_space<semaphore_mem>>) src(%arg26 : memref<64x128xf32, #tpu.memory_space<vmem>>) dst(%dma_wait3A_307 : memref<10240x128xf32, #tpu.memory_space<vmem_shared>>)
      } else {
      }
      %add3A_143 = arith.constant 1 : i32
      %add3A_144 = arith.addi %mul3A_98, %add3A_143 : i32
      %add3A_145 = arith.constant 6 : i32
      %add3A_146 = arith.addi %add3A_144, %add3A_145 : i32
      %mul3A_147 = arith.constant 64 : i32
      %mul3A_148 = arith.muli %add3A_146, %mul3A_147 : i32
      %add3A_149 = arith.addi %mul3A_8, %mul3A_148 : i32
      %dma_start3A_150 = tpu.memref_slice %arg3[%add3A_149] : memref<327680xi32, #tpu.memory_space<hbm>> -> memref<64xi32, #tpu.memory_space<hbm>>
      %dma_start3A_151 = tpu.memref_slice %arg3[%add3A_149] : memref<327680xi32, #tpu.memory_space<hbm>> -> memref<64xi32, #tpu.memory_space<hbm>>
      tpu.enqueue_dma source(%dma_start3A_151 : memref<64xi32, #tpu.memory_space<hbm>>) target(%arg14 : memref<64xi32, #tpu.memory_space<vmem>>) target_semaphore(%arg35 : memref<!tpu.dma_semaphore, #tpu.memory_space<semaphore_mem>>)
      %mul3A_152 = arith.constant 64 : i32
      %mul3A_153 = arith.muli %add3A_146, %mul3A_152 : i32
      %add3A_154 = arith.addi %mul3A_8, %mul3A_153 : i32
      %dma_start3A_155 = tpu.memref_slice %arg4[%add3A_154] : memref<327680xi32, #tpu.memory_space<hbm>> -> memref<64xi32, #tpu.memory_space<hbm>>
      %dma_start3A_156 = tpu.memref_slice %arg4[%add3A_154] : memref<327680xi32, #tpu.memory_space<hbm>> -> memref<64xi32, #tpu.memory_space<hbm>>
      tpu.enqueue_dma source(%dma_start3A_156 : memref<64xi32, #tpu.memory_space<hbm>>) target(%arg22 : memref<64xi32, #tpu.memory_space<vmem>>) target_semaphore(%arg35 : memref<!tpu.dma_semaphore, #tpu.memory_space<semaphore_mem>>)
      %dma_wait3A_157 = arith.constant 0 : i32
      %dma_wait3A_158 = tpu.memref_slice %arg3[%dma_wait3A_157] : memref<327680xi32, #tpu.memory_space<hbm>> -> memref<64xi32, #tpu.memory_space<hbm>>
      %dma_wait3A_159 = arith.constant 0 : i32
      %dma_wait3A_160 = tpu.memref_slice %arg3[%dma_wait3A_159] : memref<327680xi32, #tpu.memory_space<hbm>> -> memref<64xi32, #tpu.memory_space<hbm>>
      tpu.wait_dma2 semaphore(%arg31 : memref<!tpu.dma_semaphore, #tpu.memory_space<semaphore_mem>>) src(%dma_wait3A_160 : memref<64xi32, #tpu.memory_space<hbm>>) dst(%arg10 : memref<64xi32, #tpu.memory_space<vmem>>)
      %dma_wait3A_161 = arith.constant 0 : i32
      %dma_wait3A_162 = tpu.memref_slice %arg4[%dma_wait3A_161] : memref<327680xi32, #tpu.memory_space<hbm>> -> memref<64xi32, #tpu.memory_space<hbm>>
      %dma_wait3A_163 = arith.constant 0 : i32
      %dma_wait3A_164 = tpu.memref_slice %arg4[%dma_wait3A_163] : memref<327680xi32, #tpu.memory_space<hbm>> -> memref<64xi32, #tpu.memory_space<hbm>>
      tpu.wait_dma2 semaphore(%arg31 : memref<!tpu.dma_semaphore, #tpu.memory_space<semaphore_mem>>) src(%dma_wait3A_164 : memref<64xi32, #tpu.memory_space<hbm>>) dst(%arg18 : memref<64xi32, #tpu.memory_space<vmem>>)
      %dma_start3A_165 = arith.constant 0 : i32
      %dma_start3A_166 = arith.constant 0 : i32
      %dma_start3A_167 = tpu.memref_slice %arg2[%dma_start3A_165, %dma_start3A_166] : memref<10000x128xf32, #tpu.memory_space<hbm>> -> memref<10000x128xf32, #tpu.memory_space<hbm>>
      tpu.enqueue_indirect_dma source(%dma_start3A_167 : memref<10000x128xf32, #tpu.memory_space<hbm>>) target(%arg26 : memref<64x128xf32, #tpu.memory_space<vmem>>) offsets(%arg10 : memref<64xi32, #tpu.memory_space<vmem>>) semaphore(%arg39 : memref<!tpu.dma_semaphore, #tpu.memory_space<semaphore_mem>>)
      %dma_wait3A_168 = arith.constant 0 : i32
      %dma_wait3A_169 = arith.constant 0 : i32
      %dma_wait3A_170 = tpu.memref_slice %arg2[%dma_wait3A_168, %dma_wait3A_169] : memref<10000x128xf32, #tpu.memory_space<hbm>> -> memref<10000x128xf32, #tpu.memory_space<hbm>>
      tpu.wait_indirect_dma semaphore(%arg38 : memref<!tpu.dma_semaphore, #tpu.memory_space<semaphore_mem>>) src(%dma_wait3A_170 : memref<10000x128xf32, #tpu.memory_space<hbm>>) dst(%arg25 : memref<64x128xf32, #tpu.memory_space<vmem>>)
      %dma_start3A_171 = arith.constant 0 : i32
      %dma_start3A_172 = arith.constant 0 : i32
      %dma_start3A_173 = tpu.memref_slice %arg27[%dma_start3A_171, %dma_start3A_172] : memref<10240x128xf32, #tpu.memory_space<vmem_shared>> -> memref<10240x128xf32, #tpu.memory_space<vmem_shared>>
      tpu.enqueue_indirect_dma source(%arg25 : memref<64x128xf32, #tpu.memory_space<vmem>>) target(%dma_start3A_173 : memref<10240x128xf32, #tpu.memory_space<vmem_shared>>) offsets(%arg17 : memref<64xi32, #tpu.memory_space<vmem>>) semaphore(%arg42 : memref<!tpu.dma_semaphore, #tpu.memory_space<semaphore_mem>>) {add = true}
      %dma_wait3A_174 = arith.constant 0 : i32
      %dma_wait3A_175 = arith.constant 0 : i32
      %dma_wait3A_176 = tpu.memref_slice %arg27[%dma_wait3A_174, %dma_wait3A_175] : memref<10240x128xf32, #tpu.memory_space<vmem_shared>> -> memref<10240x128xf32, #tpu.memory_space<vmem_shared>>
      tpu.wait_indirect_dma semaphore(%arg40 : memref<!tpu.dma_semaphore, #tpu.memory_space<semaphore_mem>>) src(%arg23 : memref<64x128xf32, #tpu.memory_space<vmem>>) dst(%dma_wait3A_176 : memref<10240x128xf32, #tpu.memory_space<vmem_shared>>)
      %lt3A = arith.constant 19 : i32
      %lt3A_177 = arith.cmpi slt, %add3A_96, %lt3A : i32
      %convert_element_type3A_178 = arith.extui %lt3A_177 : i1 to i32
      %cond3A_179 = arith.constant 0 : i32
      %cond3A_180 = arith.cmpi ne, %convert_element_type3A_178, %cond3A_179 : i32
      scf.if %cond3A_180 {
        %add3A_305 = arith.constant 2 : i32
        %add3A_306 = arith.addi %mul3A_98, %add3A_305 : i32
        %add3A_307 = arith.constant 6 : i32
        %add3A_308 = arith.addi %add3A_306, %add3A_307 : i32
        %mul3A_309 = arith.constant 64 : i32
        %mul3A_310 = arith.muli %add3A_308, %mul3A_309 : i32
        %add3A_311 = arith.addi %mul3A_8, %mul3A_310 : i32
        %dma_start3A_312 = tpu.memref_slice %arg3[%add3A_311] : memref<327680xi32, #tpu.memory_space<hbm>> -> memref<64xi32, #tpu.memory_space<hbm>>
        %dma_start3A_313 = tpu.memref_slice %arg3[%add3A_311] : memref<327680xi32, #tpu.memory_space<hbm>> -> memref<64xi32, #tpu.memory_space<hbm>>
        tpu.enqueue_dma source(%dma_start3A_313 : memref<64xi32, #tpu.memory_space<hbm>>) target(%arg7 : memref<64xi32, #tpu.memory_space<vmem>>) target_semaphore(%arg28 : memref<!tpu.dma_semaphore, #tpu.memory_space<semaphore_mem>>)
        %mul3A_314 = arith.constant 64 : i32
        %mul3A_315 = arith.muli %add3A_308, %mul3A_314 : i32
        %add3A_316 = arith.addi %mul3A_8, %mul3A_315 : i32
        %dma_start3A_317 = tpu.memref_slice %arg4[%add3A_316] : memref<327680xi32, #tpu.memory_space<hbm>> -> memref<64xi32, #tpu.memory_space<hbm>>
        %dma_start3A_318 = tpu.memref_slice %arg4[%add3A_316] : memref<327680xi32, #tpu.memory_space<hbm>> -> memref<64xi32, #tpu.memory_space<hbm>>
        tpu.enqueue_dma source(%dma_start3A_318 : memref<64xi32, #tpu.memory_space<hbm>>) target(%arg15 : memref<64xi32, #tpu.memory_space<vmem>>) target_semaphore(%arg28 : memref<!tpu.dma_semaphore, #tpu.memory_space<semaphore_mem>>)
      } else {
      }
      %dma_wait3A_181 = arith.constant 0 : i32
      %dma_wait3A_182 = tpu.memref_slice %arg3[%dma_wait3A_181] : memref<327680xi32, #tpu.memory_space<hbm>> -> memref<64xi32, #tpu.memory_space<hbm>>
      %dma_wait3A_183 = arith.constant 0 : i32
      %dma_wait3A_184 = tpu.memref_slice %arg3[%dma_wait3A_183] : memref<327680xi32, #tpu.memory_space<hbm>> -> memref<64xi32, #tpu.memory_space<hbm>>
      tpu.wait_dma2 semaphore(%arg32 : memref<!tpu.dma_semaphore, #tpu.memory_space<semaphore_mem>>) src(%dma_wait3A_184 : memref<64xi32, #tpu.memory_space<hbm>>) dst(%arg11 : memref<64xi32, #tpu.memory_space<vmem>>)
      %dma_wait3A_185 = arith.constant 0 : i32
      %dma_wait3A_186 = tpu.memref_slice %arg4[%dma_wait3A_185] : memref<327680xi32, #tpu.memory_space<hbm>> -> memref<64xi32, #tpu.memory_space<hbm>>
      %dma_wait3A_187 = arith.constant 0 : i32
      %dma_wait3A_188 = tpu.memref_slice %arg4[%dma_wait3A_187] : memref<327680xi32, #tpu.memory_space<hbm>> -> memref<64xi32, #tpu.memory_space<hbm>>
      tpu.wait_dma2 semaphore(%arg32 : memref<!tpu.dma_semaphore, #tpu.memory_space<semaphore_mem>>) src(%dma_wait3A_188 : memref<64xi32, #tpu.memory_space<hbm>>) dst(%arg19 : memref<64xi32, #tpu.memory_space<vmem>>)
      %dma_start3A_189 = arith.constant 0 : i32
      %dma_start3A_190 = arith.constant 0 : i32
      %dma_start3A_191 = tpu.memref_slice %arg2[%dma_start3A_189, %dma_start3A_190] : memref<10000x128xf32, #tpu.memory_space<hbm>> -> memref<10000x128xf32, #tpu.memory_space<hbm>>
      tpu.enqueue_indirect_dma source(%dma_start3A_191 : memref<10000x128xf32, #tpu.memory_space<hbm>>) target(%arg23 : memref<64x128xf32, #tpu.memory_space<vmem>>) offsets(%arg11 : memref<64xi32, #tpu.memory_space<vmem>>) semaphore(%arg36 : memref<!tpu.dma_semaphore, #tpu.memory_space<semaphore_mem>>)
      %dma_wait3A_192 = arith.constant 0 : i32
      %dma_wait3A_193 = arith.constant 0 : i32
      %dma_wait3A_194 = tpu.memref_slice %arg2[%dma_wait3A_192, %dma_wait3A_193] : memref<10000x128xf32, #tpu.memory_space<hbm>> -> memref<10000x128xf32, #tpu.memory_space<hbm>>
      tpu.wait_indirect_dma semaphore(%arg39 : memref<!tpu.dma_semaphore, #tpu.memory_space<semaphore_mem>>) src(%dma_wait3A_194 : memref<10000x128xf32, #tpu.memory_space<hbm>>) dst(%arg26 : memref<64x128xf32, #tpu.memory_space<vmem>>)
      %dma_start3A_195 = arith.constant 0 : i32
      %dma_start3A_196 = arith.constant 0 : i32
      %dma_start3A_197 = tpu.memref_slice %arg27[%dma_start3A_195, %dma_start3A_196] : memref<10240x128xf32, #tpu.memory_space<vmem_shared>> -> memref<10240x128xf32, #tpu.memory_space<vmem_shared>>
      tpu.enqueue_indirect_dma source(%arg26 : memref<64x128xf32, #tpu.memory_space<vmem>>) target(%dma_start3A_197 : memref<10240x128xf32, #tpu.memory_space<vmem_shared>>) offsets(%arg18 : memref<64xi32, #tpu.memory_space<vmem>>) semaphore(%arg43 : memref<!tpu.dma_semaphore, #tpu.memory_space<semaphore_mem>>) {add = true}
      %dma_wait3A_198 = arith.constant 0 : i32
      %dma_wait3A_199 = arith.constant 0 : i32
      %dma_wait3A_200 = tpu.memref_slice %arg27[%dma_wait3A_198, %dma_wait3A_199] : memref<10240x128xf32, #tpu.memory_space<vmem_shared>> -> memref<10240x128xf32, #tpu.memory_space<vmem_shared>>
      tpu.wait_indirect_dma semaphore(%arg41 : memref<!tpu.dma_semaphore, #tpu.memory_space<semaphore_mem>>) src(%arg24 : memref<64x128xf32, #tpu.memory_space<vmem>>) dst(%dma_wait3A_200 : memref<10240x128xf32, #tpu.memory_space<vmem_shared>>)
      %lt3A_201 = arith.constant 19 : i32
      %lt3A_202 = arith.cmpi slt, %add3A_96, %lt3A_201 : i32
      %convert_element_type3A_203 = arith.extui %lt3A_202 : i1 to i32
      %cond3A_204 = arith.constant 0 : i32
      %cond3A_205 = arith.cmpi ne, %convert_element_type3A_203, %cond3A_204 : i32
      scf.if %cond3A_205 {
        %add3A_305 = arith.constant 3 : i32
        %add3A_306 = arith.addi %mul3A_98, %add3A_305 : i32
        %add3A_307 = arith.constant 6 : i32
        %add3A_308 = arith.addi %add3A_306, %add3A_307 : i32
        %mul3A_309 = arith.constant 64 : i32
        %mul3A_310 = arith.muli %add3A_308, %mul3A_309 : i32
        %add3A_311 = arith.addi %mul3A_8, %mul3A_310 : i32
        %dma_start3A_312 = tpu.memref_slice %arg3[%add3A_311] : memref<327680xi32, #tpu.memory_space<hbm>> -> memref<64xi32, #tpu.memory_space<hbm>>
        %dma_start3A_313 = tpu.memref_slice %arg3[%add3A_311] : memref<327680xi32, #tpu.memory_space<hbm>> -> memref<64xi32, #tpu.memory_space<hbm>>
        tpu.enqueue_dma source(%dma_start3A_313 : memref<64xi32, #tpu.memory_space<hbm>>) target(%arg8 : memref<64xi32, #tpu.memory_space<vmem>>) target_semaphore(%arg29 : memref<!tpu.dma_semaphore, #tpu.memory_space<semaphore_mem>>)
        %mul3A_314 = arith.constant 64 : i32
        %mul3A_315 = arith.muli %add3A_308, %mul3A_314 : i32
        %add3A_316 = arith.addi %mul3A_8, %mul3A_315 : i32
        %dma_start3A_317 = tpu.memref_slice %arg4[%add3A_316] : memref<327680xi32, #tpu.memory_space<hbm>> -> memref<64xi32, #tpu.memory_space<hbm>>
        %dma_start3A_318 = tpu.memref_slice %arg4[%add3A_316] : memref<327680xi32, #tpu.memory_space<hbm>> -> memref<64xi32, #tpu.memory_space<hbm>>
        tpu.enqueue_dma source(%dma_start3A_318 : memref<64xi32, #tpu.memory_space<hbm>>) target(%arg16 : memref<64xi32, #tpu.memory_space<vmem>>) target_semaphore(%arg29 : memref<!tpu.dma_semaphore, #tpu.memory_space<semaphore_mem>>)
      } else {
      }
      %dma_wait3A_206 = arith.constant 0 : i32
      %dma_wait3A_207 = tpu.memref_slice %arg3[%dma_wait3A_206] : memref<327680xi32, #tpu.memory_space<hbm>> -> memref<64xi32, #tpu.memory_space<hbm>>
      %dma_wait3A_208 = arith.constant 0 : i32
      %dma_wait3A_209 = tpu.memref_slice %arg3[%dma_wait3A_208] : memref<327680xi32, #tpu.memory_space<hbm>> -> memref<64xi32, #tpu.memory_space<hbm>>
      tpu.wait_dma2 semaphore(%arg33 : memref<!tpu.dma_semaphore, #tpu.memory_space<semaphore_mem>>) src(%dma_wait3A_209 : memref<64xi32, #tpu.memory_space<hbm>>) dst(%arg12 : memref<64xi32, #tpu.memory_space<vmem>>)
      %dma_wait3A_210 = arith.constant 0 : i32
      %dma_wait3A_211 = tpu.memref_slice %arg4[%dma_wait3A_210] : memref<327680xi32, #tpu.memory_space<hbm>> -> memref<64xi32, #tpu.memory_space<hbm>>
      %dma_wait3A_212 = arith.constant 0 : i32
      %dma_wait3A_213 = tpu.memref_slice %arg4[%dma_wait3A_212] : memref<327680xi32, #tpu.memory_space<hbm>> -> memref<64xi32, #tpu.memory_space<hbm>>
      tpu.wait_dma2 semaphore(%arg33 : memref<!tpu.dma_semaphore, #tpu.memory_space<semaphore_mem>>) src(%dma_wait3A_213 : memref<64xi32, #tpu.memory_space<hbm>>) dst(%arg20 : memref<64xi32, #tpu.memory_space<vmem>>)
      %dma_start3A_214 = arith.constant 0 : i32
      %dma_start3A_215 = arith.constant 0 : i32
      %dma_start3A_216 = tpu.memref_slice %arg2[%dma_start3A_214, %dma_start3A_215] : memref<10000x128xf32, #tpu.memory_space<hbm>> -> memref<10000x128xf32, #tpu.memory_space<hbm>>
      tpu.enqueue_indirect_dma source(%dma_start3A_216 : memref<10000x128xf32, #tpu.memory_space<hbm>>) target(%arg24 : memref<64x128xf32, #tpu.memory_space<vmem>>) offsets(%arg12 : memref<64xi32, #tpu.memory_space<vmem>>) semaphore(%arg37 : memref<!tpu.dma_semaphore, #tpu.memory_space<semaphore_mem>>)
      %dma_wait3A_217 = arith.constant 0 : i32
      %dma_wait3A_218 = arith.constant 0 : i32
      %dma_wait3A_219 = tpu.memref_slice %arg2[%dma_wait3A_217, %dma_wait3A_218] : memref<10000x128xf32, #tpu.memory_space<hbm>> -> memref<10000x128xf32, #tpu.memory_space<hbm>>
      tpu.wait_indirect_dma semaphore(%arg36 : memref<!tpu.dma_semaphore, #tpu.memory_space<semaphore_mem>>) src(%dma_wait3A_219 : memref<10000x128xf32, #tpu.memory_space<hbm>>) dst(%arg23 : memref<64x128xf32, #tpu.memory_space<vmem>>)
      %dma_start3A_220 = arith.constant 0 : i32
      %dma_start3A_221 = arith.constant 0 : i32
      %dma_start3A_222 = tpu.memref_slice %arg27[%dma_start3A_220, %dma_start3A_221] : memref<10240x128xf32, #tpu.memory_space<vmem_shared>> -> memref<10240x128xf32, #tpu.memory_space<vmem_shared>>
      tpu.enqueue_indirect_dma source(%arg23 : memref<64x128xf32, #tpu.memory_space<vmem>>) target(%dma_start3A_222 : memref<10240x128xf32, #tpu.memory_space<vmem_shared>>) offsets(%arg19 : memref<64xi32, #tpu.memory_space<vmem>>) semaphore(%arg40 : memref<!tpu.dma_semaphore, #tpu.memory_space<semaphore_mem>>) {add = true}
      %dma_wait3A_223 = arith.constant 0 : i32
      %dma_wait3A_224 = arith.constant 0 : i32
      %dma_wait3A_225 = tpu.memref_slice %arg27[%dma_wait3A_223, %dma_wait3A_224] : memref<10240x128xf32, #tpu.memory_space<vmem_shared>> -> memref<10240x128xf32, #tpu.memory_space<vmem_shared>>
      tpu.wait_indirect_dma semaphore(%arg42 : memref<!tpu.dma_semaphore, #tpu.memory_space<semaphore_mem>>) src(%arg25 : memref<64x128xf32, #tpu.memory_space<vmem>>) dst(%dma_wait3A_225 : memref<10240x128xf32, #tpu.memory_space<vmem_shared>>)
      %lt3A_226 = arith.constant 19 : i32
      %lt3A_227 = arith.cmpi slt, %add3A_96, %lt3A_226 : i32
      %convert_element_type3A_228 = arith.extui %lt3A_227 : i1 to i32
      %cond3A_229 = arith.constant 0 : i32
      %cond3A_230 = arith.cmpi ne, %convert_element_type3A_228, %cond3A_229 : i32
      scf.if %cond3A_230 {
        %add3A_305 = arith.constant 4 : i32
        %add3A_306 = arith.addi %mul3A_98, %add3A_305 : i32
        %add3A_307 = arith.constant 6 : i32
        %add3A_308 = arith.addi %add3A_306, %add3A_307 : i32
        %mul3A_309 = arith.constant 64 : i32
        %mul3A_310 = arith.muli %add3A_308, %mul3A_309 : i32
        %add3A_311 = arith.addi %mul3A_8, %mul3A_310 : i32
        %dma_start3A_312 = tpu.memref_slice %arg3[%add3A_311] : memref<327680xi32, #tpu.memory_space<hbm>> -> memref<64xi32, #tpu.memory_space<hbm>>
        %dma_start3A_313 = tpu.memref_slice %arg3[%add3A_311] : memref<327680xi32, #tpu.memory_space<hbm>> -> memref<64xi32, #tpu.memory_space<hbm>>
        tpu.enqueue_dma source(%dma_start3A_313 : memref<64xi32, #tpu.memory_space<hbm>>) target(%arg9 : memref<64xi32, #tpu.memory_space<vmem>>) target_semaphore(%arg30 : memref<!tpu.dma_semaphore, #tpu.memory_space<semaphore_mem>>)
        %mul3A_314 = arith.constant 64 : i32
        %mul3A_315 = arith.muli %add3A_308, %mul3A_314 : i32
        %add3A_316 = arith.addi %mul3A_8, %mul3A_315 : i32
        %dma_start3A_317 = tpu.memref_slice %arg4[%add3A_316] : memref<327680xi32, #tpu.memory_space<hbm>> -> memref<64xi32, #tpu.memory_space<hbm>>
        %dma_start3A_318 = tpu.memref_slice %arg4[%add3A_316] : memref<327680xi32, #tpu.memory_space<hbm>> -> memref<64xi32, #tpu.memory_space<hbm>>
        tpu.enqueue_dma source(%dma_start3A_318 : memref<64xi32, #tpu.memory_space<hbm>>) target(%arg17 : memref<64xi32, #tpu.memory_space<vmem>>) target_semaphore(%arg30 : memref<!tpu.dma_semaphore, #tpu.memory_space<semaphore_mem>>)
      } else {
      }
      %dma_wait3A_231 = arith.constant 0 : i32
      %dma_wait3A_232 = tpu.memref_slice %arg3[%dma_wait3A_231] : memref<327680xi32, #tpu.memory_space<hbm>> -> memref<64xi32, #tpu.memory_space<hbm>>
      %dma_wait3A_233 = arith.constant 0 : i32
      %dma_wait3A_234 = tpu.memref_slice %arg3[%dma_wait3A_233] : memref<327680xi32, #tpu.memory_space<hbm>> -> memref<64xi32, #tpu.memory_space<hbm>>
      tpu.wait_dma2 semaphore(%arg34 : memref<!tpu.dma_semaphore, #tpu.memory_space<semaphore_mem>>) src(%dma_wait3A_234 : memref<64xi32, #tpu.memory_space<hbm>>) dst(%arg13 : memref<64xi32, #tpu.memory_space<vmem>>)
      %dma_wait3A_235 = arith.constant 0 : i32
      %dma_wait3A_236 = tpu.memref_slice %arg4[%dma_wait3A_235] : memref<327680xi32, #tpu.memory_space<hbm>> -> memref<64xi32, #tpu.memory_space<hbm>>
      %dma_wait3A_237 = arith.constant 0 : i32
      %dma_wait3A_238 = tpu.memref_slice %arg4[%dma_wait3A_237] : memref<327680xi32, #tpu.memory_space<hbm>> -> memref<64xi32, #tpu.memory_space<hbm>>
      tpu.wait_dma2 semaphore(%arg34 : memref<!tpu.dma_semaphore, #tpu.memory_space<semaphore_mem>>) src(%dma_wait3A_238 : memref<64xi32, #tpu.memory_space<hbm>>) dst(%arg21 : memref<64xi32, #tpu.memory_space<vmem>>)
      %dma_start3A_239 = arith.constant 0 : i32
      %dma_start3A_240 = arith.constant 0 : i32
      %dma_start3A_241 = tpu.memref_slice %arg2[%dma_start3A_239, %dma_start3A_240] : memref<10000x128xf32, #tpu.memory_space<hbm>> -> memref<10000x128xf32, #tpu.memory_space<hbm>>
      tpu.enqueue_indirect_dma source(%dma_start3A_241 : memref<10000x128xf32, #tpu.memory_space<hbm>>) target(%arg25 : memref<64x128xf32, #tpu.memory_space<vmem>>) offsets(%arg13 : memref<64xi32, #tpu.memory_space<vmem>>) semaphore(%arg38 : memref<!tpu.dma_semaphore, #tpu.memory_space<semaphore_mem>>)
      %dma_wait3A_242 = arith.constant 0 : i32
      %dma_wait3A_243 = arith.constant 0 : i32
      %dma_wait3A_244 = tpu.memref_slice %arg2[%dma_wait3A_242, %dma_wait3A_243] : memref<10000x128xf32, #tpu.memory_space<hbm>> -> memref<10000x128xf32, #tpu.memory_space<hbm>>
      tpu.wait_indirect_dma semaphore(%arg37 : memref<!tpu.dma_semaphore, #tpu.memory_space<semaphore_mem>>) src(%dma_wait3A_244 : memref<10000x128xf32, #tpu.memory_space<hbm>>) dst(%arg24 : memref<64x128xf32, #tpu.memory_space<vmem>>)
      %dma_start3A_245 = arith.constant 0 : i32
      %dma_start3A_246 = arith.constant 0 : i32
      %dma_start3A_247 = tpu.memref_slice %arg27[%dma_start3A_245, %dma_start3A_246] : memref<10240x128xf32, #tpu.memory_space<vmem_shared>> -> memref<10240x128xf32, #tpu.memory_space<vmem_shared>>
      tpu.enqueue_indirect_dma source(%arg24 : memref<64x128xf32, #tpu.memory_space<vmem>>) target(%dma_start3A_247 : memref<10240x128xf32, #tpu.memory_space<vmem_shared>>) offsets(%arg20 : memref<64xi32, #tpu.memory_space<vmem>>) semaphore(%arg41 : memref<!tpu.dma_semaphore, #tpu.memory_space<semaphore_mem>>) {add = true}
      %dma_wait3A_248 = arith.constant 0 : i32
      %dma_wait3A_249 = arith.constant 0 : i32
      %dma_wait3A_250 = tpu.memref_slice %arg27[%dma_wait3A_248, %dma_wait3A_249] : memref<10240x128xf32, #tpu.memory_space<vmem_shared>> -> memref<10240x128xf32, #tpu.memory_space<vmem_shared>>
      tpu.wait_indirect_dma semaphore(%arg43 : memref<!tpu.dma_semaphore, #tpu.memory_space<semaphore_mem>>) src(%arg26 : memref<64x128xf32, #tpu.memory_space<vmem>>) dst(%dma_wait3A_250 : memref<10240x128xf32, #tpu.memory_space<vmem_shared>>)
      %lt3A_251 = arith.constant 19 : i32
      %lt3A_252 = arith.cmpi slt, %add3A_96, %lt3A_251 : i32
      %convert_element_type3A_253 = arith.extui %lt3A_252 : i1 to i32
      %cond3A_254 = arith.constant 0 : i32
      %cond3A_255 = arith.cmpi ne, %convert_element_type3A_253, %cond3A_254 : i32
      scf.if %cond3A_255 {
        %add3A_305 = arith.constant 5 : i32
        %add3A_306 = arith.addi %mul3A_98, %add3A_305 : i32
        %add3A_307 = arith.constant 6 : i32
        %add3A_308 = arith.addi %add3A_306, %add3A_307 : i32
        %mul3A_309 = arith.constant 64 : i32
        %mul3A_310 = arith.muli %add3A_308, %mul3A_309 : i32
        %add3A_311 = arith.addi %mul3A_8, %mul3A_310 : i32
        %dma_start3A_312 = tpu.memref_slice %arg3[%add3A_311] : memref<327680xi32, #tpu.memory_space<hbm>> -> memref<64xi32, #tpu.memory_space<hbm>>
        %dma_start3A_313 = tpu.memref_slice %arg3[%add3A_311] : memref<327680xi32, #tpu.memory_space<hbm>> -> memref<64xi32, #tpu.memory_space<hbm>>
        tpu.enqueue_dma source(%dma_start3A_313 : memref<64xi32, #tpu.memory_space<hbm>>) target(%arg10 : memref<64xi32, #tpu.memory_space<vmem>>) target_semaphore(%arg31 : memref<!tpu.dma_semaphore, #tpu.memory_space<semaphore_mem>>)
        %mul3A_314 = arith.constant 64 : i32
        %mul3A_315 = arith.muli %add3A_308, %mul3A_314 : i32
        %add3A_316 = arith.addi %mul3A_8, %mul3A_315 : i32
        %dma_start3A_317 = tpu.memref_slice %arg4[%add3A_316] : memref<327680xi32, #tpu.memory_space<hbm>> -> memref<64xi32, #tpu.memory_space<hbm>>
        %dma_start3A_318 = tpu.memref_slice %arg4[%add3A_316] : memref<327680xi32, #tpu.memory_space<hbm>> -> memref<64xi32, #tpu.memory_space<hbm>>
        tpu.enqueue_dma source(%dma_start3A_318 : memref<64xi32, #tpu.memory_space<hbm>>) target(%arg18 : memref<64xi32, #tpu.memory_space<vmem>>) target_semaphore(%arg31 : memref<!tpu.dma_semaphore, #tpu.memory_space<semaphore_mem>>)
      } else {
      }
      %dma_wait3A_256 = arith.constant 0 : i32
      %dma_wait3A_257 = tpu.memref_slice %arg3[%dma_wait3A_256] : memref<327680xi32, #tpu.memory_space<hbm>> -> memref<64xi32, #tpu.memory_space<hbm>>
      %dma_wait3A_258 = arith.constant 0 : i32
      %dma_wait3A_259 = tpu.memref_slice %arg3[%dma_wait3A_258] : memref<327680xi32, #tpu.memory_space<hbm>> -> memref<64xi32, #tpu.memory_space<hbm>>
      tpu.wait_dma2 semaphore(%arg35 : memref<!tpu.dma_semaphore, #tpu.memory_space<semaphore_mem>>) src(%dma_wait3A_259 : memref<64xi32, #tpu.memory_space<hbm>>) dst(%arg14 : memref<64xi32, #tpu.memory_space<vmem>>)
      %dma_wait3A_260 = arith.constant 0 : i32
      %dma_wait3A_261 = tpu.memref_slice %arg4[%dma_wait3A_260] : memref<327680xi32, #tpu.memory_space<hbm>> -> memref<64xi32, #tpu.memory_space<hbm>>
      %dma_wait3A_262 = arith.constant 0 : i32
      %dma_wait3A_263 = tpu.memref_slice %arg4[%dma_wait3A_262] : memref<327680xi32, #tpu.memory_space<hbm>> -> memref<64xi32, #tpu.memory_space<hbm>>
      tpu.wait_dma2 semaphore(%arg35 : memref<!tpu.dma_semaphore, #tpu.memory_space<semaphore_mem>>) src(%dma_wait3A_263 : memref<64xi32, #tpu.memory_space<hbm>>) dst(%arg22 : memref<64xi32, #tpu.memory_space<vmem>>)
      %dma_start3A_264 = arith.constant 0 : i32
      %dma_start3A_265 = arith.constant 0 : i32
      %dma_start3A_266 = tpu.memref_slice %arg2[%dma_start3A_264, %dma_start3A_265] : memref<10000x128xf32, #tpu.memory_space<hbm>> -> memref<10000x128xf32, #tpu.memory_space<hbm>>
      tpu.enqueue_indirect_dma source(%dma_start3A_266 : memref<10000x128xf32, #tpu.memory_space<hbm>>) target(%arg26 : memref<64x128xf32, #tpu.memory_space<vmem>>) offsets(%arg14 : memref<64xi32, #tpu.memory_space<vmem>>) semaphore(%arg39 : memref<!tpu.dma_semaphore, #tpu.memory_space<semaphore_mem>>)
      %dma_wait3A_267 = arith.constant 0 : i32
      %dma_wait3A_268 = arith.constant 0 : i32
      %dma_wait3A_269 = tpu.memref_slice %arg2[%dma_wait3A_267, %dma_wait3A_268] : memref<10000x128xf32, #tpu.memory_space<hbm>> -> memref<10000x128xf32, #tpu.memory_space<hbm>>
      tpu.wait_indirect_dma semaphore(%arg38 : memref<!tpu.dma_semaphore, #tpu.memory_space<semaphore_mem>>) src(%dma_wait3A_269 : memref<10000x128xf32, #tpu.memory_space<hbm>>) dst(%arg25 : memref<64x128xf32, #tpu.memory_space<vmem>>)
      %dma_start3A_270 = arith.constant 0 : i32
      %dma_start3A_271 = arith.constant 0 : i32
      %dma_start3A_272 = tpu.memref_slice %arg27[%dma_start3A_270, %dma_start3A_271] : memref<10240x128xf32, #tpu.memory_space<vmem_shared>> -> memref<10240x128xf32, #tpu.memory_space<vmem_shared>>
      tpu.enqueue_indirect_dma source(%arg25 : memref<64x128xf32, #tpu.memory_space<vmem>>) target(%dma_start3A_272 : memref<10240x128xf32, #tpu.memory_space<vmem_shared>>) offsets(%arg21 : memref<64xi32, #tpu.memory_space<vmem>>) semaphore(%arg42 : memref<!tpu.dma_semaphore, #tpu.memory_space<semaphore_mem>>) {add = true}
      %dma_wait3A_273 = arith.constant 0 : i32
      %dma_wait3A_274 = arith.constant 0 : i32
      %dma_wait3A_275 = tpu.memref_slice %arg27[%dma_wait3A_273, %dma_wait3A_274] : memref<10240x128xf32, #tpu.memory_space<vmem_shared>> -> memref<10240x128xf32, #tpu.memory_space<vmem_shared>>
      tpu.wait_indirect_dma semaphore(%arg40 : memref<!tpu.dma_semaphore, #tpu.memory_space<semaphore_mem>>) src(%arg23 : memref<64x128xf32, #tpu.memory_space<vmem>>) dst(%dma_wait3A_275 : memref<10240x128xf32, #tpu.memory_space<vmem_shared>>)
      %lt3A_276 = arith.constant 19 : i32
      %lt3A_277 = arith.cmpi slt, %add3A_96, %lt3A_276 : i32
      %convert_element_type3A_278 = arith.extui %lt3A_277 : i1 to i32
      %cond3A_279 = arith.constant 0 : i32
      %cond3A_280 = arith.cmpi ne, %convert_element_type3A_278, %cond3A_279 : i32
      scf.if %cond3A_280 {
        %add3A_305 = arith.constant 6 : i32
        %add3A_306 = arith.addi %mul3A_98, %add3A_305 : i32
        %add3A_307 = arith.constant 6 : i32
        %add3A_308 = arith.addi %add3A_306, %add3A_307 : i32
        %mul3A_309 = arith.constant 64 : i32
        %mul3A_310 = arith.muli %add3A_308, %mul3A_309 : i32
        %add3A_311 = arith.addi %mul3A_8, %mul3A_310 : i32
        %dma_start3A_312 = tpu.memref_slice %arg3[%add3A_311] : memref<327680xi32, #tpu.memory_space<hbm>> -> memref<64xi32, #tpu.memory_space<hbm>>
        %dma_start3A_313 = tpu.memref_slice %arg3[%add3A_311] : memref<327680xi32, #tpu.memory_space<hbm>> -> memref<64xi32, #tpu.memory_space<hbm>>
        tpu.enqueue_dma source(%dma_start3A_313 : memref<64xi32, #tpu.memory_space<hbm>>) target(%arg11 : memref<64xi32, #tpu.memory_space<vmem>>) target_semaphore(%arg32 : memref<!tpu.dma_semaphore, #tpu.memory_space<semaphore_mem>>)
        %mul3A_314 = arith.constant 64 : i32
        %mul3A_315 = arith.muli %add3A_308, %mul3A_314 : i32
        %add3A_316 = arith.addi %mul3A_8, %mul3A_315 : i32
        %dma_start3A_317 = tpu.memref_slice %arg4[%add3A_316] : memref<327680xi32, #tpu.memory_space<hbm>> -> memref<64xi32, #tpu.memory_space<hbm>>
        %dma_start3A_318 = tpu.memref_slice %arg4[%add3A_316] : memref<327680xi32, #tpu.memory_space<hbm>> -> memref<64xi32, #tpu.memory_space<hbm>>
        tpu.enqueue_dma source(%dma_start3A_318 : memref<64xi32, #tpu.memory_space<hbm>>) target(%arg19 : memref<64xi32, #tpu.memory_space<vmem>>) target_semaphore(%arg32 : memref<!tpu.dma_semaphore, #tpu.memory_space<semaphore_mem>>)
      } else {
      }
      %lt3A_281 = arith.constant 19 : i32
      %lt3A_282 = arith.cmpi slt, %add3A_96, %lt3A_281 : i32
      %convert_element_type3A_283 = arith.extui %lt3A_282 : i1 to i32
      %cond3A_284 = arith.constant 0 : i32
      %cond3A_285 = arith.cmpi ne, %convert_element_type3A_283, %cond3A_284 : i32
      scf.if %cond3A_285 {
        %dma_wait3A_305 = arith.constant 0 : i32
        %dma_wait3A_306 = tpu.memref_slice %arg3[%dma_wait3A_305] : memref<327680xi32, #tpu.memory_space<hbm>> -> memref<64xi32, #tpu.memory_space<hbm>>
        %dma_wait3A_307 = arith.constant 0 : i32
        %dma_wait3A_308 = tpu.memref_slice %arg3[%dma_wait3A_307] : memref<327680xi32, #tpu.memory_space<hbm>> -> memref<64xi32, #tpu.memory_space<hbm>>
        tpu.wait_dma2 semaphore(%arg28 : memref<!tpu.dma_semaphore, #tpu.memory_space<semaphore_mem>>) src(%dma_wait3A_308 : memref<64xi32, #tpu.memory_space<hbm>>) dst(%arg7 : memref<64xi32, #tpu.memory_space<vmem>>)
        %dma_wait3A_309 = arith.constant 0 : i32
        %dma_wait3A_310 = tpu.memref_slice %arg4[%dma_wait3A_309] : memref<327680xi32, #tpu.memory_space<hbm>> -> memref<64xi32, #tpu.memory_space<hbm>>
        %dma_wait3A_311 = arith.constant 0 : i32
        %dma_wait3A_312 = tpu.memref_slice %arg4[%dma_wait3A_311] : memref<327680xi32, #tpu.memory_space<hbm>> -> memref<64xi32, #tpu.memory_space<hbm>>
        tpu.wait_dma2 semaphore(%arg28 : memref<!tpu.dma_semaphore, #tpu.memory_space<semaphore_mem>>) src(%dma_wait3A_312 : memref<64xi32, #tpu.memory_space<hbm>>) dst(%arg15 : memref<64xi32, #tpu.memory_space<vmem>>)
        %dma_start3A_313 = arith.constant 0 : i32
        %dma_start3A_314 = arith.constant 0 : i32
        %dma_start3A_315 = tpu.memref_slice %arg2[%dma_start3A_313, %dma_start3A_314] : memref<10000x128xf32, #tpu.memory_space<hbm>> -> memref<10000x128xf32, #tpu.memory_space<hbm>>
        tpu.enqueue_indirect_dma source(%dma_start3A_315 : memref<10000x128xf32, #tpu.memory_space<hbm>>) target(%arg23 : memref<64x128xf32, #tpu.memory_space<vmem>>) offsets(%arg7 : memref<64xi32, #tpu.memory_space<vmem>>) semaphore(%arg36 : memref<!tpu.dma_semaphore, #tpu.memory_space<semaphore_mem>>)
      } else {
      }
      %dma_wait3A_286 = arith.constant 0 : i32
      %dma_wait3A_287 = arith.constant 0 : i32
      %dma_wait3A_288 = tpu.memref_slice %arg2[%dma_wait3A_286, %dma_wait3A_287] : memref<10000x128xf32, #tpu.memory_space<hbm>> -> memref<10000x128xf32, #tpu.memory_space<hbm>>
      tpu.wait_indirect_dma semaphore(%arg39 : memref<!tpu.dma_semaphore, #tpu.memory_space<semaphore_mem>>) src(%dma_wait3A_288 : memref<10000x128xf32, #tpu.memory_space<hbm>>) dst(%arg26 : memref<64x128xf32, #tpu.memory_space<vmem>>)
      %dma_start3A_289 = arith.constant 0 : i32
      %dma_start3A_290 = arith.constant 0 : i32
      %dma_start3A_291 = tpu.memref_slice %arg27[%dma_start3A_289, %dma_start3A_290] : memref<10240x128xf32, #tpu.memory_space<vmem_shared>> -> memref<10240x128xf32, #tpu.memory_space<vmem_shared>>
      tpu.enqueue_indirect_dma source(%arg26 : memref<64x128xf32, #tpu.memory_space<vmem>>) target(%dma_start3A_291 : memref<10240x128xf32, #tpu.memory_space<vmem_shared>>) offsets(%arg22 : memref<64xi32, #tpu.memory_space<vmem>>) semaphore(%arg43 : memref<!tpu.dma_semaphore, #tpu.memory_space<semaphore_mem>>) {add = true}
      %dma_wait3A_292 = arith.constant 0 : i32
      %dma_wait3A_293 = arith.constant 0 : i32
      %dma_wait3A_294 = tpu.memref_slice %arg27[%dma_wait3A_292, %dma_wait3A_293] : memref<10240x128xf32, #tpu.memory_space<vmem_shared>> -> memref<10240x128xf32, #tpu.memory_space<vmem_shared>>
      tpu.wait_indirect_dma semaphore(%arg41 : memref<!tpu.dma_semaphore, #tpu.memory_space<semaphore_mem>>) src(%arg24 : memref<64x128xf32, #tpu.memory_space<vmem>>) dst(%dma_wait3A_294 : memref<10240x128xf32, #tpu.memory_space<vmem_shared>>)
      %lt3A_295 = arith.constant 19 : i32
      %lt3A_296 = arith.cmpi slt, %add3A_96, %lt3A_295 : i32
      %convert_element_type3A_297 = arith.extui %lt3A_296 : i1 to i32
      %cond3A_298 = arith.constant 0 : i32
      %cond3A_299 = arith.cmpi ne, %convert_element_type3A_297, %cond3A_298 : i32
      scf.if %cond3A_299 {
        %add3A_305 = arith.constant 7 : i32
        %add3A_306 = arith.addi %mul3A_98, %add3A_305 : i32
        %add3A_307 = arith.constant 6 : i32
        %add3A_308 = arith.addi %add3A_306, %add3A_307 : i32
        %mul3A_309 = arith.constant 64 : i32
        %mul3A_310 = arith.muli %add3A_308, %mul3A_309 : i32
        %add3A_311 = arith.addi %mul3A_8, %mul3A_310 : i32
        %dma_start3A_312 = tpu.memref_slice %arg3[%add3A_311] : memref<327680xi32, #tpu.memory_space<hbm>> -> memref<64xi32, #tpu.memory_space<hbm>>
        %dma_start3A_313 = tpu.memref_slice %arg3[%add3A_311] : memref<327680xi32, #tpu.memory_space<hbm>> -> memref<64xi32, #tpu.memory_space<hbm>>
        tpu.enqueue_dma source(%dma_start3A_313 : memref<64xi32, #tpu.memory_space<hbm>>) target(%arg12 : memref<64xi32, #tpu.memory_space<vmem>>) target_semaphore(%arg33 : memref<!tpu.dma_semaphore, #tpu.memory_space<semaphore_mem>>)
        %mul3A_314 = arith.constant 64 : i32
        %mul3A_315 = arith.muli %add3A_308, %mul3A_314 : i32
        %add3A_316 = arith.addi %mul3A_8, %mul3A_315 : i32
        %dma_start3A_317 = tpu.memref_slice %arg4[%add3A_316] : memref<327680xi32, #tpu.memory_space<hbm>> -> memref<64xi32, #tpu.memory_space<hbm>>
        %dma_start3A_318 = tpu.memref_slice %arg4[%add3A_316] : memref<327680xi32, #tpu.memory_space<hbm>> -> memref<64xi32, #tpu.memory_space<hbm>>
        tpu.enqueue_dma source(%dma_start3A_318 : memref<64xi32, #tpu.memory_space<hbm>>) target(%arg20 : memref<64xi32, #tpu.memory_space<vmem>>) target_semaphore(%arg33 : memref<!tpu.dma_semaphore, #tpu.memory_space<semaphore_mem>>)
      } else {
      }
      %lt3A_300 = arith.constant 19 : i32
      %lt3A_301 = arith.cmpi slt, %add3A_96, %lt3A_300 : i32
      %convert_element_type3A_302 = arith.extui %lt3A_301 : i1 to i32
      %cond3A_303 = arith.constant 0 : i32
      %cond3A_304 = arith.cmpi ne, %convert_element_type3A_302, %cond3A_303 : i32
      scf.if %cond3A_304 {
        %dma_wait3A_305 = arith.constant 0 : i32
        %dma_wait3A_306 = tpu.memref_slice %arg3[%dma_wait3A_305] : memref<327680xi32, #tpu.memory_space<hbm>> -> memref<64xi32, #tpu.memory_space<hbm>>
        %dma_wait3A_307 = arith.constant 0 : i32
        %dma_wait3A_308 = tpu.memref_slice %arg3[%dma_wait3A_307] : memref<327680xi32, #tpu.memory_space<hbm>> -> memref<64xi32, #tpu.memory_space<hbm>>
        tpu.wait_dma2 semaphore(%arg29 : memref<!tpu.dma_semaphore, #tpu.memory_space<semaphore_mem>>) src(%dma_wait3A_308 : memref<64xi32, #tpu.memory_space<hbm>>) dst(%arg8 : memref<64xi32, #tpu.memory_space<vmem>>)
        %dma_wait3A_309 = arith.constant 0 : i32
        %dma_wait3A_310 = tpu.memref_slice %arg4[%dma_wait3A_309] : memref<327680xi32, #tpu.memory_space<hbm>> -> memref<64xi32, #tpu.memory_space<hbm>>
        %dma_wait3A_311 = arith.constant 0 : i32
        %dma_wait3A_312 = tpu.memref_slice %arg4[%dma_wait3A_311] : memref<327680xi32, #tpu.memory_space<hbm>> -> memref<64xi32, #tpu.memory_space<hbm>>
        tpu.wait_dma2 semaphore(%arg29 : memref<!tpu.dma_semaphore, #tpu.memory_space<semaphore_mem>>) src(%dma_wait3A_312 : memref<64xi32, #tpu.memory_space<hbm>>) dst(%arg16 : memref<64xi32, #tpu.memory_space<vmem>>)
        %dma_start3A_313 = arith.constant 0 : i32
        %dma_start3A_314 = arith.constant 0 : i32
        %dma_start3A_315 = tpu.memref_slice %arg2[%dma_start3A_313, %dma_start3A_314] : memref<10000x128xf32, #tpu.memory_space<hbm>> -> memref<10000x128xf32, #tpu.memory_space<hbm>>
        tpu.enqueue_indirect_dma source(%dma_start3A_315 : memref<10000x128xf32, #tpu.memory_space<hbm>>) target(%arg24 : memref<64x128xf32, #tpu.memory_space<vmem>>) offsets(%arg8 : memref<64xi32, #tpu.memory_space<vmem>>) semaphore(%arg37 : memref<!tpu.dma_semaphore, #tpu.memory_space<semaphore_mem>>)
      } else {
      }
    }
    %scan3A_80 = arith.constant 20 : i32
    %dma_wait3A_81 = arith.constant 0 : i32
    %dma_wait3A_82 = arith.constant 0 : i32
    %dma_wait3A_83 = tpu.memref_slice %arg27[%dma_wait3A_81, %dma_wait3A_82] : memref<10240x128xf32, #tpu.memory_space<vmem_shared>> -> memref<10240x128xf32, #tpu.memory_space<vmem_shared>>
    tpu.wait_indirect_dma semaphore(%arg42 : memref<!tpu.dma_semaphore, #tpu.memory_space<semaphore_mem>>) src(%arg25 : memref<64x128xf32, #tpu.memory_space<vmem>>) dst(%dma_wait3A_83 : memref<10240x128xf32, #tpu.memory_space<vmem_shared>>)
    %dma_wait3A_84 = arith.constant 0 : i32
    %dma_wait3A_85 = arith.constant 0 : i32
    %dma_wait3A_86 = tpu.memref_slice %arg27[%dma_wait3A_84, %dma_wait3A_85] : memref<10240x128xf32, #tpu.memory_space<vmem_shared>> -> memref<10240x128xf32, #tpu.memory_space<vmem_shared>>
    tpu.wait_indirect_dma semaphore(%arg43 : memref<!tpu.dma_semaphore, #tpu.memory_space<semaphore_mem>>) src(%arg26 : memref<64x128xf32, #tpu.memory_space<vmem>>) dst(%dma_wait3A_86 : memref<10240x128xf32, #tpu.memory_space<vmem_shared>>)
    %barrier3A_87 = arith.constant 0 : index
    tpu.barrier barrier_id(%barrier3A_87)
    %mul3A_88 = arith.constant 640 : i32
    %mul3A_89 = arith.muli %arg1, %mul3A_88 : i32
    %mul3A_90 = arith.constant 640 : i32
    %mul3A_91 = arith.muli %arg1, %mul3A_90 : i32
    "tpu.region"() ({
      %run_scoped3A = tpu.sem_alloc : memref<!tpu.dma_semaphore, #tpu.memory_space<semaphore_mem>>
      %dma_start3A_92 = arith.constant 0 : i32
      %dma_start3A_93 = tpu.memref_slice %arg6[%arg0, %mul3A_91, %dma_start3A_92] : memref<2x10240x128xf32, #tpu.memory_space<hbm>> -> memref<1x640x128xf32, #tpu.memory_space<hbm>>
      %dma_start3A_94 = tpu.memref_squeeze %dma_start3A_93 : memref<1x640x128xf32, #tpu.memory_space<hbm>> -> memref<640x128xf32, #tpu.memory_space<hbm>>
      %dma_start3A_95 = arith.constant 0 : i32
      %dma_start3A_96 = tpu.memref_slice %arg27[%mul3A_89, %dma_start3A_95] : memref<10240x128xf32, #tpu.memory_space<vmem_shared>> -> memref<640x128xf32, #tpu.memory_space<vmem_shared>>
      tpu.enqueue_dma source(%dma_start3A_96 : memref<640x128xf32, #tpu.memory_space<vmem_shared>>) target(%dma_start3A_94 : memref<640x128xf32, #tpu.memory_space<hbm>>) target_semaphore(%run_scoped3A : memref<!tpu.dma_semaphore, #tpu.memory_space<semaphore_mem>>)
      %dma_wait3A_97 = arith.constant 0 : i32
      %dma_wait3A_98 = tpu.memref_slice %arg6[%arg0, %mul3A_91, %dma_wait3A_97] : memref<2x10240x128xf32, #tpu.memory_space<hbm>> -> memref<1x640x128xf32, #tpu.memory_space<hbm>>
      %dma_wait3A_99 = tpu.memref_squeeze %dma_wait3A_98 : memref<1x640x128xf32, #tpu.memory_space<hbm>> -> memref<640x128xf32, #tpu.memory_space<hbm>>
      %dma_wait3A_100 = arith.constant 0 : i32
      %dma_wait3A_101 = tpu.memref_slice %arg27[%mul3A_89, %dma_wait3A_100] : memref<10240x128xf32, #tpu.memory_space<vmem_shared>> -> memref<640x128xf32, #tpu.memory_space<vmem_shared>>
      tpu.wait_dma2 semaphore(%run_scoped3A : memref<!tpu.dma_semaphore, #tpu.memory_space<semaphore_mem>>) src(%dma_wait3A_101 : memref<640x128xf32, #tpu.memory_space<vmem_shared>>) dst(%dma_wait3A_99 : memref<640x128xf32, #tpu.memory_space<hbm>>)
      tpu.yield
    }) : () -> ()
    return
  }
}

module attributes {stable_mosaic.version = 14 : i64} {
  func.func @body(%arg0: memref<2x10240x128xf32, #tpu.memory_space<vmem>>, %arg1: memref<10000x128xf32, #tpu.memory_space<vmem>>, %arg2: memref<128x128xf32, #tpu.memory_space<vmem>>, %arg3: memref<10240x128xf32, #tpu.memory_space<vmem>>, %arg4: memref<10000x128xf32, #tpu.memory_space<vmem>>) attributes {dimension_semantics = [], scalar_prefetch = 0 : i64, scratch_operands = 0 : i64, tpu.core_type = #tpu.core_type<tc>} {
    %get3A = arith.constant 0 : index
    %get3A_0 = arith.constant 0 : index
    %get3A_1 = arith.constant 0 : index
    %get3A_2 = vector.load %arg0[%get3A, %get3A_0, %get3A_1] : memref<2x10240x128xf32, #tpu.memory_space<vmem>>, vector<1x10240x128xf32>
    %get3A_3 = vector.shape_cast %get3A_2 : vector<1x10240x128xf32> to vector<10240x128xf32>
    %get3A_4 = arith.constant 1 : index
    %get3A_5 = arith.constant 0 : index
    %get3A_6 = arith.constant 0 : index
    %get3A_7 = vector.load %arg0[%get3A_4, %get3A_5, %get3A_6] : memref<2x10240x128xf32, #tpu.memory_space<vmem>>, vector<1x10240x128xf32>
    %get3A_8 = vector.shape_cast %get3A_7 : vector<1x10240x128xf32> to vector<10240x128xf32>
    %add3A = arith.addf %get3A_3, %get3A_8 : vector<10240x128xf32>
    %max3A = arith.constant 1.000000e+00 : f32
    %max3A_9 = vector.broadcast %max3A : f32 to vector<10240x128xf32>
    %max3A_10 = arith.maximumf %add3A, %max3A_9 : vector<10240x128xf32>
    %rsqrt3A = math.rsqrt %max3A_10 : vector<10240x128xf32>
    %swap3A = arith.constant 0 : index
    %swap3A_11 = arith.constant 0 : index
    %swap3A_12 = vector.load %arg3[%swap3A, %swap3A_11] : memref<10240x128xf32, #tpu.memory_space<vmem>>, vector<10240x128xf32>
    tpu.vector_store %arg3[%swap3A, %swap3A_11], %rsqrt3A {strides = array<i32>} : memref<10240x128xf32, #tpu.memory_space<vmem>>, vector<10240x128xf32>,
    %get3A_13 = arith.constant 0 : index
    %get3A_14 = arith.constant 0 : index
    %get3A_15 = vector.load %arg1[%get3A_13, %get3A_14] : memref<10000x128xf32, #tpu.memory_space<vmem>>, vector<10000x128xf32>
    %get3A_16 = arith.constant 0 : index
    %get3A_17 = arith.constant 0 : index
    %get3A_18 = vector.load %arg2[%get3A_16, %get3A_17] : memref<128x128xf32, #tpu.memory_space<vmem>>, vector<128x128xf32>
    %dot_general3A = arith.constant dense<0.000000e+00> : vector<10000x128xf32>
    %dot_general3A_19 = tpu.matmul %get3A_15, %get3A_18, %dot_general3A {dimension_numbers = #tpu.dot_dimension_numbers<[1], [0], [0], [1], [0, 0, 1, 1], [], []>, transpose_lhs_hint = false} : vector<10000x128xf32>, vector<128x128xf32>, vector<10000x128xf32> -> vector<10000x128xf32>
    %slice3A = vector.extract_strided_slice %rsqrt3A {offsets = [0, 0], sizes = [10000, 1], strides = [1, 1]} : vector<10240x128xf32> to vector<10000x1xf32>
    %mul3A = vector.broadcast %slice3A : vector<10000x1xf32> to vector<10000x128xf32>
    %mul3A_20 = arith.mulf %dot_general3A_19, %mul3A : vector<10000x128xf32>
    %swap3A_21 = arith.constant 0 : index
    %swap3A_22 = arith.constant 0 : index
    %swap3A_23 = vector.load %arg4[%swap3A_21, %swap3A_22] : memref<10000x128xf32, #tpu.memory_space<vmem>>, vector<10000x128xf32>
    tpu.vector_store %arg4[%swap3A_21, %swap3A_22], %mul3A_20 {strides = array<i32>} : memref<10000x128xf32, #tpu.memory_space<vmem>>, vector<10000x128xf32>,
    return
  }
}

module attributes {stable_mosaic.version = 14 : i64} {
  func.func @body(%arg0: memref<2x10240x128xf32, #tpu.memory_space<vmem>>, %arg1: memref<10240x128xf32, #tpu.memory_space<vmem>>, %arg2: memref<128x128xf32, #tpu.memory_space<vmem>>, %arg3: memref<128xf32, #tpu.memory_space<vmem>>, %arg4: memref<10000x128xf32, #tpu.memory_space<vmem>>) attributes {dimension_semantics = [], scalar_prefetch = 0 : i64, scratch_operands = 0 : i64, tpu.core_type = #tpu.core_type<tc>} {
    %get3A = arith.constant 0 : index
    %get3A_0 = arith.constant 0 : index
    %get3A_1 = vector.load %arg1[%get3A, %get3A_0] : memref<10240x128xf32, #tpu.memory_space<vmem>>, vector<10000x1xf32>
    %get3A_2 = arith.constant 0 : index
    %get3A_3 = arith.constant 0 : index
    %get3A_4 = arith.constant 0 : index
    %get3A_5 = vector.load %arg0[%get3A_2, %get3A_3, %get3A_4] : memref<2x10240x128xf32, #tpu.memory_space<vmem>>, vector<1x10000x128xf32>
    %get3A_6 = vector.shape_cast %get3A_5 : vector<1x10000x128xf32> to vector<10000x128xf32>
    %get3A_7 = arith.constant 1 : index
    %get3A_8 = arith.constant 0 : index
    %get3A_9 = arith.constant 0 : index
    %get3A_10 = vector.load %arg0[%get3A_7, %get3A_8, %get3A_9] : memref<2x10240x128xf32, #tpu.memory_space<vmem>>, vector<1x10000x128xf32>
    %get3A_11 = vector.shape_cast %get3A_10 : vector<1x10000x128xf32> to vector<10000x128xf32>
    %add3A = arith.addf %get3A_6, %get3A_11 : vector<10000x128xf32>
    %mul3A = vector.broadcast %get3A_1 : vector<10000x1xf32> to vector<10000x128xf32>
    %mul3A_12 = arith.mulf %add3A, %mul3A : vector<10000x128xf32>
    %get3A_13 = arith.constant 0 : index
    %get3A_14 = vector.load %arg3[%get3A_13] : memref<128xf32, #tpu.memory_space<vmem>>, vector<128xf32>
    %broadcast_in_dim3A = vector.shape_cast %get3A_14 : vector<128xf32> to vector<1x128xf32>
    %add3A_15 = vector.broadcast %broadcast_in_dim3A : vector<1x128xf32> to vector<10000x128xf32>
    %add3A_16 = arith.addf %mul3A_12, %add3A_15 : vector<10000x128xf32>
    %max3A = arith.constant 0.000000e+00 : f32
    %max3A_17 = vector.broadcast %max3A : f32 to vector<10000x128xf32>
    %max3A_18 = arith.maximumf %add3A_16, %max3A_17 : vector<10000x128xf32>
    %get3A_19 = arith.constant 0 : index
    %get3A_20 = arith.constant 0 : index
    %get3A_21 = vector.load %arg2[%get3A_19, %get3A_20] : memref<128x128xf32, #tpu.memory_space<vmem>>, vector<128x128xf32>
    %dot_general3A = arith.constant dense<0.000000e+00> : vector<10000x128xf32>
    %dot_general3A_22 = tpu.matmul %max3A_18, %get3A_21, %dot_general3A {dimension_numbers = #tpu.dot_dimension_numbers<[1], [0], [0], [1], [0, 0, 1, 1], [], []>, transpose_lhs_hint = false} : vector<10000x128xf32>, vector<128x128xf32>, vector<10000x128xf32> -> vector<10000x128xf32>
    %mul3A_23 = vector.broadcast %get3A_1 : vector<10000x1xf32> to vector<10000x128xf32>
    %mul3A_24 = arith.mulf %dot_general3A_22, %mul3A_23 : vector<10000x128xf32>
    %swap3A = arith.constant 0 : index
    %swap3A_25 = arith.constant 0 : index
    %swap3A_26 = vector.load %arg4[%swap3A, %swap3A_25] : memref<10000x128xf32, #tpu.memory_space<vmem>>, vector<10000x128xf32>
    tpu.vector_store %arg4[%swap3A, %swap3A_25], %mul3A_24 {strides = array<i32>} : memref<10000x128xf32, #tpu.memory_space<vmem>>, vector<10000x128xf32>,
    return
  }
}

module attributes {stable_mosaic.version = 14 : i64} {
  func.func @body(%arg0: memref<2x10240x128xf32, #tpu.memory_space<vmem>>, %arg1: memref<10240x128xf32, #tpu.memory_space<vmem>>, %arg2: memref<128xf32, #tpu.memory_space<vmem>>, %arg3: memref<10000x128xf32, #tpu.memory_space<vmem>>) attributes {dimension_semantics = [], scalar_prefetch = 0 : i64, scratch_operands = 0 : i64, tpu.core_type = #tpu.core_type<tc>} {
    %get3A = arith.constant 0 : index
    %get3A_0 = arith.constant 0 : index
    %get3A_1 = vector.load %arg1[%get3A, %get3A_0] : memref<10240x128xf32, #tpu.memory_space<vmem>>, vector<10000x1xf32>
    %get3A_2 = arith.constant 0 : index
    %get3A_3 = arith.constant 0 : index
    %get3A_4 = arith.constant 0 : index
    %get3A_5 = vector.load %arg0[%get3A_2, %get3A_3, %get3A_4] : memref<2x10240x128xf32, #tpu.memory_space<vmem>>, vector<1x10000x128xf32>
    %get3A_6 = vector.shape_cast %get3A_5 : vector<1x10000x128xf32> to vector<10000x128xf32>
    %get3A_7 = arith.constant 1 : index
    %get3A_8 = arith.constant 0 : index
    %get3A_9 = arith.constant 0 : index
    %get3A_10 = vector.load %arg0[%get3A_7, %get3A_8, %get3A_9] : memref<2x10240x128xf32, #tpu.memory_space<vmem>>, vector<1x10000x128xf32>
    %get3A_11 = vector.shape_cast %get3A_10 : vector<1x10000x128xf32> to vector<10000x128xf32>
    %add3A = arith.addf %get3A_6, %get3A_11 : vector<10000x128xf32>
    %mul3A = vector.broadcast %get3A_1 : vector<10000x1xf32> to vector<10000x128xf32>
    %mul3A_12 = arith.mulf %add3A, %mul3A : vector<10000x128xf32>
    %get3A_13 = arith.constant 0 : index
    %get3A_14 = vector.load %arg2[%get3A_13] : memref<128xf32, #tpu.memory_space<vmem>>, vector<128xf32>
    %broadcast_in_dim3A = vector.shape_cast %get3A_14 : vector<128xf32> to vector<1x128xf32>
    %add3A_15 = vector.broadcast %broadcast_in_dim3A : vector<1x128xf32> to vector<10000x128xf32>
    %add3A_16 = arith.addf %mul3A_12, %add3A_15 : vector<10000x128xf32>
    %swap3A = arith.constant 0 : index
    %swap3A_17 = arith.constant 0 : index
    %swap3A_18 = vector.load %arg3[%swap3A, %swap3A_17] : memref<10000x128xf32, #tpu.memory_space<vmem>>, vector<10000x128xf32>
    tpu.vector_store %arg3[%swap3A, %swap3A_17], %add3A_16 {strides = array<i32>} : memref<10000x128xf32, #tpu.memory_space<vmem>>, vector<10000x128xf32>,
    return
  }
}

</mosaic_0001>

<sc_bundles>
// kernel: kernel.11.cloned.1.call-start
scs
__scs_entry_jumppad:
0x0: {  	(pc) =	sbr.rel $0x88, $3  }
0x1: {  	(tag) =	ssettag $0x0;
	lr =	simm.s32 $0x1  }
0x2: {  	[smem:$0x3F9B] =	sst lr;
	_ =	strace $0xD0000000  }
0x3: {  	_ = 	snop  }
0x4: {  	_ = 	snop  }
0x5: {  	_ = 	snop  }
0x6: {  	_ = 	snop  }
0x7: {  	_ = 	snop  }
__scs_overlays_trampoline_lowered:
0x8: {  	[smem:$0x3FAA] =	sst s0  }
0x9: {  	[smem:$0x3FAB] =	sst s1  }
0xa: {  	[smem:$0x3FAC] =	sst s2  }
0xb: {  	[smem:$0x3FAD] =	sst s3  }
0xc: {  	[smem:$0x3FAE] =	sst s4  }
0xd: {  	[smem:$0x3FAF] =	sst s5  }
0xe: {  	[smem:$0x3FB0] =	sst s6  }
0xf: {  	[smem:$0x3FB1] =	sst s7  }
0x10: {  	[smem:$0x3FB2] =	sst s8  }
0x11: {  	[smem:$0x3FB3] =	sst s9;
	s0 =	simm.s32 @!p0 $0x0  }
0x12: {  	s1 =	sld [smem:$0x3F99];
	s0 =	simm.s32 @p0 $0x1  }
0x13: {  	[smem:$0x3FB4] =	sst s0;
	s0 =	simm.s32 @!p1 $0x0  }
0x14: {  	s2 =	sld [smem:$0x3F98];
	s0 =	simm.s32 @p1 $0x1  }
0x15: {  	[smem:$0x3FB5] =	sst s0;
	s0 =	simm.s32 @!p2 $0x0  }
0x16: {  	s3 =	sld [smem:$0x3FDB];
	s0 =	simm.s32 @p2 $0x1  }
0x17: {  	s4 =	simm.s32 $0x1BF5;
	[smem:$0x3FB7] =	sst s0  }
0x18: {  	s0 =	sld [smem:$0x3F9A];
	_ =	swait.ge [sflag:s4], $0x0  }
0x19: {  	s7 =	sld [smem:$0x3F9B]  }
0x1a: {  	s8 =	sadd.s32 $0xFFFFE003, lr  }
0x1b: {  	s9 =	sadd.s32 $0xFFFFFEF7, lr;
	s5 =	simm.s32 $0xFFFFFFFF;
	p2 =	slt.u32 s8, $0xFFFFF086  }
0x1c: {  	p1 =	slt.u32 s9, $0xF7A;
	s5 =	simm.s32 @!p2 $0x0  }
0x1d: {  	s5 =	simm.s32 @p1 $0x1;
	p0 =	seq.s32 s7, s2  }
0x1e: {  	s7 =	smul.u32 @!p0 $0xF7A, s2;
	p2 =	seq.s32 @!p0 s5, $0x0  }
0x1f: {  	s9 =	smul.u32 $0xF7A, s1;
	s8 =	simm.s32 @!p0 $0x1BF5;
	p2 =	por !p2, p0  }
0x20: {  	[sflag:s8] =	ssyncset.s32 @!p0 $0xFFFFF086;
	s6 =	sadd.s32 @!p0 s3, s7;
	s7 =	simm.s32 @!p0 $0x108  }
0x21: {  	s3 =	sadd.s32 s3, s9;
	s6 =	sadd.s32 @!p0 $0x88, s6;
	s7 =	simm.s32 @p2 $0x1082  }
0x22: {  	[simem:s7], [sflag:s8] =	dma.local @!p0 [hbm:s6], $0xF7A  }
0x23: {  	s9 =	sor.u32 $0xD0000000, s2;
	s6 =	simm.s32 $0x108;
	_ =	swait.ge @!p0 [sflag:s8], $0x0  }
0x24: {  	s3 =	sadd.s32 $0x88, s3;
	s6 =	simm.s32 @!p1 $0x1082;
	[sflag:s4] =	ssyncset.s32 $0xFFFFF086  }
0x25: {  	[simem:s6], [sflag:s4] =	dma.local [hbm:s3], $0xF7A  }
0x26: {  	[smem:$0x3F9B] =	sst s1;
	(tag) =	ssettag s2;
	_ =	strace s9  }
0x27: {  	s1 =	sld [smem:$0x3FAB]  }
0x28: {  	s2 =	sld [smem:$0x3FAC]  }
0x29: {  	s4 =	sld [smem:$0x3FAE]  }
0x2a: {  	p0 =	seq.s32 s5, $0x0;
	s5 =	sld [smem:$0x3FAF]  }
0x2b: {  	s6 =	sld [smem:$0x3FB0]  }
0x2c: {  	s7 =	sld [smem:$0x3FB1]  }
0x2d: {  	s3 =	simm.s32 $0x108;
	s8 =	sld [smem:$0x3FB2]  }
0x2e: {  	s3 =	simm.s32 @!p0 $0x1082;
	s9 =	sld [smem:$0x3FB3]  }
0x2f: {  	lr =	sadd.s32 s0, s3;
	s0 =	sld [smem:$0x3FAA]  }
0x30: {  	s3 =	sld [smem:$0x3FAD]  }
0x31: {  	[smem:$0x3FB6] =	sst s10  }
0x32: {  	s10 =	sld [smem:$0x3FB4];
	_ =	sdelay $0x3  }
0x33: {  	p0 =	seq.s32 s10, $0x1;
	s10 =	sld [smem:$0x3FB6];
	_ =	sdelay $0x3  }
0x34: {  	[smem:$0x3FB6] =	sst s10  }
0x35: {  	s10 =	sld [smem:$0x3FB5];
	_ =	sdelay $0x3  }
0x36: {  	p1 =	seq.s32 s10, $0x1;
	s10 =	sld [smem:$0x3FB6];
	_ =	sdelay $0x3  }
0x37: {  	[smem:$0x3FB6] =	sst s10  }
0x38: {  	s10 =	sld [smem:$0x3FB7]  }
0x39: {  	_ = 	snop;
	(pc) =	sbr.ind lr, $3  }
0x3a: {  	_ = 	snop  }
0x3b: {  	_ = 	snop  }
0x3c: {  	p2 =	seq.s32 s10, $0x1;
	s10 =	sld [smem:$0x3FB6]  }
0x3d: {  	_ =	shalt  }
0x3e: {  	_ =	shalt  }
0x3f: {  	_ =	shalt  }
0x40: {  	_ =	shalt  }
0x41: {  	_ =	shalt  }
0x42: {  	_ =	shalt  }
0x43: {  	_ =	shalt  }
0x44: {  	_ =	shalt  }
0x45: {  	_ =	shalt  }
0x46: {  	_ =	shalt  }
0x47: {  	_ =	shalt  }
0x48: {  	_ =	shalt  }
0x49: {  	_ =	shalt  }
0x4a: {  	_ =	shalt  }
0x4b: {  	_ =	shalt  }
0x4c: {  	_ =	shalt  }
0x4d: {  	_ =	shalt  }
0x4e: {  	_ =	shalt  }
0x4f: {  	_ =	shalt  }
0x50: {  	_ =	shalt  }
0x51: {  	_ =	shalt  }
0x52: {  	_ =	shalt  }
0x53: {  	_ =	shalt  }
0x54: {  	_ =	shalt  }
0x55: {  	_ =	shalt  }
0x56: {  	_ =	shalt  }
0x57: {  	_ =	shalt  }
0x58: {  	_ =	shalt  }
0x59: {  	_ =	shalt  }
0x5a: {  	_ =	shalt  }
0x5b: {  	_ =	shalt  }
0x5c: {  	_ =	shalt  }
0x5d: {  	_ =	shalt  }
0x5e: {  	_ =	shalt  }
0x5f: {  	_ =	shalt  }
0x60: {  	_ =	shalt  }
0x61: {  	_ =	shalt  }
0x62: {  	_ =	shalt  }
0x63: {  	_ =	shalt  }
0x64: {  	_ =	shalt  }
0x65: {  	_ =	shalt  }
0x66: {  	_ =	shalt  }
0x67: {  	_ =	shalt  }
0x68: {  	_ =	shalt  }
0x69: {  	_ =	shalt  }
0x6a: {  	_ =	shalt  }
0x6b: {  	_ =	shalt  }
0x6c: {  	_ =	shalt  }
0x6d: {  	_ =	shalt  }
0x6e: {  	_ =	shalt  }
0x6f: {  	_ =	shalt  }
0x70: {  	_ =	shalt  }
0x71: {  	_ =	shalt  }
0x72: {  	_ =	shalt  }
0x73: {  	_ =	shalt  }
0x74: {  	_ =	shalt  }
0x75: {  	_ =	shalt  }
0x76: {  	_ =	shalt  }
0x77: {  	_ =	shalt  }
0x78: {  	_ =	shalt  }
0x79: {  	_ =	shalt  }
0x7a: {  	_ =	shalt  }
0x7b: {  	_ =	shalt  }
0x7c: {  	_ =	shalt  }
0x7d: {  	_ =	shalt  }
0x7e: {  	_ =	shalt  }
0x7f: {  	_ =	shalt  }
0x80: {  	_ =	shalt  }
0x81: {  	_ =	shalt  }
0x82: {  	_ =	shalt  }
0x83: {  	_ =	shalt  }
0x84: {  	_ =	shalt  }
0x85: {  	_ =	shalt  }
0x86: {  	_ =	shalt  }
0x87: {  	_ =	shalt  }
.Lfunc_end0:
.L_simem_size_0:
called_computation.1_lowered:
.L_overlay_start_0:
0x88: {  	s2 =	sld [smem:$0x3FD9]  }
0x89: {  	s3 =	sld [smem:$0x3FFE];
	_ =	sdelay $0x1  }
0x8a: {  	s1 =	srdreg.scid  }
0x8b: {  	s0 =	sand.u32 $0x1, s1  }
0x8c: {  	s17 =	sshll.u32 s0, $0xA;
	s2 =	sadd.s32 s3, s2  }
0x8d: {  	s2 =	sadd.s32 s2, s17  }
0x8e: {  	[smem:$0x3FC2] =	sst s2  }
0x8f: {  	_ = 	snop  }
0x90: {  	s2 =	sld [smem:$0x3FD0];
	(tm) =	ssettm $0x1  }
0x91: {  	s18 =	sld [smem:$0x3FFB];
	_ =	sdelay $0x3  }
0x92: {  	_ =	strace s18  }
0x93: {  	s3 =	sld [smem:$0x3FFC];
	_ =	sdelay $0x3  }
0x94: {  	_ =	strace s3  }
0x95: {  	s3 =	sld [smem:$0x3FFD];
	_ =	sdelay $0x3  }
0x96: {  	_ =	strace s3  }
0x97: {  	_ =	strace $0x8FFFFFFF  }
0x98: {  	s19 =	sld [smem:$0x3FDB];
	_ =	sdelay $0x1  }
0x99: {  	s4 =	simm.s32 $_scs_section_size  }
0x9a: {  	s5 =	simm.s32 $_size__tile_overlayer_lowered;
	s6 =	simm.s32 $_tile_overlayer_lowered  }
0x9b: {  	s22 =	simm.s32 $0x1BFF;
	s21 =	sshll.u32 s6, $0x1;
	s3 =	sadd.s32 s4, s19  }
0x9c: {  	s7 =	simm.s32 $0x0;
	s20 =	sshll.u32 s5, $0x1;
	s5 =	sadd.s32 s21, s3  }
0x9d: {  	[timem:s7], [sflag:s22] =	dma.local [hbm:s5], s20  }
0x9e: {  	_ =	swait.ge [sflag:s22], s20  }
0x9f: {  	s4 =	ssub.s32 $0x0, s20;
	[sflag:s22] =	ssyncset.done $0x0  }
0xa0: {  	[sflag:s22] =	ssyncadd.s32 s4;
	_ =	sdelay $0x1  }
0xa1: {  	s23 =	simm.s32 $0x1B8B  }
0xa2: {  	_ =	swait.ge [sflag:s23], $0x1  }
0xa3: {  	[sflag:s23] =	ssyncset.done $0x0  }
0xa4: {  	s25 =	simm.s32 $0x1B8E;
	s24 =	sld [smem:$0x3FFE];
	[sflag:s23] =	ssyncadd.s32 $0xFFFFFFFF  }
0xa5: {  	s26 =	simm.s32 $execute0_lowered;
	[smem:$0x3FD2] =	sst s25  }
0xa6: {  	s5 =	sshll.u32 s26, $0x1;
	_ =	strace $0x80000049;
	[dreg:$0x1] =	wrdreg $0xFFFFFFFF  }
0xa7: {  	s28 =	simm.s32 $_size_execute0_lowered;
	s3 =	sadd.s32 s3, s5;
	[dreg:$0x0] =	wrdreg $0x0  }
0xa8: {  	s5 =	sshll.u32 s28, $0x1;
	[dreg:$0x2] =	wrdreg s3  }
0xa9: {  	[dreg:$0x3] =	wrdreg s5  }
0xaa: {  	[dreg:$0x4] =	wrdreg $0xC0  }
0xab: {  	_ =	task [dreg:s7], $0x5FFFF  }
0xac: {  	[dreg:$0x1] =	wrdreg $0xFFFFFFFF  }
0xad: {  	[dreg:$0x0] =	wrdreg $0x60  }
0xae: {  	[dreg:$0x2] =	wrdreg s2  }
0xaf: {  	[dreg:$0x3] =	wrdreg s24  }
0xb0: {  	[dreg:$0x4] =	wrdreg $0x88000  }
0xb1: {  	[dreg:$0x5] =	wrdreg $0x9  }
0xb2: {  	_ =	task.clear_ibuf [dreg:s7], $0x6FFFF;
	_ =	strace $0x90000049  }
0xb3: {  	s29 =	simm.s32 $0x9;
	_ =	strace $0x8000004B  }
0xb4: {  	_ =	swait.ge [sflag:s29], $0x1  }
0xb5: {  	[sflag:s29] =	ssyncadd.s32 $0xFFFFFFFF  }
0xb6: {  	_ =	strace $0x9000004B  }
0xb7: {  	_ =	sfence  }
0xb8: {  	s30 =	sld [smem:$0x0];
	_ =	sdelay $0x2  }
0xb9: {  	s31 =	sshll.u32 s1, $0xD;
	s1 =	sshrl.u32 s1, $0x2  }
0xba: {  	s3 =	sand.u32 $0x4000, s31;
	s1 =	sadd.s32 s1, s30  }
0xbb: {  	s0 =	sor.u32 s3, s0;
	s1 =	sshll.u32 s1, $0x11  }
0xbc: {  	s0 =	sor.u32 s1, s0  }
0xbd: {  	s0 =	sadd.s32 $0x8F2B, s0  }
0xbe: {  	[sflag:s0] =	ssyncadd.remote.s32 $0x1  }
0xbf: {  	_ =	sfence.sel $0xFFFF  }
0xc0: {  	[dreg:$0x0] =	wrdreg $0xFFFFFFFF;
	(pc) =	sbr.abs _section_cstart, $3  }
0xc1: {  	[dreg:$0x1] =	wrdreg $0xFFFFFFFF  }
0xc2: {  	_ =	task.clear_ibuf [dreg:s7], $0x2FFFF;
	_ =	strace $0x9FFFFFFF  }
0xc3: {  	(tm) =	ssettm $0x7FFFFFFF  }
tec
execute0_lowered:
.L_overlay_start_1:
0x0: {  	(tag) =	ssettag $0x1  }
0x1: {  	s11 =	stileid.u32;
	s0 =	srdreg.scid  }
0x2: {  	s4 =	rddreg [dreg:$0x1];
	s3 =	smul.u32 $0x14000, s11  }
0x3: {  	s1 =	simm.s32 $0x0;
	s28 =	rddreg [dreg:$0x2];
	s9 =	smul.u32 $0xA0, s11  }
0x4: {  	s29 =	simm.s32 $0x6;
	s6 =	sand.u32 $0x1, s0;
	s26 =	smul.u32 $0x2800, s11  }
0x5: {  	s31 =	simm.s32 $0x7;
	s30 =	simm.s32 $0x0;
	s7 =	smul.u32 $0x140000, s6  }
0x6: {  	[smem:$0x7FF] =	sst s1;
	s2 =	sadd.s32 $0xC000, s4;
	s8 =	smul.u32 $0xA00, s6  }
0x7: {  	s19 =	ssub.s32 $0x2, s6;
	s6 =	smul.u32 $0x28000, s6;
	s18 =	sshrl.u32 s3, $0x3  }
0x8: {  	s5 =	sadd.s32 $0x2000, s4;
	s10 =	sshrl.u32 s19, $0x1;
	s0 =	sadd.s32 s18, s4  }
0x9: {  	s3 =	sadd.s32 s3, s7;
	s8 =	sadd.s32 s9, s8;
	s6 =	sadd.s32 s26, s6  }
0xa: {  	s9 =	simm.s32 $0x800;
	s3 =	sshrl.u32 s3, $0x3;
	s20 =	sshll.u32 s8, $0x3  }
0xb: {  	s17 =	sor.u32 $0x340, s6;
	s0 =	sadd.s32 $0x16000, s0;
	s8 =	sadd.s32 s2, s20  }
0xc: {  	s21 =	sadd.s32 s5, s20;
	s22 =	sor.u32 $0x8, s20;
	[dreg:$0x4] =	wrdreg s8  }
0xd: {  	s3 =	sadd.s32 s3, s4;
	[dreg:$0x5] =	wrdreg s21;
	s23 =	sadd.s32 s2, s22  }
0xe: {  	s24 =	sor.u32 $0x10, s20;
	s8 =	sadd.s32 s5, s22;
	[dreg:$0x6] =	wrdreg s23  }
0xf: {  	s25 =	sor.u32 $0x18, s20;
	s12 =	sadd.s32 s2, s24;
	[dreg:$0x7] =	wrdreg s8  }
0x10: {  	s4 =	ssub.s32 s19, s10;
	s13 =	sadd.s32 s2, s25;
	[dreg:$0x8] =	wrdreg s12  }
0x11: {  	s15 =	sor.u32 $0x20, s20;
	s14 =	sadd.s32 s5, s25;
	[dreg:$0xa] =	wrdreg s13  }
0x12: {  	s7 =	sor.u32 $0x28, s20;
	s16 =	sadd.s32 s2, s15;
	[dreg:$0xb] =	wrdreg s14  }
0x13: {  	s19 =	sshrl.u32 s17, $0x3;
	s18 =	sadd.s32 s2, s7;
	[dreg:$0xc] =	wrdreg s16  }
0x14: {  	s17 =	sor.u32 $0x1C0, s6;
	s7 =	sadd.s32 s5, s7;
	[dreg:$0xe] =	wrdreg s18  }
0x15: {  	s20 =	sadd.s32 s19, s5;
	s21 =	sor.u32 $0x300, s6;
	[dreg:$0xf] =	wrdreg s7  }
0x16: {  	s22 =	sor.u32 $0x2C0, s6;
	s8 =	sadd.s32 s5, s24;
	[dreg:$0x10] =	wrdreg s20  }
0x17: {  	s7 =	sshrl.u32 s21, $0x3;
	s24 =	sor.u32 $0x280, s6;
	s12 =	sor.u32 $0x240, s6  }
0x18: {  	s14 =	sor.u32 $0x200, s6;
	s6 =	sor.u32 $0x180, s6;
	s20 =	smul.u32 $0x50000, s11  }
0x19: {  	[dreg:$0x9] =	wrdreg s8;
	s8 =	sadd.s32 s5, s15;
	s23 =	sadd.s32 s7, s5  }
0x1a: {  	s7 =	sadd.s32 s7, s2;
	s25 =	sshrl.u32 s24, $0x3;
	s13 =	sshrl.u32 s12, $0x3  }
0x1b: {  	s16 =	sshrl.u32 s14, $0x3;
	s6 =	sshrl.u32 s6, $0x3;
	s24 =	sadd.s32 $0x3E000, s3  }
0x1c: {  	s12 =	simm.s32 $0x9;
	s14 =	simm.s32 $0x3;
	[dreg:$0xd] =	wrdreg s8  }
0x1d: {  	s3 =	simm.s32 $0x8;
	s8 =	sadd.s32 s19, s2;
	[dreg:$0x12] =	wrdreg s23  }
0x1e: {  	[dreg:$0x13] =	wrdreg s7;
	s10 =	sadd.s32 s25, s5;
	s7 =	sadd.s32 s25, s2  }
0x1f: {  	s15 =	sadd.s32 s13, s5;
	s18 =	sadd.s32 s16, s5;
	[dreg:$0x11] =	wrdreg s8  }
0x20: {  	s19 =	sshrl.u32 s17, $0x3;
	s23 =	sshll.u32 s11, $0x6;
	[dreg:$0x16] =	wrdreg s10  }
0x21: {  	s25 =	smax.u32 s4, $0x1;
	s17 =	simm.s32 $0x280;
	[dreg:$0x17] =	wrdreg s7  }
0x22: {  	s11 =	simm.s32 $0x2800;
	s8 =	sshrl.u32 s22, $0x3;
	[dreg:$0x18] =	wrdreg s15  }
0x23: {  	s7 =	sadd.s32 s13, s2;
	[dreg:$0x1a] =	wrdreg s18;
	s21 =	sadd.s32 s19, s5  }
0x24: {  	s22 =	sshrl.u32 s20, $0x2;
	s13 =	simm.s32 $0x600;
	[dreg:$0x19] =	wrdreg s7  }
0x25: {  	s18 =	simm.s32 $0x680;
	s26 =	sadd.s32 s8, s5;
	[dreg:$0x1c] =	wrdreg s21  }
0x26: {  	s10 =	simm.s32 $0x2;
	s8 =	sadd.s32 s8, s2;
	[dreg:$0x14] =	wrdreg s26  }
0x27: {  	s15 =	simm.s32 $0x4800;
	s7 =	sadd.s32 s16, s2;
	[dreg:$0x15] =	wrdreg s8  }
0x28: {  	s20 =	simm.s32 $0x6800;
	s5 =	sadd.s32 s6, s5;
	[dreg:$0x1b] =	wrdreg s7  }
0x29: {  	s16 =	simm.s32 $0xA;
	s21 =	simm.s32 $0xB;
	s26 =	rddreg [dreg:$0x0]  }
0x2a: {  	s7 =	sadd.s32 s19, s2;
	[dreg:$0x1e] =	wrdreg s5;
	s2 =	sadd.s32 s6, s2  }
0x2b: {  	s5 =	sor.u32 $0x1C11, s23;
	s6 =	simm.s32 $0x11;
	[dreg:$0x1d] =	wrdreg s7  }
0x2c: {  	s8 =	simm.s32 $0x40;
	[dreg:$0x1f] =	wrdreg s2;
	s2 =	sadd.s32 s22, s28  }
.Ltmp0:
0x2d: {  	_ =	strace $0x8000004A;
	[smem:$0x7F9] =	sst s2;
	(pc) =	sbr.rel .LBB2_1-.Ltmp0, $4  }
0x2e: {  	s19 =	simm.s32 $0x4;
	s23 =	simm.s32 $0x5;
	[smem:$0x7FA] =	sst s0  }
0x2f: {  	s7 =	simm.s32 $0x1;
	s22 =	simm.s32 $0xD;
	[smem:$0x7FB] =	sst s24  }
0x30: {  	[smem:$0x7FC] =	sst s25;
	s2 =	simm.s32 $0x200;
	s24 =	simm.s32 $0xC  }
0x31: {  	s25 =	simm.s32 $0xE;
	s0 =	simm.s32 $0x10;
	[smem:$0x7FD] =	sst s5  }
.LBB2_4:
0x32: {  	_ =	swait.ge [sflag:s24], $0x2000  }
0x33: {  	[sflag:s24] =	ssyncset.done $0x0  }
0x34: {  	[sflag:s24] =	ssyncadd.s32 $0xFFFFE000  }
0x35: {  	[spmem:s28] =	stream.indirect.scatter.add.f32 [tilespmem:s20], [sflag:$0x10], $0x80, s30, s8, $0xb8;
	[tilespmem:$0x1C800] =	vst v63  }
0x36: {  	_ =	swait.ge [sflag:s25], $0x2000  }
0x37: {  	[sflag:s25] =	ssyncset.done $0x0  }
0x38: {  	s2 =	simm.s32 $0xF;
	[sflag:s25] =	ssyncadd.s32 $0xFFFFE000  }
0x39: {  	_ =	swait.ge [sflag:s2], $0x2000  }
0x3a: {  	[sflag:s2] =	ssyncset.done $0x0  }
0x3b: {  	[sflag:s2] =	ssyncadd.s32 $0xFFFFE000  }
0x3c: {  	_ =	swait.ge [sflag:s0], $0x2000  }
0x3d: {  	[sflag:s0] =	ssyncset.done $0x0  }
0x3e: {  	[sflag:s0] =	ssyncadd.s32 $0xFFFFE000  }
0x3f: {  	[bflag:$0x0] =	sbarrier.arrive $0xFFFF  }
0x40: {  	s5 =	sld [smem:$0x7FD]  }
0x41: {  	s4 =	sld [smem:$0x7FB]  }
0x42: {  	s17 =	sld [smem:$0x7F8];
	_ =	sdelay $0x1  }
0x43: {  	s6 =	simm.s32 $0x11  }
0x44: {  	[hbm:s4], [sflag:s5] =	dma.local [spmem:s17], $0x2800  }
0x45: {  	_ =	swait.ge [sflag:s6], $0x2800  }
0x46: {  	s30 =	sld [smem:$0x7F7]  }
0x47: {  	s18 =	sld [smem:$0x7FC];
	_ =	sdelay $0x1  }
0x48: {  	s30 =	sadd.s32 $0x1, s30  }
0x49: {  	p0 =	sne.s32 s30, s18  }
.Ltmp1:
0x4a: {  	_ = 	snop;
	(pc) =	sbr.rel @!p0 .LBB2_5-.Ltmp1, $3  }
0x4b: {  	_ =	sdelay $0x1  }
0x4c: {  	s13 =	simm.s32 $0x600;
	s2 =	simm.s32 $0x200;
	[sflag:s6] =	ssyncset.done $0x0  }
0x4d: {  	s17 =	simm.s32 $0x280;
	[sflag:s6] =	ssyncadd.s32 $0xFFFFD800;
	s18 =	simm.s32 $0x680  }
.LBB2_1:
0x4e: {  	s4 =	sld [smem:$0x7F9];
	_ =	sdelay $0x1  }
0x4f: {  	[smem:$0x7F7] =	sst s30  }
0x50: {  	s30 =	sshrl.u32 s4, $0x3;
	s4 =	sld [smem:$0x7FA];
	_ =	sdelay $0x1  }
0x51: {  	[smem:$0x7F8] =	sst s30  }
0x52: {  	[spmem:s30], [sflag:s5] =	dma.local [hbm:s4], $0x2800  }
0x53: {  	_ =	swait.ge [sflag:s6], $0x2800  }
0x54: {  	[sflag:s6] =	ssyncset.done $0x0  }
0x55: {  	[sflag:s6] =	ssyncadd.s32 $0xFFFFD800  }
0x56: {  	[bflag:$0x0] =	sbarrier.arrive $0xFFFF  }
0x57: {  	s30 =	rddreg [dreg:$0x4]  }
0x58: {  	[tilespmem:s1], [sflag:$0x1] =	stream.linear.gather [hbm4b:s30+s1], $0x40, $0x38;
	[tilespmem:$0x1C800] =	vst v63  }
0x59: {  	s6 =	simm.s32 $0x400;
	s5 =	rddreg [dreg:$0x5]  }
0x5a: {  	[tilespmem:s6], [sflag:$0x1] =	stream.linear.gather [hbm4b:s5+s1], $0x40, $0x38;
	[tilespmem:$0x1C800] =	vst v63  }
0x5b: {  	s30 =	rddreg [dreg:$0x6];
	s5 =	simm.s32 $0x80  }
0x5c: {  	[tilespmem:s5], [sflag:$0x2] =	stream.linear.gather [hbm4b:s30+s1], $0x40, $0x38;
	[tilespmem:$0x1C800] =	vst v63  }
0x5d: {  	s6 =	rddreg [dreg:$0x7];
	s30 =	simm.s32 $0x480  }
0x5e: {  	[tilespmem:s30], [sflag:$0x2] =	stream.linear.gather [hbm4b:s6+s1], $0x40, $0x38;
	[tilespmem:$0x1C800] =	vst v63  }
0x5f: {  	s6 =	rddreg [dreg:$0x8];
	s30 =	simm.s32 $0x100  }
0x60: {  	[tilespmem:s30], [sflag:$0x3] =	stream.linear.gather [hbm4b:s6+s1], $0x40, $0x38;
	[tilespmem:$0x1C800] =	vst v63  }
0x61: {  	s6 =	rddreg [dreg:$0x9];
	s30 =	simm.s32 $0x500  }
0x62: {  	[tilespmem:s30], [sflag:$0x3] =	stream.linear.gather [hbm4b:s6+s1], $0x40, $0x38;
	[tilespmem:$0x1C800] =	vst v63  }
0x63: {  	s6 =	rddreg [dreg:$0xa];
	s30 =	simm.s32 $0x180  }
0x64: {  	[tilespmem:s30], [sflag:$0x4] =	stream.linear.gather [hbm4b:s6+s1], $0x40, $0x38;
	[tilespmem:$0x1C800] =	vst v63  }
0x65: {  	s6 =	rddreg [dreg:$0xb];
	s30 =	simm.s32 $0x580  }
0x66: {  	[tilespmem:s30], [sflag:$0x4] =	stream.linear.gather [hbm4b:s6+s1], $0x40, $0x38;
	[tilespmem:$0x1C800] =	vst v63  }
0x67: {  	s30 =	rddreg [dreg:$0xc]  }
0x68: {  	[tilespmem:s2], [sflag:$0x5] =	stream.linear.gather [hbm4b:s30+s1], $0x40, $0x38;
	[tilespmem:$0x1C800] =	vst v63  }
0x69: {  	s6 =	rddreg [dreg:$0xd]  }
0x6a: {  	[tilespmem:s13], [sflag:$0x5] =	stream.linear.gather [hbm4b:s6+s1], $0x40, $0x38;
	[tilespmem:$0x1C800] =	vst v63  }
0x6b: {  	s13 =	rddreg [dreg:$0xe]  }
0x6c: {  	[tilespmem:s17], [sflag:$0x6] =	stream.linear.gather [hbm4b:s13+s1], $0x40, $0x38;
	[tilespmem:$0x1C800] =	vst v63  }
0x6d: {  	s30 =	rddreg [dreg:$0xf]  }
0x6e: {  	[tilespmem:s18], [sflag:$0x6] =	stream.linear.gather [hbm4b:s30+s1], $0x40, $0x38;
	[tilespmem:$0x1C800] =	vst v63  }
0x6f: {  	_ =	swait.ge [sflag:s7], $0x40  }
0x70: {  	[sflag:s7] =	ssyncset.done $0x0  }
0x71: {  	[sflag:s7] =	ssyncadd.s32 $0xFFFFFFC0  }
0x72: {  	_ =	swait.ge [sflag:s7], $0x40  }
0x73: {  	[sflag:s7] =	ssyncset.done $0x0  }
0x74: {  	[sflag:s7] =	ssyncadd.s32 $0xFFFFFFC0  }
0x75: {  	[tilespmem:s9], [sflag:$0x9] =	stream.indirect.gather [hbm4b:s26+s8], $0x80, s1, s8, $0xb8;
	[tilespmem:$0x1C800] =	vst v63  }
0x76: {  	_ =	swait.ge [sflag:s10], $0x40  }
0x77: {  	[sflag:s10] =	ssyncset.done $0x0  }
0x78: {  	[sflag:s10] =	ssyncadd.s32 $0xFFFFFFC0  }
0x79: {  	_ =	swait.ge [sflag:s10], $0x40  }
0x7a: {  	[sflag:s10] =	ssyncset.done $0x0  }
0x7b: {  	[sflag:s10] =	ssyncadd.s32 $0xFFFFFFC0  }
0x7c: {  	[tilespmem:s11], [sflag:$0xA] =	stream.indirect.gather [hbm4b:s26+s8], $0x80, s5, s8, $0xb8;
	[tilespmem:$0x1C800] =	vst v63  }
0x7d: {  	s13 =	simm.s32 $0x780;
	s5 =	simm.s32 $0x0  }
.LBB2_2:
0x7e: {  	_ =	swait.ge [sflag:s12], $0x2000  }
0x7f: {  	p0 =	seq.s32 s5, $0x0;
	[sflag:s12] =	ssyncset.done $0x0  }
0x80: {  	s4 =	simm.s32 $0x400;
	s6 =	simm.s32 @!p0 $0xF;
	[sflag:s12] =	ssyncadd.s32 $0xFFFFE000  }
0x81: {  	[spmem:s28] =	stream.indirect.scatter.add.f32 [tilespmem:s9], [sflag:$0xD], $0x80, s4, s8, $0xb8;
	[tilespmem:$0x1C800] =	vst v63  }
0x82: {  	_ =	swait.ge @!p0 [sflag:s6], $0x2000  }
0x83: {  	[sflag:s6] =	ssyncset.done @!p0 $0x0  }
0x84: {  	[sflag:s6] =	ssyncadd.s32 @!p0 $0xFFFFE000;
	s6 =	rddreg [dreg:$0x1f]  }
0x85: {  	s2 =	simm.s32 $0x300;
	s18 =	rddreg [dreg:$0x1e];
	s17 =	sadd.s32 s5, s6  }
0x86: {  	[tilespmem:s2], [sflag:$0x7] =	stream.linear.gather [hbm4b:s17+s1], $0x40, $0x38;
	[tilespmem:$0x1C800] =	vst v63  }
0x87: {  	s4 =	sadd.s32 s5, s18;
	s17 =	simm.s32 $0x700  }
0x88: {  	[tilespmem:s17], [sflag:$0x7] =	stream.linear.gather [hbm4b:s4+s1], $0x40, $0x38;
	[tilespmem:$0x1C800] =	vst v63  }
0x89: {  	_ =	swait.ge [sflag:s14], $0x40  }
0x8a: {  	[sflag:s14] =	ssyncset.done $0x0  }
0x8b: {  	[sflag:s14] =	ssyncadd.s32 $0xFFFFFFC0  }
0x8c: {  	_ =	swait.ge [sflag:s14], $0x40  }
0x8d: {  	[sflag:s14] =	ssyncset.done $0x0  }
0x8e: {  	s18 =	simm.s32 $0x100;
	[sflag:s14] =	ssyncadd.s32 $0xFFFFFFC0  }
0x8f: {  	[tilespmem:s15], [sflag:$0xB] =	stream.indirect.gather [hbm4b:s26+s8], $0x80, s18, s8, $0xb8;
	[tilespmem:$0x1C800] =	vst v63  }
0x90: {  	_ =	swait.ge [sflag:s16], $0x2000  }
0x91: {  	[sflag:s16] =	ssyncset.done $0x0  }
0x92: {  	s6 =	simm.s32 $0x480;
	[sflag:s16] =	ssyncadd.s32 $0xFFFFE000  }
0x93: {  	[spmem:s28] =	stream.indirect.scatter.add.f32 [tilespmem:s11], [sflag:$0xE], $0x80, s6, s8, $0xb8;
	[tilespmem:$0x1C800] =	vst v63  }
0x94: {  	s6 =	simm.s32 @!p0 $0x10  }
0x95: {  	_ =	swait.ge @!p0 [sflag:s6], $0x2000  }
0x96: {  	[sflag:s6] =	ssyncset.done @!p0 $0x0  }
0x97: {  	s18 =	rddreg [dreg:$0x1d];
	[sflag:s6] =	ssyncadd.s32 @!p0 $0xFFFFE000  }
0x98: {  	s4 =	sadd.s32 s5, s18;
	s18 =	simm.s32 $0x380;
	s6 =	rddreg [dreg:$0x1c]  }
0x99: {  	[tilespmem:s18], [sflag:$0x8] =	stream.linear.gather [hbm4b:s4+s1], $0x40, $0x38;
	[tilespmem:$0x1C800] =	vst v63  }
0x9a: {  	s4 =	sadd.s32 s5, s6  }
0x9b: {  	[tilespmem:s13], [sflag:$0x8] =	stream.linear.gather [hbm4b:s4+s1], $0x40, $0x38;
	[tilespmem:$0x1C800] =	vst v63  }
0x9c: {  	_ =	swait.ge [sflag:s19], $0x40  }
0x9d: {  	[sflag:s19] =	ssyncset.done $0x0  }
0x9e: {  	[sflag:s19] =	ssyncadd.s32 $0xFFFFFFC0  }
0x9f: {  	_ =	swait.ge [sflag:s19], $0x40  }
0xa0: {  	[sflag:s19] =	ssyncset.done $0x0  }
0xa1: {  	s13 =	simm.s32 $0x180;
	[sflag:s19] =	ssyncadd.s32 $0xFFFFFFC0  }
0xa2: {  	[tilespmem:s20], [sflag:$0xC] =	stream.indirect.gather [hbm4b:s26+s8], $0x80, s13, s8, $0xb8;
	[tilespmem:$0x1C800] =	vst v63  }
0xa3: {  	_ =	swait.ge [sflag:s21], $0x2000  }
0xa4: {  	[sflag:s21] =	ssyncset.done $0x0  }
0xa5: {  	s6 =	simm.s32 $0x500;
	[sflag:s21] =	ssyncadd.s32 $0xFFFFE000  }
0xa6: {  	[spmem:s28] =	stream.indirect.scatter.add.f32 [tilespmem:s15], [sflag:$0xF], $0x80, s6, s8, $0xb8;
	[tilespmem:$0x1C800] =	vst v63  }
0xa7: {  	_ =	swait.ge [sflag:s22], $0x2000  }
0xa8: {  	p0 =	seq.s32 s5, $0x4C0;
	[sflag:s22] =	ssyncset.done $0x0;
	s4 =	rddreg [dreg:$0x1b]  }
0xa9: {  	s6 =	simm.s32 @!p0 $0x0;
	[sflag:s22] =	ssyncadd.s32 $0xFFFFE000;
	s4 =	sadd.s32 @!p0 s5, s4  }
0xaa: {  	[tilespmem:s6], [sflag:$0x1] =	stream.linear.gather @!p0 [hbm4b:s4+s6], $0x40, $0x38;
	[tilespmem:$0x1C800] =	vst v63  }
0xab: {  	s4 =	rddreg [dreg:$0x1a]  }
0xac: {  	s13 =	simm.s32 @!p0 $0x400;
	s4 =	sadd.s32 @!p0 s5, s4  }
0xad: {  	[tilespmem:s13], [sflag:$0x1] =	stream.linear.gather @!p0 [hbm4b:s4+s6], $0x40, $0x38;
	[tilespmem:$0x1C800] =	vst v63  }
0xae: {  	_ =	swait.ge [sflag:s23], $0x40  }
0xaf: {  	[sflag:s23] =	ssyncset.done $0x0  }
0xb0: {  	[sflag:s23] =	ssyncadd.s32 $0xFFFFFFC0  }
0xb1: {  	_ =	swait.ge [sflag:s23], $0x40  }
0xb2: {  	[sflag:s23] =	ssyncset.done $0x0  }
0xb3: {  	s13 =	simm.s32 $0x200;
	[sflag:s23] =	ssyncadd.s32 $0xFFFFFFC0  }
0xb4: {  	[tilespmem:s9], [sflag:$0x9] =	stream.indirect.gather [hbm4b:s26+s8], $0x80, s13, s8, $0xb8;
	[tilespmem:$0x1C800] =	vst v63  }
0xb5: {  	_ =	swait.ge [sflag:s24], $0x2000  }
0xb6: {  	[sflag:s24] =	ssyncset.done $0x0  }
0xb7: {  	s13 =	simm.s32 $0x580;
	[sflag:s24] =	ssyncadd.s32 $0xFFFFE000  }
0xb8: {  	[spmem:s28] =	stream.indirect.scatter.add.f32 [tilespmem:s20], [sflag:$0x10], $0x80, s13, s8, $0xb8;
	[tilespmem:$0x1C800] =	vst v63  }
0xb9: {  	_ =	swait.ge [sflag:s25], $0x2000  }
0xba: {  	[sflag:s25] =	ssyncset.done $0x0;
	s4 =	rddreg [dreg:$0x19]  }
0xbb: {  	s13 =	simm.s32 @!p0 $0x80;
	[sflag:s25] =	ssyncadd.s32 $0xFFFFE000;
	s4 =	sadd.s32 @!p0 s5, s4  }
0xbc: {  	[tilespmem:s13], [sflag:$0x2] =	stream.linear.gather @!p0 [hbm4b:s4+s6], $0x40, $0x38;
	[tilespmem:$0x1C800] =	vst v63  }
0xbd: {  	s4 =	rddreg [dreg:$0x18]  }
0xbe: {  	s13 =	simm.s32 @!p0 $0x480;
	s4 =	sadd.s32 @!p0 s5, s4  }
0xbf: {  	[tilespmem:s13], [sflag:$0x2] =	stream.linear.gather @!p0 [hbm4b:s4+s6], $0x40, $0x38;
	[tilespmem:$0x1C800] =	vst v63  }
0xc0: {  	_ =	swait.ge [sflag:s29], $0x40  }
0xc1: {  	[sflag:s29] =	ssyncset.done $0x0  }
0xc2: {  	[sflag:s29] =	ssyncadd.s32 $0xFFFFFFC0  }
0xc3: {  	_ =	swait.ge [sflag:s29], $0x40  }
0xc4: {  	[sflag:s29] =	ssyncset.done $0x0  }
0xc5: {  	s13 =	simm.s32 $0x280;
	[sflag:s29] =	ssyncadd.s32 $0xFFFFFFC0  }
0xc6: {  	[tilespmem:s11], [sflag:$0xA] =	stream.indirect.gather [hbm4b:s26+s8], $0x80, s13, s8, $0xb8;
	[tilespmem:$0x1C800] =	vst v63  }
0xc7: {  	_ =	swait.ge [sflag:s12], $0x2000  }
0xc8: {  	[sflag:s12] =	ssyncset.done $0x0  }
0xc9: {  	s13 =	simm.s32 $0x600;
	[sflag:s12] =	ssyncadd.s32 $0xFFFFE000  }
0xca: {  	[spmem:s28] =	stream.indirect.scatter.add.f32 [tilespmem:s9], [sflag:$0xD], $0x80, s13, s8, $0xb8;
	[tilespmem:$0x1C800] =	vst v63  }
0xcb: {  	s13 =	simm.s32 $0xF  }
0xcc: {  	_ =	swait.ge [sflag:s13], $0x2000  }
0xcd: {  	[sflag:s13] =	ssyncset.done $0x0;
	s4 =	rddreg [dreg:$0x17]  }
0xce: {  	[sflag:s13] =	ssyncadd.s32 $0xFFFFE000;
	s4 =	sadd.s32 @!p0 s5, s4;
	s13 =	simm.s32 @!p0 $0x100  }
0xcf: {  	[tilespmem:s13], [sflag:$0x3] =	stream.linear.gather @!p0 [hbm4b:s4+s6], $0x40, $0x38;
	[tilespmem:$0x1C800] =	vst v63  }
0xd0: {  	s4 =	rddreg [dreg:$0x16]  }
0xd1: {  	s13 =	simm.s32 @!p0 $0x500;
	s4 =	sadd.s32 @!p0 s5, s4  }
0xd2: {  	[tilespmem:s13], [sflag:$0x3] =	stream.linear.gather @!p0 [hbm4b:s4+s6], $0x40, $0x38;
	[tilespmem:$0x1C800] =	vst v63  }
0xd3: {  	_ =	swait.ge [sflag:s31], $0x40  }
0xd4: {  	[sflag:s31] =	ssyncset.done $0x0  }
0xd5: {  	[sflag:s31] =	ssyncadd.s32 $0xFFFFFFC0  }
0xd6: {  	_ =	swait.ge [sflag:s31], $0x40  }
0xd7: {  	[sflag:s31] =	ssyncset.done $0x0  }
0xd8: {  	[sflag:s31] =	ssyncadd.s32 $0xFFFFFFC0  }
0xd9: {  	[tilespmem:s15], [sflag:$0xB] =	stream.indirect.gather [hbm4b:s26+s8], $0x80, s2, s8, $0xb8;
	[tilespmem:$0x1C800] =	vst v63  }
0xda: {  	_ =	swait.ge [sflag:s16], $0x2000  }
0xdb: {  	[sflag:s16] =	ssyncset.done $0x0  }
0xdc: {  	s13 =	simm.s32 $0x680;
	[sflag:s16] =	ssyncadd.s32 $0xFFFFE000  }
0xdd: {  	[spmem:s28] =	stream.indirect.scatter.add.f32 [tilespmem:s11], [sflag:$0xE], $0x80, s13, s8, $0xb8;
	[tilespmem:$0x1C800] =	vst v63  }
0xde: {  	_ =	swait.ge [sflag:s0], $0x2000  }
0xdf: {  	[sflag:s0] =	ssyncset.done $0x0;
	s4 =	rddreg [dreg:$0x15]  }
0xe0: {  	s13 =	simm.s32 @!p0 $0x180;
	[sflag:s0] =	ssyncadd.s32 $0xFFFFE000;
	s4 =	sadd.s32 @!p0 s5, s4  }
0xe1: {  	[tilespmem:s13], [sflag:$0x4] =	stream.linear.gather @!p0 [hbm4b:s4+s6], $0x40, $0x38;
	[tilespmem:$0x1C800] =	vst v63  }
0xe2: {  	s4 =	rddreg [dreg:$0x14]  }
0xe3: {  	s13 =	simm.s32 @!p0 $0x580;
	s4 =	sadd.s32 @!p0 s5, s4  }
0xe4: {  	[tilespmem:s13], [sflag:$0x4] =	stream.linear.gather @!p0 [hbm4b:s4+s6], $0x40, $0x38;
	[tilespmem:$0x1C800] =	vst v63  }
0xe5: {  	_ =	swait.ge [sflag:s3], $0x40  }
0xe6: {  	[sflag:s3] =	ssyncset.done $0x0  }
0xe7: {  	[sflag:s3] =	ssyncadd.s32 $0xFFFFFFC0  }
0xe8: {  	_ =	swait.ge [sflag:s3], $0x40  }
0xe9: {  	[sflag:s3] =	ssyncset.done $0x0  }
0xea: {  	[sflag:s3] =	ssyncadd.s32 $0xFFFFFFC0  }
0xeb: {  	[tilespmem:s20], [sflag:$0xC] =	stream.indirect.gather [hbm4b:s26+s8], $0x80, s18, s8, $0xb8;
	[tilespmem:$0x1C800] =	vst v63  }
0xec: {  	_ =	swait.ge [sflag:s21], $0x2000  }
0xed: {  	[sflag:s21] =	ssyncset.done $0x0  }
.Ltmp2:
0xee: {  	[sflag:s21] =	ssyncadd.s32 $0xFFFFE000;
	(pc) =	sbr.rel @p0 .LBB2_4-.Ltmp2, $4  }
0xef: {  	[spmem:s28] =	stream.indirect.scatter.add.f32 [tilespmem:s15], [sflag:$0xF], $0x80, s17, s8, $0xb8;
	[tilespmem:$0x1C800] =	vst v63  }
0xf0: {  	_ =	swait.ge [sflag:s22], $0x2000  }
0xf1: {  	[sflag:s22] =	ssyncset.done $0x0  }
0xf2: {  	s30 =	simm.s32 $0x780;
	[sflag:s22] =	ssyncadd.s32 $0xFFFFE000  }
0xf3: {  	s4 =	rddreg [dreg:$0x13]  }
0xf4: {  	s2 =	simm.s32 $0x200;
	s17 =	rddreg [dreg:$0x12];
	s4 =	sadd.s32 s5, s4  }
0xf5: {  	[tilespmem:s2], [sflag:$0x5] =	stream.linear.gather [hbm4b:s4+s1], $0x40, $0x38;
	[tilespmem:$0x1C800] =	vst v63  }
0xf6: {  	s18 =	simm.s32 $0x600;
	s4 =	sadd.s32 s5, s17  }
0xf7: {  	[tilespmem:s18], [sflag:$0x5] =	stream.linear.gather [hbm4b:s4+s1], $0x40, $0x38;
	[tilespmem:$0x1C800] =	vst v63  }
0xf8: {  	_ =	swait.ge [sflag:s7], $0x40  }
0xf9: {  	[sflag:s7] =	ssyncset.done $0x0  }
0xfa: {  	[sflag:s7] =	ssyncadd.s32 $0xFFFFFFC0  }
0xfb: {  	_ =	swait.ge [sflag:s7], $0x40  }
0xfc: {  	[sflag:s7] =	ssyncset.done $0x0  }
0xfd: {  	[sflag:s7] =	ssyncadd.s32 $0xFFFFFFC0  }
0xfe: {  	[tilespmem:s9], [sflag:$0x9] =	stream.indirect.gather [hbm4b:s26+s8], $0x80, s1, s8, $0xb8;
	[tilespmem:$0x1C800] =	vst v63  }
0xff: {  	_ =	swait.ge [sflag:s24], $0x2000  }
0x100: {  	[sflag:s24] =	ssyncset.done $0x0  }
0x101: {  	[sflag:s24] =	ssyncadd.s32 $0xFFFFE000  }
0x102: {  	[spmem:s28] =	stream.indirect.scatter.add.f32 [tilespmem:s20], [sflag:$0x10], $0x80, s30, s8, $0xb8;
	[tilespmem:$0x1C800] =	vst v63  }
0x103: {  	_ =	swait.ge [sflag:s25], $0x2000  }
0x104: {  	s13 =	simm.s32 $0x280;
	[sflag:s25] =	ssyncset.done $0x0;
	s6 =	rddreg [dreg:$0x11]  }
0x105: {  	s17 =	rddreg [dreg:$0x10];
	[sflag:s25] =	ssyncadd.s32 $0xFFFFE000;
	s4 =	sadd.s32 s5, s6  }
0x106: {  	[tilespmem:s13], [sflag:$0x6] =	stream.linear.gather [hbm4b:s4+s1], $0x40, $0x38;
	[tilespmem:$0x1C800] =	vst v63  }
0x107: {  	s18 =	simm.s32 $0x680;
	s4 =	sadd.s32 s5, s17  }
0x108: {  	[tilespmem:s18], [sflag:$0x6] =	stream.linear.gather [hbm4b:s4+s1], $0x40, $0x38;
	[tilespmem:$0x1C800] =	vst v63  }
0x109: {  	_ =	swait.ge [sflag:s10], $0x40  }
0x10a: {  	[sflag:s10] =	ssyncset.done $0x0  }
.Ltmp3:
0x10b: {  	[sflag:s10] =	ssyncadd.s32 $0xFFFFFFC0;
	(pc) =	sbr.rel .LBB2_2-.Ltmp3, $4  }
0x10c: {  	_ =	swait.ge [sflag:s10], $0x40  }
0x10d: {  	s30 =	simm.s32 $0x80;
	[sflag:s10] =	ssyncset.done $0x0  }
0x10e: {  	s5 =	sadd.s32 $0x40, s5;
	s13 =	simm.s32 $0x780;
	[sflag:s10] =	ssyncadd.s32 $0xFFFFFFC0  }
0x10f: {  	[tilespmem:s11], [sflag:$0xA] =	stream.indirect.gather [hbm4b:s26+s8], $0x80, s30, s8, $0xb8;
	[tilespmem:$0x1C800] =	vst v63  }
.LBB2_5:
0x110: {  	_ =	sfence.sel $0x180000  }
0x111: {  	[bflag:$0x0] =	sbarrier.arrive $0xFFFF  }
0x112: {  	_ =	strace $0x9000004A  }
0x113: {  	s0 =	stileid.u32;
	[bflag:$0x2] =	sbarrier.arrive $0xFFFF  }
0x114: {  	p0 =	sne.s32 s0, $0x0;
	s0 =	rddreg [dreg:$0x3]  }
0x115: {  	s0 =	sadd.s32 @!p0 $0x100000, s0  }
0x116: {  	[sflag:s0] =	ssyncadd.tile.s32 @!p0 $0x1;
	_ =	shalt  }
.Lfunc_end2:
_tile_overlayer_lowered:
.L_overlay_start_2:
0x117: {  	(tag) =	ssettag $0x2  }
0x118: {  	s0 =	rddreg [dreg:$0x0];
	s2 =	stileid.u32  }
0x119: {  	s1 =	rddreg [dreg:$0x1];
	p0 =	sne.s32 s2, $0x0  }
0x11a: {  	s3 =	rddreg [dreg:$0x2];
	[bflag:$0x3] =	sbarrier.arrive $0xFFFF;
	s2 =	simm.s32 @!p0 $0x1C11  }
0x11b: {  	[timem:s3], [sflag:s2] =	dma.local @!p0 [hbm:s0], s1  }
0x11c: {  	s0 =	simm.s32 @!p0 $0x11  }
0x11d: {  	_ =	swait.ge @!p0 [sflag:s0], s1  }
0x11e: {  	s1 =	ssub.s32 @!p0 $0x0, s1;
	[sflag:s0] =	ssyncset.done @!p0 $0x0  }
0x11f: {  	[sflag:s0] =	ssyncadd.s32 @!p0 s1  }
0x120: {  	[bflag:$0x3] =	sbarrier.arrive $0xFFFF  }
0x121: {  	_ =	shalt  }

// kernel: kernel.14.cloned.1.call-start
scs
__scs_entry_jumppad:
0x0: {  	(pc) =	sbr.rel $0x88, $3  }
0x1: {  	(tag) =	ssettag $0x0;
	lr =	simm.s32 $0x1  }
0x2: {  	[smem:$0x3F9B] =	sst lr;
	_ =	strace $0xD0000000  }
0x3: {  	_ = 	snop  }
0x4: {  	_ = 	snop  }
0x5: {  	_ = 	snop  }
0x6: {  	_ = 	snop  }
0x7: {  	_ = 	snop  }
__scs_overlays_trampoline_lowered:
0x8: {  	[smem:$0x3FAA] =	sst s0  }
0x9: {  	[smem:$0x3FAB] =	sst s1  }
0xa: {  	[smem:$0x3FAC] =	sst s2  }
0xb: {  	[smem:$0x3FAD] =	sst s3  }
0xc: {  	[smem:$0x3FAE] =	sst s4  }
0xd: {  	[smem:$0x3FAF] =	sst s5  }
0xe: {  	[smem:$0x3FB0] =	sst s6  }
0xf: {  	[smem:$0x3FB1] =	sst s7  }
0x10: {  	[smem:$0x3FB2] =	sst s8  }
0x11: {  	[smem:$0x3FB3] =	sst s9;
	s0 =	simm.s32 @!p0 $0x0  }
0x12: {  	s1 =	sld [smem:$0x3F99];
	s0 =	simm.s32 @p0 $0x1  }
0x13: {  	[smem:$0x3FB4] =	sst s0;
	s0 =	simm.s32 @!p1 $0x0  }
0x14: {  	s2 =	sld [smem:$0x3F98];
	s0 =	simm.s32 @p1 $0x1  }
0x15: {  	[smem:$0x3FB5] =	sst s0;
	s0 =	simm.s32 @!p2 $0x0  }
0x16: {  	s3 =	sld [smem:$0x3FDB];
	s0 =	simm.s32 @p2 $0x1  }
0x17: {  	s4 =	simm.s32 $0x1BF5;
	[smem:$0x3FB7] =	sst s0  }
0x18: {  	s0 =	sld [smem:$0x3F9A];
	_ =	swait.ge [sflag:s4], $0x0  }
0x19: {  	s7 =	sld [smem:$0x3F9B]  }
0x1a: {  	s8 =	sadd.s32 $0xFFFFE003, lr  }
0x1b: {  	s9 =	sadd.s32 $0xFFFFFEF7, lr;
	s5 =	simm.s32 $0xFFFFFFFF;
	p2 =	slt.u32 s8, $0xFFFFF086  }
0x1c: {  	p1 =	slt.u32 s9, $0xF7A;
	s5 =	simm.s32 @!p2 $0x0  }
0x1d: {  	s5 =	simm.s32 @p1 $0x1;
	p0 =	seq.s32 s7, s2  }
0x1e: {  	s7 =	smul.u32 @!p0 $0xF7A, s2;
	p2 =	seq.s32 @!p0 s5, $0x0  }
0x1f: {  	s9 =	smul.u32 $0xF7A, s1;
	s8 =	simm.s32 @!p0 $0x1BF5;
	p2 =	por !p2, p0  }
0x20: {  	[sflag:s8] =	ssyncset.s32 @!p0 $0xFFFFF086;
	s6 =	sadd.s32 @!p0 s3, s7;
	s7 =	simm.s32 @!p0 $0x108  }
0x21: {  	s3 =	sadd.s32 s3, s9;
	s6 =	sadd.s32 @!p0 $0x88, s6;
	s7 =	simm.s32 @p2 $0x1082  }
0x22: {  	[simem:s7], [sflag:s8] =	dma.local @!p0 [hbm:s6], $0xF7A  }
0x23: {  	s9 =	sor.u32 $0xD0000000, s2;
	s6 =	simm.s32 $0x108;
	_ =	swait.ge @!p0 [sflag:s8], $0x0  }
0x24: {  	s3 =	sadd.s32 $0x88, s3;
	s6 =	simm.s32 @!p1 $0x1082;
	[sflag:s4] =	ssyncset.s32 $0xFFFFF086  }
0x25: {  	[simem:s6], [sflag:s4] =	dma.local [hbm:s3], $0xF7A  }
0x26: {  	[smem:$0x3F9B] =	sst s1;
	(tag) =	ssettag s2;
	_ =	strace s9  }
0x27: {  	s1 =	sld [smem:$0x3FAB]  }
0x28: {  	s2 =	sld [smem:$0x3FAC]  }
0x29: {  	s4 =	sld [smem:$0x3FAE]  }
0x2a: {  	p0 =	seq.s32 s5, $0x0;
	s5 =	sld [smem:$0x3FAF]  }
0x2b: {  	s6 =	sld [smem:$0x3FB0]  }
0x2c: {  	s7 =	sld [smem:$0x3FB1]  }
0x2d: {  	s3 =	simm.s32 $0x108;
	s8 =	sld [smem:$0x3FB2]  }
0x2e: {  	s3 =	simm.s32 @!p0 $0x1082;
	s9 =	sld [smem:$0x3FB3]  }
0x2f: {  	lr =	sadd.s32 s0, s3;
	s0 =	sld [smem:$0x3FAA]  }
0x30: {  	s3 =	sld [smem:$0x3FAD]  }
0x31: {  	[smem:$0x3FB6] =	sst s10  }
0x32: {  	s10 =	sld [smem:$0x3FB4];
	_ =	sdelay $0x3  }
0x33: {  	p0 =	seq.s32 s10, $0x1;
	s10 =	sld [smem:$0x3FB6];
	_ =	sdelay $0x3  }
0x34: {  	[smem:$0x3FB6] =	sst s10  }
0x35: {  	s10 =	sld [smem:$0x3FB5];
	_ =	sdelay $0x3  }
0x36: {  	p1 =	seq.s32 s10, $0x1;
	s10 =	sld [smem:$0x3FB6];
	_ =	sdelay $0x3  }
0x37: {  	[smem:$0x3FB6] =	sst s10  }
0x38: {  	s10 =	sld [smem:$0x3FB7]  }
0x39: {  	_ = 	snop;
	(pc) =	sbr.ind lr, $3  }
0x3a: {  	_ = 	snop  }
0x3b: {  	_ = 	snop  }
0x3c: {  	p2 =	seq.s32 s10, $0x1;
	s10 =	sld [smem:$0x3FB6]  }
0x3d: {  	_ =	shalt  }
0x3e: {  	_ =	shalt  }
0x3f: {  	_ =	shalt  }
0x40: {  	_ =	shalt  }
0x41: {  	_ =	shalt  }
0x42: {  	_ =	shalt  }
0x43: {  	_ =	shalt  }
0x44: {  	_ =	shalt  }
0x45: {  	_ =	shalt  }
0x46: {  	_ =	shalt  }
0x47: {  	_ =	shalt  }
0x48: {  	_ =	shalt  }
0x49: {  	_ =	shalt  }
0x4a: {  	_ =	shalt  }
0x4b: {  	_ =	shalt  }
0x4c: {  	_ =	shalt  }
0x4d: {  	_ =	shalt  }
0x4e: {  	_ =	shalt  }
0x4f: {  	_ =	shalt  }
0x50: {  	_ =	shalt  }
0x51: {  	_ =	shalt  }
0x52: {  	_ =	shalt  }
0x53: {  	_ =	shalt  }
0x54: {  	_ =	shalt  }
0x55: {  	_ =	shalt  }
0x56: {  	_ =	shalt  }
0x57: {  	_ =	shalt  }
0x58: {  	_ =	shalt  }
0x59: {  	_ =	shalt  }
0x5a: {  	_ =	shalt  }
0x5b: {  	_ =	shalt  }
0x5c: {  	_ =	shalt  }
0x5d: {  	_ =	shalt  }
0x5e: {  	_ =	shalt  }
0x5f: {  	_ =	shalt  }
0x60: {  	_ =	shalt  }
0x61: {  	_ =	shalt  }
0x62: {  	_ =	shalt  }
0x63: {  	_ =	shalt  }
0x64: {  	_ =	shalt  }
0x65: {  	_ =	shalt  }
0x66: {  	_ =	shalt  }
0x67: {  	_ =	shalt  }
0x68: {  	_ =	shalt  }
0x69: {  	_ =	shalt  }
0x6a: {  	_ =	shalt  }
0x6b: {  	_ =	shalt  }
0x6c: {  	_ =	shalt  }
0x6d: {  	_ =	shalt  }
0x6e: {  	_ =	shalt  }
0x6f: {  	_ =	shalt  }
0x70: {  	_ =	shalt  }
0x71: {  	_ =	shalt  }
0x72: {  	_ =	shalt  }
0x73: {  	_ =	shalt  }
0x74: {  	_ =	shalt  }
0x75: {  	_ =	shalt  }
0x76: {  	_ =	shalt  }
0x77: {  	_ =	shalt  }
0x78: {  	_ =	shalt  }
0x79: {  	_ =	shalt  }
0x7a: {  	_ =	shalt  }
0x7b: {  	_ =	shalt  }
0x7c: {  	_ =	shalt  }
0x7d: {  	_ =	shalt  }
0x7e: {  	_ =	shalt  }
0x7f: {  	_ =	shalt  }
0x80: {  	_ =	shalt  }
0x81: {  	_ =	shalt  }
0x82: {  	_ =	shalt  }
0x83: {  	_ =	shalt  }
0x84: {  	_ =	shalt  }
0x85: {  	_ =	shalt  }
0x86: {  	_ =	shalt  }
0x87: {  	_ =	shalt  }
.Lfunc_end0:
.L_simem_size_0:
called_computation.2_lowered:
.L_overlay_start_0:
0x88: {  	s2 =	sld [smem:$0x3FD9]  }
0x89: {  	s3 =	sld [smem:$0x3FFE];
	_ =	sdelay $0x1  }
0x8a: {  	s1 =	srdreg.scid  }
0x8b: {  	s0 =	sand.u32 $0x1, s1  }
0x8c: {  	s17 =	sshll.u32 s0, $0xA;
	s2 =	sadd.s32 s3, s2  }
0x8d: {  	s2 =	sadd.s32 s2, s17  }
0x8e: {  	[smem:$0x3FC2] =	sst s2  }
0x8f: {  	_ = 	snop  }
0x90: {  	s2 =	sld [smem:$0x3FD0];
	(tm) =	ssettm $0x1  }
0x91: {  	s18 =	sld [smem:$0x3FFB];
	_ =	sdelay $0x3  }
0x92: {  	_ =	strace s18  }
0x93: {  	s3 =	sld [smem:$0x3FFC];
	_ =	sdelay $0x3  }
0x94: {  	_ =	strace s3  }
0x95: {  	s3 =	sld [smem:$0x3FFD];
	_ =	sdelay $0x3  }
0x96: {  	_ =	strace s3  }
0x97: {  	_ =	strace $0x8FFFFFFF  }
0x98: {  	s19 =	sld [smem:$0x3FDB];
	_ =	sdelay $0x1  }
0x99: {  	s4 =	simm.s32 $_scs_section_size  }
0x9a: {  	s5 =	simm.s32 $_size__tile_overlayer_lowered;
	s6 =	simm.s32 $_tile_overlayer_lowered  }
0x9b: {  	s22 =	simm.s32 $0x1BFF;
	s21 =	sshll.u32 s6, $0x1;
	s3 =	sadd.s32 s4, s19  }
0x9c: {  	s7 =	simm.s32 $0x0;
	s20 =	sshll.u32 s5, $0x1;
	s5 =	sadd.s32 s21, s3  }
0x9d: {  	[timem:s7], [sflag:s22] =	dma.local [hbm:s5], s20  }
0x9e: {  	_ =	swait.ge [sflag:s22], s20  }
0x9f: {  	s4 =	ssub.s32 $0x0, s20;
	[sflag:s22] =	ssyncset.done $0x0  }
0xa0: {  	[sflag:s22] =	ssyncadd.s32 s4;
	_ =	sdelay $0x1  }
0xa1: {  	s23 =	simm.s32 $0x1B8B  }
0xa2: {  	_ =	swait.ge [sflag:s23], $0x1  }
0xa3: {  	[sflag:s23] =	ssyncset.done $0x0  }
0xa4: {  	s25 =	simm.s32 $0x1B8E;
	s24 =	sld [smem:$0x3FFE];
	[sflag:s23] =	ssyncadd.s32 $0xFFFFFFFF  }
0xa5: {  	s26 =	simm.s32 $execute0_lowered;
	[smem:$0x3FD2] =	sst s25  }
0xa6: {  	s5 =	sshll.u32 s26, $0x1;
	_ =	strace $0x8000004C;
	[dreg:$0x1] =	wrdreg $0xFFFFFFFF  }
0xa7: {  	s28 =	simm.s32 $_size_execute0_lowered;
	s3 =	sadd.s32 s3, s5;
	[dreg:$0x0] =	wrdreg $0x0  }
0xa8: {  	s5 =	sshll.u32 s28, $0x1;
	[dreg:$0x2] =	wrdreg s3  }
0xa9: {  	[dreg:$0x3] =	wrdreg s5  }
0xaa: {  	[dreg:$0x4] =	wrdreg $0xC0  }
0xab: {  	_ =	task [dreg:s7], $0x5FFFF  }
0xac: {  	[dreg:$0x1] =	wrdreg $0xFFFFFFFF  }
0xad: {  	[dreg:$0x0] =	wrdreg $0x60  }
0xae: {  	[dreg:$0x2] =	wrdreg s2  }
0xaf: {  	[dreg:$0x3] =	wrdreg s24  }
0xb0: {  	[dreg:$0x4] =	wrdreg $0x88000  }
0xb1: {  	[dreg:$0x5] =	wrdreg $0x9  }
0xb2: {  	_ =	task.clear_ibuf [dreg:s7], $0x6FFFF;
	_ =	strace $0x9000004C  }
0xb3: {  	s29 =	simm.s32 $0x9;
	_ =	strace $0x8000004E  }
0xb4: {  	_ =	swait.ge [sflag:s29], $0x1  }
0xb5: {  	[sflag:s29] =	ssyncadd.s32 $0xFFFFFFFF  }
0xb6: {  	_ =	strace $0x9000004E  }
0xb7: {  	_ =	sfence  }
0xb8: {  	s30 =	sld [smem:$0x0];
	_ =	sdelay $0x2  }
0xb9: {  	s31 =	sshll.u32 s1, $0xD;
	s1 =	sshrl.u32 s1, $0x2  }
0xba: {  	s3 =	sand.u32 $0x4000, s31;
	s1 =	sadd.s32 s1, s30  }
0xbb: {  	s0 =	sor.u32 s3, s0;
	s1 =	sshll.u32 s1, $0x11  }
0xbc: {  	s0 =	sor.u32 s1, s0  }
0xbd: {  	s0 =	sadd.s32 $0x8F2B, s0  }
0xbe: {  	[sflag:s0] =	ssyncadd.remote.s32 $0x1  }
0xbf: {  	_ =	sfence.sel $0xFFFF  }
0xc0: {  	[dreg:$0x0] =	wrdreg $0xFFFFFFFF;
	(pc) =	sbr.abs _section_cstart, $3  }
0xc1: {  	[dreg:$0x1] =	wrdreg $0xFFFFFFFF  }
0xc2: {  	_ =	task.clear_ibuf [dreg:s7], $0x2FFFF;
	_ =	strace $0x9FFFFFFF  }
0xc3: {  	(tm) =	ssettm $0x7FFFFFFF  }
tec
execute0_lowered:
.L_overlay_start_1:
0x0: {  	(tag) =	ssettag $0x1  }
0x1: {  	s11 =	stileid.u32;
	s0 =	srdreg.scid  }
0x2: {  	s4 =	rddreg [dreg:$0x1];
	s3 =	smul.u32 $0x14000, s11  }
0x3: {  	s1 =	simm.s32 $0x0;
	s28 =	rddreg [dreg:$0x2];
	s9 =	smul.u32 $0xA0, s11  }
0x4: {  	s29 =	simm.s32 $0x6;
	s6 =	sand.u32 $0x1, s0;
	s26 =	smul.u32 $0x2800, s11  }
0x5: {  	s31 =	simm.s32 $0x7;
	s30 =	simm.s32 $0x0;
	s7 =	smul.u32 $0x140000, s6  }
0x6: {  	[smem:$0x7FF] =	sst s1;
	s2 =	sadd.s32 $0xC000, s4;
	s8 =	smul.u32 $0xA00, s6  }
0x7: {  	s19 =	ssub.s32 $0x2, s6;
	s6 =	smul.u32 $0x28000, s6;
	s18 =	sshrl.u32 s3, $0x3  }
0x8: {  	s5 =	sadd.s32 $0x2000, s4;
	s10 =	sshrl.u32 s19, $0x1;
	s0 =	sadd.s32 s18, s4  }
0x9: {  	s3 =	sadd.s32 s3, s7;
	s8 =	sadd.s32 s9, s8;
	s6 =	sadd.s32 s26, s6  }
0xa: {  	s9 =	simm.s32 $0x800;
	s3 =	sshrl.u32 s3, $0x3;
	s20 =	sshll.u32 s8, $0x3  }
0xb: {  	s17 =	sor.u32 $0x340, s6;
	s0 =	sadd.s32 $0x16000, s0;
	s8 =	sadd.s32 s2, s20  }
0xc: {  	s21 =	sadd.s32 s5, s20;
	s22 =	sor.u32 $0x8, s20;
	[dreg:$0x4] =	wrdreg s8  }
0xd: {  	s3 =	sadd.s32 s3, s4;
	[dreg:$0x5] =	wrdreg s21;
	s23 =	sadd.s32 s2, s22  }
0xe: {  	s24 =	sor.u32 $0x10, s20;
	s8 =	sadd.s32 s5, s22;
	[dreg:$0x6] =	wrdreg s23  }
0xf: {  	s25 =	sor.u32 $0x18, s20;
	s12 =	sadd.s32 s2, s24;
	[dreg:$0x7] =	wrdreg s8  }
0x10: {  	s4 =	ssub.s32 s19, s10;
	s13 =	sadd.s32 s2, s25;
	[dreg:$0x8] =	wrdreg s12  }
0x11: {  	s15 =	sor.u32 $0x20, s20;
	s14 =	sadd.s32 s5, s25;
	[dreg:$0xa] =	wrdreg s13  }
0x12: {  	s7 =	sor.u32 $0x28, s20;
	s16 =	sadd.s32 s2, s15;
	[dreg:$0xb] =	wrdreg s14  }
0x13: {  	s19 =	sshrl.u32 s17, $0x3;
	s18 =	sadd.s32 s2, s7;
	[dreg:$0xc] =	wrdreg s16  }
0x14: {  	s17 =	sor.u32 $0x1C0, s6;
	s7 =	sadd.s32 s5, s7;
	[dreg:$0xe] =	wrdreg s18  }
0x15: {  	s20 =	sadd.s32 s19, s5;
	s21 =	sor.u32 $0x300, s6;
	[dreg:$0xf] =	wrdreg s7  }
0x16: {  	s22 =	sor.u32 $0x2C0, s6;
	s8 =	sadd.s32 s5, s24;
	[dreg:$0x10] =	wrdreg s20  }
0x17: {  	s7 =	sshrl.u32 s21, $0x3;
	s24 =	sor.u32 $0x280, s6;
	s12 =	sor.u32 $0x240, s6  }
0x18: {  	s14 =	sor.u32 $0x200, s6;
	s6 =	sor.u32 $0x180, s6;
	s20 =	smul.u32 $0x50000, s11  }
0x19: {  	[dreg:$0x9] =	wrdreg s8;
	s8 =	sadd.s32 s5, s15;
	s23 =	sadd.s32 s7, s5  }
0x1a: {  	s7 =	sadd.s32 s7, s2;
	s25 =	sshrl.u32 s24, $0x3;
	s13 =	sshrl.u32 s12, $0x3  }
0x1b: {  	s16 =	sshrl.u32 s14, $0x3;
	s6 =	sshrl.u32 s6, $0x3;
	s24 =	sadd.s32 $0x3E000, s3  }
0x1c: {  	s12 =	simm.s32 $0x9;
	s14 =	simm.s32 $0x3;
	[dreg:$0xd] =	wrdreg s8  }
0x1d: {  	s3 =	simm.s32 $0x8;
	s8 =	sadd.s32 s19, s2;
	[dreg:$0x12] =	wrdreg s23  }
0x1e: {  	[dreg:$0x13] =	wrdreg s7;
	s10 =	sadd.s32 s25, s5;
	s7 =	sadd.s32 s25, s2  }
0x1f: {  	s15 =	sadd.s32 s13, s5;
	s18 =	sadd.s32 s16, s5;
	[dreg:$0x11] =	wrdreg s8  }
0x20: {  	s19 =	sshrl.u32 s17, $0x3;
	s23 =	sshll.u32 s11, $0x6;
	[dreg:$0x16] =	wrdreg s10  }
0x21: {  	s25 =	smax.u32 s4, $0x1;
	s17 =	simm.s32 $0x280;
	[dreg:$0x17] =	wrdreg s7  }
0x22: {  	s11 =	simm.s32 $0x2800;
	s8 =	sshrl.u32 s22, $0x3;
	[dreg:$0x18] =	wrdreg s15  }
0x23: {  	s7 =	sadd.s32 s13, s2;
	[dreg:$0x1a] =	wrdreg s18;
	s21 =	sadd.s32 s19, s5  }
0x24: {  	s22 =	sshrl.u32 s20, $0x2;
	s13 =	simm.s32 $0x600;
	[dreg:$0x19] =	wrdreg s7  }
0x25: {  	s18 =	simm.s32 $0x680;
	s26 =	sadd.s32 s8, s5;
	[dreg:$0x1c] =	wrdreg s21  }
0x26: {  	s10 =	simm.s32 $0x2;
	s8 =	sadd.s32 s8, s2;
	[dreg:$0x14] =	wrdreg s26  }
0x27: {  	s15 =	simm.s32 $0x4800;
	s7 =	sadd.s32 s16, s2;
	[dreg:$0x15] =	wrdreg s8  }
0x28: {  	s20 =	simm.s32 $0x6800;
	s5 =	sadd.s32 s6, s5;
	[dreg:$0x1b] =	wrdreg s7  }
0x29: {  	s16 =	simm.s32 $0xA;
	s21 =	simm.s32 $0xB;
	s26 =	rddreg [dreg:$0x0]  }
0x2a: {  	s7 =	sadd.s32 s19, s2;
	[dreg:$0x1e] =	wrdreg s5;
	s2 =	sadd.s32 s6, s2  }
0x2b: {  	s5 =	sor.u32 $0x1C11, s23;
	s6 =	simm.s32 $0x11;
	[dreg:$0x1d] =	wrdreg s7  }
0x2c: {  	s8 =	simm.s32 $0x40;
	[dreg:$0x1f] =	wrdreg s2;
	s2 =	sadd.s32 s22, s28  }
.Ltmp0:
0x2d: {  	_ =	strace $0x8000004D;
	[smem:$0x7F9] =	sst s2;
	(pc) =	sbr.rel .LBB2_1-.Ltmp0, $4  }
0x2e: {  	s19 =	simm.s32 $0x4;
	s23 =	simm.s32 $0x5;
	[smem:$0x7FA] =	sst s0  }
0x2f: {  	s7 =	simm.s32 $0x1;
	s22 =	simm.s32 $0xD;
	[smem:$0x7FB] =	sst s24  }
0x30: {  	[smem:$0x7FC] =	sst s25;
	s2 =	simm.s32 $0x200;
	s24 =	simm.s32 $0xC  }
0x31: {  	s25 =	simm.s32 $0xE;
	s0 =	simm.s32 $0x10;
	[smem:$0x7FD] =	sst s5  }
.LBB2_4:
0x32: {  	_ =	swait.ge [sflag:s24], $0x2000  }
0x33: {  	[sflag:s24] =	ssyncset.done $0x0  }
0x34: {  	[sflag:s24] =	ssyncadd.s32 $0xFFFFE000  }
0x35: {  	[spmem:s28] =	stream.indirect.scatter.add.f32 [tilespmem:s20], [sflag:$0x10], $0x80, s30, s8, $0xb8;
	[tilespmem:$0x1C800] =	vst v63  }
0x36: {  	_ =	swait.ge [sflag:s25], $0x2000  }
0x37: {  	[sflag:s25] =	ssyncset.done $0x0  }
0x38: {  	s2 =	simm.s32 $0xF;
	[sflag:s25] =	ssyncadd.s32 $0xFFFFE000  }
0x39: {  	_ =	swait.ge [sflag:s2], $0x2000  }
0x3a: {  	[sflag:s2] =	ssyncset.done $0x0  }
0x3b: {  	[sflag:s2] =	ssyncadd.s32 $0xFFFFE000  }
0x3c: {  	_ =	swait.ge [sflag:s0], $0x2000  }
0x3d: {  	[sflag:s0] =	ssyncset.done $0x0  }
0x3e: {  	[sflag:s0] =	ssyncadd.s32 $0xFFFFE000  }
0x3f: {  	[bflag:$0x0] =	sbarrier.arrive $0xFFFF  }
0x40: {  	s5 =	sld [smem:$0x7FD]  }
0x41: {  	s4 =	sld [smem:$0x7FB]  }
0x42: {  	s17 =	sld [smem:$0x7F8];
	_ =	sdelay $0x1  }
0x43: {  	s6 =	simm.s32 $0x11  }
0x44: {  	[hbm:s4], [sflag:s5] =	dma.local [spmem:s17], $0x2800  }
0x45: {  	_ =	swait.ge [sflag:s6], $0x2800  }
0x46: {  	s30 =	sld [smem:$0x7F7]  }
0x47: {  	s18 =	sld [smem:$0x7FC];
	_ =	sdelay $0x1  }
0x48: {  	s30 =	sadd.s32 $0x1, s30  }
0x49: {  	p0 =	sne.s32 s30, s18  }
.Ltmp1:
0x4a: {  	_ = 	snop;
	(pc) =	sbr.rel @!p0 .LBB2_5-.Ltmp1, $3  }
0x4b: {  	_ =	sdelay $0x1  }
0x4c: {  	s13 =	simm.s32 $0x600;
	s2 =	simm.s32 $0x200;
	[sflag:s6] =	ssyncset.done $0x0  }
0x4d: {  	s17 =	simm.s32 $0x280;
	[sflag:s6] =	ssyncadd.s32 $0xFFFFD800;
	s18 =	simm.s32 $0x680  }
.LBB2_1:
0x4e: {  	s4 =	sld [smem:$0x7F9];
	_ =	sdelay $0x1  }
0x4f: {  	[smem:$0x7F7] =	sst s30  }
0x50: {  	s30 =	sshrl.u32 s4, $0x3;
	s4 =	sld [smem:$0x7FA];
	_ =	sdelay $0x1  }
0x51: {  	[smem:$0x7F8] =	sst s30  }
0x52: {  	[spmem:s30], [sflag:s5] =	dma.local [hbm:s4], $0x2800  }
0x53: {  	_ =	swait.ge [sflag:s6], $0x2800  }
0x54: {  	[sflag:s6] =	ssyncset.done $0x0  }
0x55: {  	[sflag:s6] =	ssyncadd.s32 $0xFFFFD800  }
0x56: {  	[bflag:$0x0] =	sbarrier.arrive $0xFFFF  }
0x57: {  	s30 =	rddreg [dreg:$0x4]  }
0x58: {  	[tilespmem:s1], [sflag:$0x1] =	stream.linear.gather [hbm4b:s30+s1], $0x40, $0x38;
	[tilespmem:$0x1C800] =	vst v63  }
0x59: {  	s6 =	simm.s32 $0x400;
	s5 =	rddreg [dreg:$0x5]  }
0x5a: {  	[tilespmem:s6], [sflag:$0x1] =	stream.linear.gather [hbm4b:s5+s1], $0x40, $0x38;
	[tilespmem:$0x1C800] =	vst v63  }
0x5b: {  	s30 =	rddreg [dreg:$0x6];
	s5 =	simm.s32 $0x80  }
0x5c: {  	[tilespmem:s5], [sflag:$0x2] =	stream.linear.gather [hbm4b:s30+s1], $0x40, $0x38;
	[tilespmem:$0x1C800] =	vst v63  }
0x5d: {  	s6 =	rddreg [dreg:$0x7];
	s30 =	simm.s32 $0x480  }
0x5e: {  	[tilespmem:s30], [sflag:$0x2] =	stream.linear.gather [hbm4b:s6+s1], $0x40, $0x38;
	[tilespmem:$0x1C800] =	vst v63  }
0x5f: {  	s6 =	rddreg [dreg:$0x8];
	s30 =	simm.s32 $0x100  }
0x60: {  	[tilespmem:s30], [sflag:$0x3] =	stream.linear.gather [hbm4b:s6+s1], $0x40, $0x38;
	[tilespmem:$0x1C800] =	vst v63  }
0x61: {  	s6 =	rddreg [dreg:$0x9];
	s30 =	simm.s32 $0x500  }
0x62: {  	[tilespmem:s30], [sflag:$0x3] =	stream.linear.gather [hbm4b:s6+s1], $0x40, $0x38;
	[tilespmem:$0x1C800] =	vst v63  }
0x63: {  	s6 =	rddreg [dreg:$0xa];
	s30 =	simm.s32 $0x180  }
0x64: {  	[tilespmem:s30], [sflag:$0x4] =	stream.linear.gather [hbm4b:s6+s1], $0x40, $0x38;
	[tilespmem:$0x1C800] =	vst v63  }
0x65: {  	s6 =	rddreg [dreg:$0xb];
	s30 =	simm.s32 $0x580  }
0x66: {  	[tilespmem:s30], [sflag:$0x4] =	stream.linear.gather [hbm4b:s6+s1], $0x40, $0x38;
	[tilespmem:$0x1C800] =	vst v63  }
0x67: {  	s30 =	rddreg [dreg:$0xc]  }
0x68: {  	[tilespmem:s2], [sflag:$0x5] =	stream.linear.gather [hbm4b:s30+s1], $0x40, $0x38;
	[tilespmem:$0x1C800] =	vst v63  }
0x69: {  	s6 =	rddreg [dreg:$0xd]  }
0x6a: {  	[tilespmem:s13], [sflag:$0x5] =	stream.linear.gather [hbm4b:s6+s1], $0x40, $0x38;
	[tilespmem:$0x1C800] =	vst v63  }
0x6b: {  	s13 =	rddreg [dreg:$0xe]  }
0x6c: {  	[tilespmem:s17], [sflag:$0x6] =	stream.linear.gather [hbm4b:s13+s1], $0x40, $0x38;
	[tilespmem:$0x1C800] =	vst v63  }
0x6d: {  	s30 =	rddreg [dreg:$0xf]  }
0x6e: {  	[tilespmem:s18], [sflag:$0x6] =	stream.linear.gather [hbm4b:s30+s1], $0x40, $0x38;
	[tilespmem:$0x1C800] =	vst v63  }
0x6f: {  	_ =	swait.ge [sflag:s7], $0x40  }
0x70: {  	[sflag:s7] =	ssyncset.done $0x0  }
0x71: {  	[sflag:s7] =	ssyncadd.s32 $0xFFFFFFC0  }
0x72: {  	_ =	swait.ge [sflag:s7], $0x40  }
0x73: {  	[sflag:s7] =	ssyncset.done $0x0  }
0x74: {  	[sflag:s7] =	ssyncadd.s32 $0xFFFFFFC0  }
0x75: {  	[tilespmem:s9], [sflag:$0x9] =	stream.indirect.gather [hbm4b:s26+s8], $0x80, s1, s8, $0xb8;
	[tilespmem:$0x1C800] =	vst v63  }
0x76: {  	_ =	swait.ge [sflag:s10], $0x40  }
0x77: {  	[sflag:s10] =	ssyncset.done $0x0  }
0x78: {  	[sflag:s10] =	ssyncadd.s32 $0xFFFFFFC0  }
0x79: {  	_ =	swait.ge [sflag:s10], $0x40  }
0x7a: {  	[sflag:s10] =	ssyncset.done $0x0  }
0x7b: {  	[sflag:s10] =	ssyncadd.s32 $0xFFFFFFC0  }
0x7c: {  	[tilespmem:s11], [sflag:$0xA] =	stream.indirect.gather [hbm4b:s26+s8], $0x80, s5, s8, $0xb8;
	[tilespmem:$0x1C800] =	vst v63  }
0x7d: {  	s13 =	simm.s32 $0x780;
	s5 =	simm.s32 $0x0  }
.LBB2_2:
0x7e: {  	_ =	swait.ge [sflag:s12], $0x2000  }
0x7f: {  	p0 =	seq.s32 s5, $0x0;
	[sflag:s12] =	ssyncset.done $0x0  }
0x80: {  	s4 =	simm.s32 $0x400;
	s6 =	simm.s32 @!p0 $0xF;
	[sflag:s12] =	ssyncadd.s32 $0xFFFFE000  }
0x81: {  	[spmem:s28] =	stream.indirect.scatter.add.f32 [tilespmem:s9], [sflag:$0xD], $0x80, s4, s8, $0xb8;
	[tilespmem:$0x1C800] =	vst v63  }
0x82: {  	_ =	swait.ge @!p0 [sflag:s6], $0x2000  }
0x83: {  	[sflag:s6] =	ssyncset.done @!p0 $0x0  }
0x84: {  	[sflag:s6] =	ssyncadd.s32 @!p0 $0xFFFFE000;
	s6 =	rddreg [dreg:$0x1f]  }
0x85: {  	s2 =	simm.s32 $0x300;
	s18 =	rddreg [dreg:$0x1e];
	s17 =	sadd.s32 s5, s6  }
0x86: {  	[tilespmem:s2], [sflag:$0x7] =	stream.linear.gather [hbm4b:s17+s1], $0x40, $0x38;
	[tilespmem:$0x1C800] =	vst v63  }
0x87: {  	s4 =	sadd.s32 s5, s18;
	s17 =	simm.s32 $0x700  }
0x88: {  	[tilespmem:s17], [sflag:$0x7] =	stream.linear.gather [hbm4b:s4+s1], $0x40, $0x38;
	[tilespmem:$0x1C800] =	vst v63  }
0x89: {  	_ =	swait.ge [sflag:s14], $0x40  }
0x8a: {  	[sflag:s14] =	ssyncset.done $0x0  }
0x8b: {  	[sflag:s14] =	ssyncadd.s32 $0xFFFFFFC0  }
0x8c: {  	_ =	swait.ge [sflag:s14], $0x40  }
0x8d: {  	[sflag:s14] =	ssyncset.done $0x0  }
0x8e: {  	s18 =	simm.s32 $0x100;
	[sflag:s14] =	ssyncadd.s32 $0xFFFFFFC0  }
0x8f: {  	[tilespmem:s15], [sflag:$0xB] =	stream.indirect.gather [hbm4b:s26+s8], $0x80, s18, s8, $0xb8;
	[tilespmem:$0x1C800] =	vst v63  }
0x90: {  	_ =	swait.ge [sflag:s16], $0x2000  }
0x91: {  	[sflag:s16] =	ssyncset.done $0x0  }
0x92: {  	s6 =	simm.s32 $0x480;
	[sflag:s16] =	ssyncadd.s32 $0xFFFFE000  }
0x93: {  	[spmem:s28] =	stream.indirect.scatter.add.f32 [tilespmem:s11], [sflag:$0xE], $0x80, s6, s8, $0xb8;
	[tilespmem:$0x1C800] =	vst v63  }
0x94: {  	s6 =	simm.s32 @!p0 $0x10  }
0x95: {  	_ =	swait.ge @!p0 [sflag:s6], $0x2000  }
0x96: {  	[sflag:s6] =	ssyncset.done @!p0 $0x0  }
0x97: {  	s18 =	rddreg [dreg:$0x1d];
	[sflag:s6] =	ssyncadd.s32 @!p0 $0xFFFFE000  }
0x98: {  	s4 =	sadd.s32 s5, s18;
	s18 =	simm.s32 $0x380;
	s6 =	rddreg [dreg:$0x1c]  }
0x99: {  	[tilespmem:s18], [sflag:$0x8] =	stream.linear.gather [hbm4b:s4+s1], $0x40, $0x38;
	[tilespmem:$0x1C800] =	vst v63  }
0x9a: {  	s4 =	sadd.s32 s5, s6  }
0x9b: {  	[tilespmem:s13], [sflag:$0x8] =	stream.linear.gather [hbm4b:s4+s1], $0x40, $0x38;
	[tilespmem:$0x1C800] =	vst v63  }
0x9c: {  	_ =	swait.ge [sflag:s19], $0x40  }
0x9d: {  	[sflag:s19] =	ssyncset.done $0x0  }
0x9e: {  	[sflag:s19] =	ssyncadd.s32 $0xFFFFFFC0  }
0x9f: {  	_ =	swait.ge [sflag:s19], $0x40  }
0xa0: {  	[sflag:s19] =	ssyncset.done $0x0  }
0xa1: {  	s13 =	simm.s32 $0x180;
	[sflag:s19] =	ssyncadd.s32 $0xFFFFFFC0  }
0xa2: {  	[tilespmem:s20], [sflag:$0xC] =	stream.indirect.gather [hbm4b:s26+s8], $0x80, s13, s8, $0xb8;
	[tilespmem:$0x1C800] =	vst v63  }
0xa3: {  	_ =	swait.ge [sflag:s21], $0x2000  }
0xa4: {  	[sflag:s21] =	ssyncset.done $0x0  }
0xa5: {  	s6 =	simm.s32 $0x500;
	[sflag:s21] =	ssyncadd.s32 $0xFFFFE000  }
0xa6: {  	[spmem:s28] =	stream.indirect.scatter.add.f32 [tilespmem:s15], [sflag:$0xF], $0x80, s6, s8, $0xb8;
	[tilespmem:$0x1C800] =	vst v63  }
0xa7: {  	_ =	swait.ge [sflag:s22], $0x2000  }
0xa8: {  	p0 =	seq.s32 s5, $0x4C0;
	[sflag:s22] =	ssyncset.done $0x0;
	s4 =	rddreg [dreg:$0x1b]  }
0xa9: {  	s6 =	simm.s32 @!p0 $0x0;
	[sflag:s22] =	ssyncadd.s32 $0xFFFFE000;
	s4 =	sadd.s32 @!p0 s5, s4  }
0xaa: {  	[tilespmem:s6], [sflag:$0x1] =	stream.linear.gather @!p0 [hbm4b:s4+s6], $0x40, $0x38;
	[tilespmem:$0x1C800] =	vst v63  }
0xab: {  	s4 =	rddreg [dreg:$0x1a]  }
0xac: {  	s13 =	simm.s32 @!p0 $0x400;
	s4 =	sadd.s32 @!p0 s5, s4  }
0xad: {  	[tilespmem:s13], [sflag:$0x1] =	stream.linear.gather @!p0 [hbm4b:s4+s6], $0x40, $0x38;
	[tilespmem:$0x1C800] =	vst v63  }
0xae: {  	_ =	swait.ge [sflag:s23], $0x40  }
0xaf: {  	[sflag:s23] =	ssyncset.done $0x0  }
0xb0: {  	[sflag:s23] =	ssyncadd.s32 $0xFFFFFFC0  }
0xb1: {  	_ =	swait.ge [sflag:s23], $0x40  }
0xb2: {  	[sflag:s23] =	ssyncset.done $0x0  }
0xb3: {  	s13 =	simm.s32 $0x200;
	[sflag:s23] =	ssyncadd.s32 $0xFFFFFFC0  }
0xb4: {  	[tilespmem:s9], [sflag:$0x9] =	stream.indirect.gather [hbm4b:s26+s8], $0x80, s13, s8, $0xb8;
	[tilespmem:$0x1C800] =	vst v63  }
0xb5: {  	_ =	swait.ge [sflag:s24], $0x2000  }
0xb6: {  	[sflag:s24] =	ssyncset.done $0x0  }
0xb7: {  	s13 =	simm.s32 $0x580;
	[sflag:s24] =	ssyncadd.s32 $0xFFFFE000  }
0xb8: {  	[spmem:s28] =	stream.indirect.scatter.add.f32 [tilespmem:s20], [sflag:$0x10], $0x80, s13, s8, $0xb8;
	[tilespmem:$0x1C800] =	vst v63  }
0xb9: {  	_ =	swait.ge [sflag:s25], $0x2000  }
0xba: {  	[sflag:s25] =	ssyncset.done $0x0;
	s4 =	rddreg [dreg:$0x19]  }
0xbb: {  	s13 =	simm.s32 @!p0 $0x80;
	[sflag:s25] =	ssyncadd.s32 $0xFFFFE000;
	s4 =	sadd.s32 @!p0 s5, s4  }
0xbc: {  	[tilespmem:s13], [sflag:$0x2] =	stream.linear.gather @!p0 [hbm4b:s4+s6], $0x40, $0x38;
	[tilespmem:$0x1C800] =	vst v63  }
0xbd: {  	s4 =	rddreg [dreg:$0x18]  }
0xbe: {  	s13 =	simm.s32 @!p0 $0x480;
	s4 =	sadd.s32 @!p0 s5, s4  }
0xbf: {  	[tilespmem:s13], [sflag:$0x2] =	stream.linear.gather @!p0 [hbm4b:s4+s6], $0x40, $0x38;
	[tilespmem:$0x1C800] =	vst v63  }
0xc0: {  	_ =	swait.ge [sflag:s29], $0x40  }
0xc1: {  	[sflag:s29] =	ssyncset.done $0x0  }
0xc2: {  	[sflag:s29] =	ssyncadd.s32 $0xFFFFFFC0  }
0xc3: {  	_ =	swait.ge [sflag:s29], $0x40  }
0xc4: {  	[sflag:s29] =	ssyncset.done $0x0  }
0xc5: {  	s13 =	simm.s32 $0x280;
	[sflag:s29] =	ssyncadd.s32 $0xFFFFFFC0  }
0xc6: {  	[tilespmem:s11], [sflag:$0xA] =	stream.indirect.gather [hbm4b:s26+s8], $0x80, s13, s8, $0xb8;
	[tilespmem:$0x1C800] =	vst v63  }
0xc7: {  	_ =	swait.ge [sflag:s12], $0x2000  }
0xc8: {  	[sflag:s12] =	ssyncset.done $0x0  }
0xc9: {  	s13 =	simm.s32 $0x600;
	[sflag:s12] =	ssyncadd.s32 $0xFFFFE000  }
0xca: {  	[spmem:s28] =	stream.indirect.scatter.add.f32 [tilespmem:s9], [sflag:$0xD], $0x80, s13, s8, $0xb8;
	[tilespmem:$0x1C800] =	vst v63  }
0xcb: {  	s13 =	simm.s32 $0xF  }
0xcc: {  	_ =	swait.ge [sflag:s13], $0x2000  }
0xcd: {  	[sflag:s13] =	ssyncset.done $0x0;
	s4 =	rddreg [dreg:$0x17]  }
0xce: {  	[sflag:s13] =	ssyncadd.s32 $0xFFFFE000;
	s4 =	sadd.s32 @!p0 s5, s4;
	s13 =	simm.s32 @!p0 $0x100  }
0xcf: {  	[tilespmem:s13], [sflag:$0x3] =	stream.linear.gather @!p0 [hbm4b:s4+s6], $0x40, $0x38;
	[tilespmem:$0x1C800] =	vst v63  }
0xd0: {  	s4 =	rddreg [dreg:$0x16]  }
0xd1: {  	s13 =	simm.s32 @!p0 $0x500;
	s4 =	sadd.s32 @!p0 s5, s4  }
0xd2: {  	[tilespmem:s13], [sflag:$0x3] =	stream.linear.gather @!p0 [hbm4b:s4+s6], $0x40, $0x38;
	[tilespmem:$0x1C800] =	vst v63  }
0xd3: {  	_ =	swait.ge [sflag:s31], $0x40  }
0xd4: {  	[sflag:s31] =	ssyncset.done $0x0  }
0xd5: {  	[sflag:s31] =	ssyncadd.s32 $0xFFFFFFC0  }
0xd6: {  	_ =	swait.ge [sflag:s31], $0x40  }
0xd7: {  	[sflag:s31] =	ssyncset.done $0x0  }
0xd8: {  	[sflag:s31] =	ssyncadd.s32 $0xFFFFFFC0  }
0xd9: {  	[tilespmem:s15], [sflag:$0xB] =	stream.indirect.gather [hbm4b:s26+s8], $0x80, s2, s8, $0xb8;
	[tilespmem:$0x1C800] =	vst v63  }
0xda: {  	_ =	swait.ge [sflag:s16], $0x2000  }
0xdb: {  	[sflag:s16] =	ssyncset.done $0x0  }
0xdc: {  	s13 =	simm.s32 $0x680;
	[sflag:s16] =	ssyncadd.s32 $0xFFFFE000  }
0xdd: {  	[spmem:s28] =	stream.indirect.scatter.add.f32 [tilespmem:s11], [sflag:$0xE], $0x80, s13, s8, $0xb8;
	[tilespmem:$0x1C800] =	vst v63  }
0xde: {  	_ =	swait.ge [sflag:s0], $0x2000  }
0xdf: {  	[sflag:s0] =	ssyncset.done $0x0;
	s4 =	rddreg [dreg:$0x15]  }
0xe0: {  	s13 =	simm.s32 @!p0 $0x180;
	[sflag:s0] =	ssyncadd.s32 $0xFFFFE000;
	s4 =	sadd.s32 @!p0 s5, s4  }
0xe1: {  	[tilespmem:s13], [sflag:$0x4] =	stream.linear.gather @!p0 [hbm4b:s4+s6], $0x40, $0x38;
	[tilespmem:$0x1C800] =	vst v63  }
0xe2: {  	s4 =	rddreg [dreg:$0x14]  }
0xe3: {  	s13 =	simm.s32 @!p0 $0x580;
	s4 =	sadd.s32 @!p0 s5, s4  }
0xe4: {  	[tilespmem:s13], [sflag:$0x4] =	stream.linear.gather @!p0 [hbm4b:s4+s6], $0x40, $0x38;
	[tilespmem:$0x1C800] =	vst v63  }
0xe5: {  	_ =	swait.ge [sflag:s3], $0x40  }
0xe6: {  	[sflag:s3] =	ssyncset.done $0x0  }
0xe7: {  	[sflag:s3] =	ssyncadd.s32 $0xFFFFFFC0  }
0xe8: {  	_ =	swait.ge [sflag:s3], $0x40  }
0xe9: {  	[sflag:s3] =	ssyncset.done $0x0  }
0xea: {  	[sflag:s3] =	ssyncadd.s32 $0xFFFFFFC0  }
0xeb: {  	[tilespmem:s20], [sflag:$0xC] =	stream.indirect.gather [hbm4b:s26+s8], $0x80, s18, s8, $0xb8;
	[tilespmem:$0x1C800] =	vst v63  }
0xec: {  	_ =	swait.ge [sflag:s21], $0x2000  }
0xed: {  	[sflag:s21] =	ssyncset.done $0x0  }
.Ltmp2:
0xee: {  	[sflag:s21] =	ssyncadd.s32 $0xFFFFE000;
	(pc) =	sbr.rel @p0 .LBB2_4-.Ltmp2, $4  }
0xef: {  	[spmem:s28] =	stream.indirect.scatter.add.f32 [tilespmem:s15], [sflag:$0xF], $0x80, s17, s8, $0xb8;
	[tilespmem:$0x1C800] =	vst v63  }
0xf0: {  	_ =	swait.ge [sflag:s22], $0x2000  }
0xf1: {  	[sflag:s22] =	ssyncset.done $0x0  }
0xf2: {  	s30 =	simm.s32 $0x780;
	[sflag:s22] =	ssyncadd.s32 $0xFFFFE000  }
0xf3: {  	s4 =	rddreg [dreg:$0x13]  }
0xf4: {  	s2 =	simm.s32 $0x200;
	s17 =	rddreg [dreg:$0x12];
	s4 =	sadd.s32 s5, s4  }
0xf5: {  	[tilespmem:s2], [sflag:$0x5] =	stream.linear.gather [hbm4b:s4+s1], $0x40, $0x38;
	[tilespmem:$0x1C800] =	vst v63  }
0xf6: {  	s18 =	simm.s32 $0x600;
	s4 =	sadd.s32 s5, s17  }
0xf7: {  	[tilespmem:s18], [sflag:$0x5] =	stream.linear.gather [hbm4b:s4+s1], $0x40, $0x38;
	[tilespmem:$0x1C800] =	vst v63  }
0xf8: {  	_ =	swait.ge [sflag:s7], $0x40  }
0xf9: {  	[sflag:s7] =	ssyncset.done $0x0  }
0xfa: {  	[sflag:s7] =	ssyncadd.s32 $0xFFFFFFC0  }
0xfb: {  	_ =	swait.ge [sflag:s7], $0x40  }
0xfc: {  	[sflag:s7] =	ssyncset.done $0x0  }
0xfd: {  	[sflag:s7] =	ssyncadd.s32 $0xFFFFFFC0  }
0xfe: {  	[tilespmem:s9], [sflag:$0x9] =	stream.indirect.gather [hbm4b:s26+s8], $0x80, s1, s8, $0xb8;
	[tilespmem:$0x1C800] =	vst v63  }
0xff: {  	_ =	swait.ge [sflag:s24], $0x2000  }
0x100: {  	[sflag:s24] =	ssyncset.done $0x0  }
0x101: {  	[sflag:s24] =	ssyncadd.s32 $0xFFFFE000  }
0x102: {  	[spmem:s28] =	stream.indirect.scatter.add.f32 [tilespmem:s20], [sflag:$0x10], $0x80, s30, s8, $0xb8;
	[tilespmem:$0x1C800] =	vst v63  }
0x103: {  	_ =	swait.ge [sflag:s25], $0x2000  }
0x104: {  	s13 =	simm.s32 $0x280;
	[sflag:s25] =	ssyncset.done $0x0;
	s6 =	rddreg [dreg:$0x11]  }
0x105: {  	s17 =	rddreg [dreg:$0x10];
	[sflag:s25] =	ssyncadd.s32 $0xFFFFE000;
	s4 =	sadd.s32 s5, s6  }
0x106: {  	[tilespmem:s13], [sflag:$0x6] =	stream.linear.gather [hbm4b:s4+s1], $0x40, $0x38;
	[tilespmem:$0x1C800] =	vst v63  }
0x107: {  	s18 =	simm.s32 $0x680;
	s4 =	sadd.s32 s5, s17  }
0x108: {  	[tilespmem:s18], [sflag:$0x6] =	stream.linear.gather [hbm4b:s4+s1], $0x40, $0x38;
	[tilespmem:$0x1C800] =	vst v63  }
0x109: {  	_ =	swait.ge [sflag:s10], $0x40  }
0x10a: {  	[sflag:s10] =	ssyncset.done $0x0  }
.Ltmp3:
0x10b: {  	[sflag:s10] =	ssyncadd.s32 $0xFFFFFFC0;
	(pc) =	sbr.rel .LBB2_2-.Ltmp3, $4  }
0x10c: {  	_ =	swait.ge [sflag:s10], $0x40  }
0x10d: {  	s30 =	simm.s32 $0x80;
	[sflag:s10] =	ssyncset.done $0x0  }
0x10e: {  	s5 =	sadd.s32 $0x40, s5;
	s13 =	simm.s32 $0x780;
	[sflag:s10] =	ssyncadd.s32 $0xFFFFFFC0  }
0x10f: {  	[tilespmem:s11], [sflag:$0xA] =	stream.indirect.gather [hbm4b:s26+s8], $0x80, s30, s8, $0xb8;
	[tilespmem:$0x1C800] =	vst v63  }
.LBB2_5:
0x110: {  	_ =	sfence.sel $0x180000  }
0x111: {  	[bflag:$0x0] =	sbarrier.arrive $0xFFFF  }
0x112: {  	_ =	strace $0x9000004D  }
0x113: {  	s0 =	stileid.u32;
	[bflag:$0x2] =	sbarrier.arrive $0xFFFF  }
0x114: {  	p0 =	sne.s32 s0, $0x0;
	s0 =	rddreg [dreg:$0x3]  }
0x115: {  	s0 =	sadd.s32 @!p0 $0x100000, s0  }
0x116: {  	[sflag:s0] =	ssyncadd.tile.s32 @!p0 $0x1;
	_ =	shalt  }
.Lfunc_end2:
_tile_overlayer_lowered:
.L_overlay_start_2:
0x117: {  	(tag) =	ssettag $0x2  }
0x118: {  	s0 =	rddreg [dreg:$0x0];
	s2 =	stileid.u32  }
0x119: {  	s1 =	rddreg [dreg:$0x1];
	p0 =	sne.s32 s2, $0x0  }
0x11a: {  	s3 =	rddreg [dreg:$0x2];
	[bflag:$0x3] =	sbarrier.arrive $0xFFFF;
	s2 =	simm.s32 @!p0 $0x1C11  }
0x11b: {  	[timem:s3], [sflag:s2] =	dma.local @!p0 [hbm:s0], s1  }
0x11c: {  	s0 =	simm.s32 @!p0 $0x11  }
0x11d: {  	_ =	swait.ge @!p0 [sflag:s0], s1  }
0x11e: {  	s1 =	ssub.s32 @!p0 $0x0, s1;
	[sflag:s0] =	ssyncset.done @!p0 $0x0  }
0x11f: {  	[sflag:s0] =	ssyncadd.s32 @!p0 s1  }
0x120: {  	[bflag:$0x3] =	sbarrier.arrive $0xFFFF  }
0x121: {  	_ =	shalt  }

// kernel: kernel.8.cloned.1.call-start
scs
__scs_entry_jumppad:
0x0: {  	(pc) =	sbr.rel $0x88, $3  }
0x1: {  	(tag) =	ssettag $0x0;
	lr =	simm.s32 $0x1  }
0x2: {  	[smem:$0x3F9B] =	sst lr;
	_ =	strace $0xD0000000  }
0x3: {  	_ = 	snop  }
0x4: {  	_ = 	snop  }
0x5: {  	_ = 	snop  }
0x6: {  	_ = 	snop  }
0x7: {  	_ = 	snop  }
__scs_overlays_trampoline_lowered:
0x8: {  	[smem:$0x3FAA] =	sst s0  }
0x9: {  	[smem:$0x3FAB] =	sst s1  }
0xa: {  	[smem:$0x3FAC] =	sst s2  }
0xb: {  	[smem:$0x3FAD] =	sst s3  }
0xc: {  	[smem:$0x3FAE] =	sst s4  }
0xd: {  	[smem:$0x3FAF] =	sst s5  }
0xe: {  	[smem:$0x3FB0] =	sst s6  }
0xf: {  	[smem:$0x3FB1] =	sst s7  }
0x10: {  	[smem:$0x3FB2] =	sst s8  }
0x11: {  	[smem:$0x3FB3] =	sst s9;
	s0 =	simm.s32 @!p0 $0x0  }
0x12: {  	s1 =	sld [smem:$0x3F99];
	s0 =	simm.s32 @p0 $0x1  }
0x13: {  	[smem:$0x3FB4] =	sst s0;
	s0 =	simm.s32 @!p1 $0x0  }
0x14: {  	s2 =	sld [smem:$0x3F98];
	s0 =	simm.s32 @p1 $0x1  }
0x15: {  	[smem:$0x3FB5] =	sst s0;
	s0 =	simm.s32 @!p2 $0x0  }
0x16: {  	s3 =	sld [smem:$0x3FDB];
	s0 =	simm.s32 @p2 $0x1  }
0x17: {  	s4 =	simm.s32 $0x1BF5;
	[smem:$0x3FB7] =	sst s0  }
0x18: {  	s0 =	sld [smem:$0x3F9A];
	_ =	swait.ge [sflag:s4], $0x0  }
0x19: {  	s7 =	sld [smem:$0x3F9B]  }
0x1a: {  	s8 =	sadd.s32 $0xFFFFE003, lr  }
0x1b: {  	s9 =	sadd.s32 $0xFFFFFEF7, lr;
	s5 =	simm.s32 $0xFFFFFFFF;
	p2 =	slt.u32 s8, $0xFFFFF086  }
0x1c: {  	p1 =	slt.u32 s9, $0xF7A;
	s5 =	simm.s32 @!p2 $0x0  }
0x1d: {  	s5 =	simm.s32 @p1 $0x1;
	p0 =	seq.s32 s7, s2  }
0x1e: {  	s7 =	smul.u32 @!p0 $0xF7A, s2;
	p2 =	seq.s32 @!p0 s5, $0x0  }
0x1f: {  	s9 =	smul.u32 $0xF7A, s1;
	s8 =	simm.s32 @!p0 $0x1BF5;
	p2 =	por !p2, p0  }
0x20: {  	[sflag:s8] =	ssyncset.s32 @!p0 $0xFFFFF086;
	s6 =	sadd.s32 @!p0 s3, s7;
	s7 =	simm.s32 @!p0 $0x108  }
0x21: {  	s3 =	sadd.s32 s3, s9;
	s6 =	sadd.s32 @!p0 $0x88, s6;
	s7 =	simm.s32 @p2 $0x1082  }
0x22: {  	[simem:s7], [sflag:s8] =	dma.local @!p0 [hbm:s6], $0xF7A  }
0x23: {  	s9 =	sor.u32 $0xD0000000, s2;
	s6 =	simm.s32 $0x108;
	_ =	swait.ge @!p0 [sflag:s8], $0x0  }
0x24: {  	s3 =	sadd.s32 $0x88, s3;
	s6 =	simm.s32 @!p1 $0x1082;
	[sflag:s4] =	ssyncset.s32 $0xFFFFF086  }
0x25: {  	[simem:s6], [sflag:s4] =	dma.local [hbm:s3], $0xF7A  }
0x26: {  	[smem:$0x3F9B] =	sst s1;
	(tag) =	ssettag s2;
	_ =	strace s9  }
0x27: {  	s1 =	sld [smem:$0x3FAB]  }
0x28: {  	s2 =	sld [smem:$0x3FAC]  }
0x29: {  	s4 =	sld [smem:$0x3FAE]  }
0x2a: {  	p0 =	seq.s32 s5, $0x0;
	s5 =	sld [smem:$0x3FAF]  }
0x2b: {  	s6 =	sld [smem:$0x3FB0]  }
0x2c: {  	s7 =	sld [smem:$0x3FB1]  }
0x2d: {  	s3 =	simm.s32 $0x108;
	s8 =	sld [smem:$0x3FB2]  }
0x2e: {  	s3 =	simm.s32 @!p0 $0x1082;
	s9 =	sld [smem:$0x3FB3]  }
0x2f: {  	lr =	sadd.s32 s0, s3;
	s0 =	sld [smem:$0x3FAA]  }
0x30: {  	s3 =	sld [smem:$0x3FAD]  }
0x31: {  	[smem:$0x3FB6] =	sst s10  }
0x32: {  	s10 =	sld [smem:$0x3FB4];
	_ =	sdelay $0x3  }
0x33: {  	p0 =	seq.s32 s10, $0x1;
	s10 =	sld [smem:$0x3FB6];
	_ =	sdelay $0x3  }
0x34: {  	[smem:$0x3FB6] =	sst s10  }
0x35: {  	s10 =	sld [smem:$0x3FB5];
	_ =	sdelay $0x3  }
0x36: {  	p1 =	seq.s32 s10, $0x1;
	s10 =	sld [smem:$0x3FB6];
	_ =	sdelay $0x3  }
0x37: {  	[smem:$0x3FB6] =	sst s10  }
0x38: {  	s10 =	sld [smem:$0x3FB7]  }
0x39: {  	_ = 	snop;
	(pc) =	sbr.ind lr, $3  }
0x3a: {  	_ = 	snop  }
0x3b: {  	_ = 	snop  }
0x3c: {  	p2 =	seq.s32 s10, $0x1;
	s10 =	sld [smem:$0x3FB6]  }
0x3d: {  	_ =	shalt  }
0x3e: {  	_ =	shalt  }
0x3f: {  	_ =	shalt  }
0x40: {  	_ =	shalt  }
0x41: {  	_ =	shalt  }
0x42: {  	_ =	shalt  }
0x43: {  	_ =	shalt  }
0x44: {  	_ =	shalt  }
0x45: {  	_ =	shalt  }
0x46: {  	_ =	shalt  }
0x47: {  	_ =	shalt  }
0x48: {  	_ =	shalt  }
0x49: {  	_ =	shalt  }
0x4a: {  	_ =	shalt  }
0x4b: {  	_ =	shalt  }
0x4c: {  	_ =	shalt  }
0x4d: {  	_ =	shalt  }
0x4e: {  	_ =	shalt  }
0x4f: {  	_ =	shalt  }
0x50: {  	_ =	shalt  }
0x51: {  	_ =	shalt  }
0x52: {  	_ =	shalt  }
0x53: {  	_ =	shalt  }
0x54: {  	_ =	shalt  }
0x55: {  	_ =	shalt  }
0x56: {  	_ =	shalt  }
0x57: {  	_ =	shalt  }
0x58: {  	_ =	shalt  }
0x59: {  	_ =	shalt  }
0x5a: {  	_ =	shalt  }
0x5b: {  	_ =	shalt  }
0x5c: {  	_ =	shalt  }
0x5d: {  	_ =	shalt  }
0x5e: {  	_ =	shalt  }
0x5f: {  	_ =	shalt  }
0x60: {  	_ =	shalt  }
0x61: {  	_ =	shalt  }
0x62: {  	_ =	shalt  }
0x63: {  	_ =	shalt  }
0x64: {  	_ =	shalt  }
0x65: {  	_ =	shalt  }
0x66: {  	_ =	shalt  }
0x67: {  	_ =	shalt  }
0x68: {  	_ =	shalt  }
0x69: {  	_ =	shalt  }
0x6a: {  	_ =	shalt  }
0x6b: {  	_ =	shalt  }
0x6c: {  	_ =	shalt  }
0x6d: {  	_ =	shalt  }
0x6e: {  	_ =	shalt  }
0x6f: {  	_ =	shalt  }
0x70: {  	_ =	shalt  }
0x71: {  	_ =	shalt  }
0x72: {  	_ =	shalt  }
0x73: {  	_ =	shalt  }
0x74: {  	_ =	shalt  }
0x75: {  	_ =	shalt  }
0x76: {  	_ =	shalt  }
0x77: {  	_ =	shalt  }
0x78: {  	_ =	shalt  }
0x79: {  	_ =	shalt  }
0x7a: {  	_ =	shalt  }
0x7b: {  	_ =	shalt  }
0x7c: {  	_ =	shalt  }
0x7d: {  	_ =	shalt  }
0x7e: {  	_ =	shalt  }
0x7f: {  	_ =	shalt  }
0x80: {  	_ =	shalt  }
0x81: {  	_ =	shalt  }
0x82: {  	_ =	shalt  }
0x83: {  	_ =	shalt  }
0x84: {  	_ =	shalt  }
0x85: {  	_ =	shalt  }
0x86: {  	_ =	shalt  }
0x87: {  	_ =	shalt  }
.Lfunc_end0:
.L_simem_size_0:
called_computation_lowered:
.L_overlay_start_0:
0x88: {  	s2 =	sld [smem:$0x3FD9]  }
0x89: {  	s3 =	sld [smem:$0x3FFE];
	_ =	sdelay $0x1  }
0x8a: {  	s1 =	srdreg.scid  }
0x8b: {  	s0 =	sand.u32 $0x1, s1  }
0x8c: {  	s17 =	sshll.u32 s0, $0xA;
	s2 =	sadd.s32 s3, s2  }
0x8d: {  	s2 =	sadd.s32 s2, s17  }
0x8e: {  	[smem:$0x3FC2] =	sst s2  }
0x8f: {  	_ = 	snop  }
0x90: {  	s2 =	sld [smem:$0x3FD0];
	(tm) =	ssettm $0x1  }
0x91: {  	s18 =	sld [smem:$0x3FFB];
	_ =	sdelay $0x3  }
0x92: {  	_ =	strace s18  }
0x93: {  	s3 =	sld [smem:$0x3FFC];
	_ =	sdelay $0x3  }
0x94: {  	_ =	strace s3  }
0x95: {  	s3 =	sld [smem:$0x3FFD];
	_ =	sdelay $0x3  }
0x96: {  	_ =	strace s3  }
0x97: {  	_ =	strace $0x8FFFFFFF  }
0x98: {  	s19 =	sld [smem:$0x3FDB];
	_ =	sdelay $0x1  }
0x99: {  	s4 =	simm.s32 $_scs_section_size  }
0x9a: {  	s5 =	simm.s32 $_size__tile_overlayer_lowered;
	s6 =	simm.s32 $_tile_overlayer_lowered  }
0x9b: {  	s22 =	simm.s32 $0x1BFF;
	s21 =	sshll.u32 s6, $0x1;
	s3 =	sadd.s32 s4, s19  }
0x9c: {  	s7 =	simm.s32 $0x0;
	s20 =	sshll.u32 s5, $0x1;
	s5 =	sadd.s32 s21, s3  }
0x9d: {  	[timem:s7], [sflag:s22] =	dma.local [hbm:s5], s20  }
0x9e: {  	_ =	swait.ge [sflag:s22], s20  }
0x9f: {  	s4 =	ssub.s32 $0x0, s20;
	[sflag:s22] =	ssyncset.done $0x0  }
0xa0: {  	[sflag:s22] =	ssyncadd.s32 s4;
	_ =	sdelay $0x1  }
0xa1: {  	s23 =	simm.s32 $0x1B8B  }
0xa2: {  	_ =	swait.ge [sflag:s23], $0x1  }
0xa3: {  	[sflag:s23] =	ssyncset.done $0x0  }
0xa4: {  	s25 =	simm.s32 $0x1B8E;
	s24 =	sld [smem:$0x3FFE];
	[sflag:s23] =	ssyncadd.s32 $0xFFFFFFFF  }
0xa5: {  	s26 =	simm.s32 $execute0_lowered;
	[smem:$0x3FD2] =	sst s25  }
0xa6: {  	s5 =	sshll.u32 s26, $0x1;
	_ =	strace $0x80000046;
	[dreg:$0x1] =	wrdreg $0xFFFFFFFF  }
0xa7: {  	s28 =	simm.s32 $_size_execute0_lowered;
	s3 =	sadd.s32 s3, s5;
	[dreg:$0x0] =	wrdreg $0x0  }
0xa8: {  	s5 =	sshll.u32 s28, $0x1;
	[dreg:$0x2] =	wrdreg s3  }
0xa9: {  	[dreg:$0x3] =	wrdreg s5  }
0xaa: {  	[dreg:$0x4] =	wrdreg $0xC0  }
0xab: {  	_ =	task [dreg:s7], $0x5FFFF  }
0xac: {  	[dreg:$0x1] =	wrdreg $0xFFFFFFFF  }
0xad: {  	[dreg:$0x0] =	wrdreg $0x60  }
0xae: {  	[dreg:$0x2] =	wrdreg s24  }
0xaf: {  	[dreg:$0x3] =	wrdreg s2  }
0xb0: {  	[dreg:$0x4] =	wrdreg $0x44000  }
0xb1: {  	[dreg:$0x5] =	wrdreg $0x9  }
0xb2: {  	_ =	task.clear_ibuf [dreg:s7], $0x6FFFF;
	_ =	strace $0x90000046  }
0xb3: {  	s29 =	simm.s32 $0x9;
	_ =	strace $0x80000048  }
0xb4: {  	_ =	swait.ge [sflag:s29], $0x1  }
0xb5: {  	[sflag:s29] =	ssyncadd.s32 $0xFFFFFFFF  }
0xb6: {  	_ =	strace $0x90000048  }
0xb7: {  	_ =	sfence  }
0xb8: {  	s30 =	sld [smem:$0x0];
	_ =	sdelay $0x2  }
0xb9: {  	s31 =	sshll.u32 s1, $0xD;
	s1 =	sshrl.u32 s1, $0x2  }
0xba: {  	s3 =	sand.u32 $0x4000, s31;
	s1 =	sadd.s32 s1, s30  }
0xbb: {  	s0 =	sor.u32 s3, s0;
	s1 =	sshll.u32 s1, $0x11  }
0xbc: {  	s0 =	sor.u32 s1, s0  }
0xbd: {  	s0 =	sadd.s32 $0x8F2B, s0  }
0xbe: {  	[sflag:s0] =	ssyncadd.remote.s32 $0x1  }
0xbf: {  	_ =	sfence.sel $0xFFFF  }
0xc0: {  	[dreg:$0x0] =	wrdreg $0xFFFFFFFF;
	(pc) =	sbr.abs _section_cstart, $3  }
0xc1: {  	[dreg:$0x1] =	wrdreg $0xFFFFFFFF  }
0xc2: {  	_ =	task.clear_ibuf [dreg:s7], $0x2FFFF;
	_ =	strace $0x9FFFFFFF  }
0xc3: {  	(tm) =	ssettm $0x7FFFFFFF  }
tec
execute0_lowered:
.L_overlay_start_1:
0x0: {  	(tag) =	ssettag $0x1  }
0x1: {  	s0 =	rddreg [dreg:$0x0];
	s11 =	stileid.u32  }
0x2: {  	s3 =	rddreg [dreg:$0x2];
	s2 =	smul.u32 $0x14000, s11  }
0x3: {  	s1 =	srdreg.scid;
	s9 =	smul.u32 $0x50, s11  }
0x4: {  	s4 =	simm.s32 $0x0;
	s28 =	simm.s32 $0x1;
	s10 =	smul.u32 $0x50000, s11  }
0x5: {  	s29 =	simm.s32 $0x200;
	s1 =	sand.u32 $0x1, s1;
	s14 =	smul.u32 $0x2800, s11  }
0x6: {  	s30 =	simm.s32 $0x2;
	s31 =	simm.s32 $0x0;
	s5 =	smul.u32 $0x140000, s1  }
0x7: {  	[smem:$0x7FF] =	sst s4;
	s6 =	sadd.s32 $0x2000, s0;
	s26 =	smul.u32 $0x500, s1  }
0x8: {  	_ =	strace $0x80000047;
	s8 =	ssub.s32 $0x2, s1;
	s1 =	smul.u32 $0x28000, s1  }
0x9: {  	s7 =	sshrl.u32 s2, $0x3;
	s12 =	sshrl.u32 s8, $0x1;
	s13 =	sshrl.u32 s10, $0x2  }
0xa: {  	s10 =	simm.s32 $0xB;
	s7 =	sadd.s32 s7, s0;
	s2 =	sadd.s32 s2, s5  }
0xb: {  	s5 =	sadd.s32 s9, s26;
	s1 =	sadd.s32 s14, s1;
	s26 =	sshll.u32 s11, $0x6  }
0xc: {  	s9 =	simm.s32 $0x7;
	s11 =	simm.s32 $0x8;
	s2 =	sshrl.u32 s2, $0x3  }
0xd: {  	s5 =	sshll.u32 s5, $0x4;
	s7 =	sadd.s32 $0x16000, s7;
	s17 =	sor.u32 $0x580, s1  }
0xe: {  	s18 =	sor.u32 $0x500, s1;
	s21 =	sor.u32 $0x480, s1;
	s22 =	sor.u32 $0x400, s1  }
0xf: {  	s23 =	sor.u32 $0x380, s1;
	s24 =	sor.u32 $0x300, s1;
	s25 =	sor.u32 $0x280, s1  }
0x10: {  	s1 =	sor.u32 $0x200, s1;
	s0 =	sadd.s32 s2, s0;
	s2 =	ssub.s32 s8, s12  }
0x11: {  	s8 =	sadd.s32 s13, s3;
	[dreg:$0x4] =	wrdreg s7;
	s5 =	sadd.s32 s6, s5  }
0x12: {  	s19 =	sshrl.u32 s17, $0x3;
	s15 =	sadd.s32 $0x10, s5;
	[dreg:$0x5] =	wrdreg s5  }
0x13: {  	s20 =	sshrl.u32 s18, $0x3;
	s16 =	sadd.s32 $0x20, s5;
	[dreg:$0x6] =	wrdreg s15  }
0x14: {  	s1 =	sshrl.u32 s1, $0x3;
	s5 =	sadd.s32 $0x30, s5;
	[dreg:$0x7] =	wrdreg s16  }
0x15: {  	s7 =	simm.s32 $0x5;
	s0 =	sadd.s32 $0x3E000, s0;
	[dreg:$0x8] =	wrdreg s5  }
0x16: {  	s2 =	smax.u32 s2, $0x1;
	s13 =	sadd.s32 s20, s6;
	[dreg:$0x9] =	wrdreg s0  }
0x17: {  	s20 =	simm.s32 $0x400;
	[dreg:$0xa] =	wrdreg s2;
	s0 =	sadd.s32 s19, s6  }
0x18: {  	s2 =	sshrl.u32 s22, $0x3;
	s5 =	sshrl.u32 s23, $0x3;
	s19 =	sadd.s32 s1, s6  }
0x19: {  	s22 =	sor.u32 $0x1C11, s26;
	s23 =	sshrl.u32 s8, $0x3;
	s26 =	simm.s32 $0x180  }
0x1a: {  	s1 =	simm.s32 $0x300;
	s8 =	simm.s32 $0x9;
	[dreg:$0xb] =	wrdreg s0  }
0x1b: {  	s0 =	sshrl.u32 s21, $0x3;
	s15 =	sadd.s32 s2, s6;
	s16 =	sadd.s32 s5, s6  }
.Ltmp0:
0x1c: {  	s2 =	sshrl.u32 s25, $0x3;
	s21 =	simm.s32 $0x11;
	(pc) =	sbr.rel .LBB2_1-.Ltmp0, $4  }
0x1d: {  	s25 =	simm.s32 $0x100;
	s5 =	simm.s32 $0x380;
	[dreg:$0xc] =	wrdreg s22  }
0x1e: {  	[dreg:$0xd] =	wrdreg s23;
	s14 =	sadd.s32 s0, s6;
	s0 =	sshrl.u32 s24, $0x3  }
0x1f: {  	s18 =	sadd.s32 s2, s6;
	s24 =	simm.s32 $0x80;
	s2 =	simm.s32 $0x4  }
0x20: {  	s17 =	sadd.s32 s0, s6;
	s0 =	simm.s32 $0x3;
	s6 =	simm.s32 $0xC  }
.LBB2_4:
0x21: {  	_ =	swait.ge [sflag:s11], $0x80  }
0x22: {  	[sflag:s11] =	ssyncset.done $0x0  }
0x23: {  	[sflag:s11] =	ssyncadd.s32 $0xFFFFFF80  }
0x24: {  	[spmem:s3] =	stream.indirect.scatter.add.f32 [tilespmem:s20], [sflag:$0x10], $0x80, s5, s24, $0xb8;
	[tilespmem:$0x18400] =	vst v63  }
0x25: {  	_ =	swait.ge [sflag:s6], $0x4000  }
0x26: {  	[sflag:s6] =	ssyncset.done $0x0  }
0x27: {  	s12 =	simm.s32 $0xD;
	[sflag:s6] =	ssyncadd.s32 $0xFFFFC000  }
0x28: {  	_ =	swait.ge [sflag:s12], $0x4000  }
0x29: {  	[sflag:s12] =	ssyncset.done $0x0  }
0x2a: {  	s21 =	simm.s32 $0xE;
	[sflag:s12] =	ssyncadd.s32 $0xFFFFC000  }
0x2b: {  	_ =	swait.ge [sflag:s21], $0x4000  }
0x2c: {  	[sflag:s21] =	ssyncset.done $0x0  }
0x2d: {  	s22 =	simm.s32 $0xF;
	[sflag:s21] =	ssyncadd.s32 $0xFFFFC000  }
0x2e: {  	_ =	swait.ge [sflag:s22], $0x4000  }
0x2f: {  	[sflag:s22] =	ssyncset.done $0x0  }
0x30: {  	s23 =	simm.s32 $0x10;
	[sflag:s22] =	ssyncadd.s32 $0xFFFFC000  }
0x31: {  	_ =	swait.ge [sflag:s23], $0x4000  }
0x32: {  	[sflag:s23] =	ssyncset.done $0x0  }
0x33: {  	[sflag:s23] =	ssyncadd.s32 $0xFFFFC000  }
0x34: {  	[bflag:$0x0] =	sbarrier.arrive $0xFFFF  }
0x35: {  	s21 =	rddreg [dreg:$0x9]  }
0x36: {  	s22 =	rddreg [dreg:$0xc]  }
0x37: {  	s23 =	rddreg [dreg:$0xd]  }
0x38: {  	[hbm:s21], [sflag:s22] =	dma.local [spmem:s23], $0x2800  }
0x39: {  	s21 =	simm.s32 $0x11  }
0x3a: {  	_ =	swait.ge [sflag:s21], $0x2800  }
0x3b: {  	s31 =	rddreg [dreg:$0xe]  }
0x3c: {  	s12 =	rddreg [dreg:$0xa];
	s31 =	sadd.s32 $0x1, s31  }
0x3d: {  	p0 =	sne.s32 s31, s12  }
.Ltmp1:
0x3e: {  	_ = 	snop;
	(pc) =	sbr.rel @!p0 .LBB2_5-.Ltmp1, $3  }
0x3f: {  	_ =	sdelay $0x1  }
0x40: {  	[sflag:s21] =	ssyncset.done $0x0  }
0x41: {  	[sflag:s21] =	ssyncadd.s32 $0xFFFFD800  }
.LBB2_1:
0x42: {  	[dreg:$0xe] =	wrdreg s31  }
0x43: {  	s12 =	rddreg [dreg:$0x1]  }
0x44: {  	[tilespmem:s20], [sflag:$0x11] =	stream.linear.gather [hbm4b:s12+s4], $0x4000, $0x38;
	[tilespmem:$0x18400] =	vst v63  }
0x45: {  	_ =	swait.ge [sflag:s21], $0x4000  }
0x46: {  	[sflag:s21] =	ssyncset.done $0x0  }
0x47: {  	s31 =	rddreg [dreg:$0x4];
	[sflag:s21] =	ssyncadd.s32 $0xFFFFC000  }
0x48: {  	[spmem:s23], [sflag:s22] =	dma.local [hbm:s31], $0x2800  }
0x49: {  	_ =	swait.ge [sflag:s21], $0x2800  }
0x4a: {  	[sflag:s21] =	ssyncset.done $0x0  }
0x4b: {  	[sflag:s21] =	ssyncadd.s32 $0xFFFFD800  }
0x4c: {  	[bflag:$0x0] =	sbarrier.arrive $0xFFFF  }
0x4d: {  	s21 =	rddreg [dreg:$0x5]  }
0x4e: {  	[tilespmem:s4], [sflag:$0x1] =	stream.linear.gather [hbm4b:s21+s4], $0x80, $0x38;
	[tilespmem:$0x18400] =	vst v63  }
0x4f: {  	s22 =	rddreg [dreg:$0x6]  }
0x50: {  	[tilespmem:s24], [sflag:$0x2] =	stream.linear.gather [hbm4b:s22+s4], $0x80, $0x38;
	[tilespmem:$0x18400] =	vst v63  }
0x51: {  	s23 =	rddreg [dreg:$0x7]  }
0x52: {  	[tilespmem:s25], [sflag:$0x3] =	stream.linear.gather [hbm4b:s23+s4], $0x80, $0x38;
	[tilespmem:$0x18400] =	vst v63  }
0x53: {  	s31 =	rddreg [dreg:$0x8];
	s23 =	simm.s32 $0x0  }
0x54: {  	[tilespmem:s26], [sflag:$0x4] =	stream.linear.gather [hbm4b:s31+s4], $0x80, $0x38;
	[tilespmem:$0x18400] =	vst v63  }
.LBB2_2:
0x55: {  	_ =	swait.ge [sflag:s28], $0x80  }
0x56: {  	p0 =	seq.s32 s23, $0x0;
	[sflag:s28] =	ssyncset.done $0x0  }
0x57: {  	s21 =	simm.s32 @!p0 $0xD;
	[sflag:s28] =	ssyncadd.s32 $0xFFFFFF80  }
0x58: {  	[spmem:s3] =	stream.indirect.scatter.add.f32 [tilespmem:s20], [sflag:$0x9], $0x80, s4, s24, $0xb8;
	[tilespmem:$0x18400] =	vst v63  }
0x59: {  	_ =	swait.ge @!p0 [sflag:s21], $0x4000  }
0x5a: {  	[sflag:s21] =	ssyncset.done @!p0 $0x0  }
0x5b: {  	s22 =	sadd.s32 s23, s19;
	[sflag:s21] =	ssyncadd.s32 @!p0 $0xFFFFC000  }
0x5c: {  	[tilespmem:s29], [sflag:$0x5] =	stream.linear.gather [hbm4b:s22+s4], $0x80, $0x38;
	[tilespmem:$0x18400] =	vst v63  }
0x5d: {  	_ =	swait.ge [sflag:s30], $0x80  }
0x5e: {  	[sflag:s30] =	ssyncset.done $0x0  }
0x5f: {  	s21 =	simm.s32 @!p0 $0xE;
	[sflag:s30] =	ssyncadd.s32 $0xFFFFFF80  }
0x60: {  	[spmem:s3] =	stream.indirect.scatter.add.f32 [tilespmem:s20], [sflag:$0xA], $0x80, s24, s24, $0xb8;
	[tilespmem:$0x18400] =	vst v63  }
0x61: {  	_ =	swait.ge @!p0 [sflag:s21], $0x4000  }
0x62: {  	[sflag:s21] =	ssyncset.done @!p0 $0x0  }
0x63: {  	s31 =	sadd.s32 s23, s18;
	s12 =	simm.s32 $0x280;
	[sflag:s21] =	ssyncadd.s32 @!p0 $0xFFFFC000  }
0x64: {  	[tilespmem:s12], [sflag:$0x6] =	stream.linear.gather [hbm4b:s31+s4], $0x80, $0x38;
	[tilespmem:$0x18400] =	vst v63  }
0x65: {  	_ =	swait.ge [sflag:s0], $0x80  }
0x66: {  	[sflag:s0] =	ssyncset.done $0x0  }
0x67: {  	s21 =	simm.s32 @!p0 $0xF;
	[sflag:s0] =	ssyncadd.s32 $0xFFFFFF80  }
0x68: {  	[spmem:s3] =	stream.indirect.scatter.add.f32 [tilespmem:s20], [sflag:$0xB], $0x80, s25, s24, $0xb8;
	[tilespmem:$0x18400] =	vst v63  }
0x69: {  	_ =	swait.ge @!p0 [sflag:s21], $0x4000  }
0x6a: {  	[sflag:s21] =	ssyncset.done @!p0 $0x0  }
0x6b: {  	s22 =	sadd.s32 s23, s17;
	[sflag:s21] =	ssyncadd.s32 @!p0 $0xFFFFC000  }
0x6c: {  	[tilespmem:s1], [sflag:$0x7] =	stream.linear.gather [hbm4b:s22+s4], $0x80, $0x38;
	[tilespmem:$0x18400] =	vst v63  }
0x6d: {  	_ =	swait.ge [sflag:s2], $0x80  }
0x6e: {  	[sflag:s2] =	ssyncset.done $0x0  }
0x6f: {  	s21 =	simm.s32 @!p0 $0x10;
	[sflag:s2] =	ssyncadd.s32 $0xFFFFFF80  }
0x70: {  	[spmem:s3] =	stream.indirect.scatter.add.f32 [tilespmem:s20], [sflag:$0xC], $0x80, s26, s24, $0xb8;
	[tilespmem:$0x18400] =	vst v63  }
0x71: {  	_ =	swait.ge @!p0 [sflag:s21], $0x4000  }
0x72: {  	[sflag:s21] =	ssyncset.done @!p0 $0x0  }
0x73: {  	s31 =	sadd.s32 s23, s16;
	[sflag:s21] =	ssyncadd.s32 @!p0 $0xFFFFC000  }
0x74: {  	[tilespmem:s5], [sflag:$0x8] =	stream.linear.gather [hbm4b:s31+s4], $0x80, $0x38;
	[tilespmem:$0x18400] =	vst v63  }
0x75: {  	_ =	swait.ge [sflag:s7], $0x80  }
0x76: {  	[sflag:s7] =	ssyncset.done $0x0  }
0x77: {  	[sflag:s7] =	ssyncadd.s32 $0xFFFFFF80  }
0x78: {  	[spmem:s3] =	stream.indirect.scatter.add.f32 [tilespmem:s20], [sflag:$0xD], $0x80, s29, s24, $0xb8;
	[tilespmem:$0x18400] =	vst v63  }
0x79: {  	_ =	swait.ge [sflag:s8], $0x4000  }
0x7a: {  	p0 =	seq.s32 s23, $0x480;
	[sflag:s8] =	ssyncset.done $0x0  }
0x7b: {  	s21 =	simm.s32 @p0 $0x6;
	[sflag:s8] =	ssyncadd.s32 $0xFFFFC000  }
0x7c: {  	_ =	swait.ge @p0 [sflag:s21], $0x80  }
0x7d: {  	s22 =	simm.s32 @p0 $0x280;
	[sflag:s21] =	ssyncset.done @p0 $0x0  }
0x7e: {  	s31 =	simm.s32 @p0 $0x400;
	[sflag:s21] =	ssyncadd.s32 @p0 $0xFFFFFF80;
	s21 =	simm.s32 @p0 $0x80  }
0x7f: {  	[spmem:s3] =	stream.indirect.scatter.add.f32 @p0 [tilespmem:s31], [sflag:$0xE], $0x80, s22, s21, $0xb8;
	[tilespmem:$0x18400] =	vst v63  }
0x80: {  	s21 =	simm.s32 @p0 $0xA  }
0x81: {  	_ =	swait.ge @p0 [sflag:s21], $0x4000  }
0x82: {  	[sflag:s21] =	ssyncset.done @p0 $0x0  }
0x83: {  	s22 =	simm.s32 @!p0 $0x0;
	[sflag:s21] =	ssyncadd.s32 @p0 $0xFFFFC000;
	s21 =	sadd.s32 @!p0 s23, s15  }
0x84: {  	[tilespmem:s22], [sflag:$0x1] =	stream.linear.gather @!p0 [hbm4b:s21+s22], $0x80, $0x38;
	[tilespmem:$0x18400] =	vst v63  }
0x85: {  	s21 =	simm.s32 @!p0 $0x6  }
0x86: {  	_ =	swait.ge @!p0 [sflag:s21], $0x80  }
0x87: {  	s12 =	simm.s32 @!p0 $0x400;
	[sflag:s21] =	ssyncset.done @!p0 $0x0  }
0x88: {  	s31 =	simm.s32 @!p0 $0x280;
	[sflag:s21] =	ssyncadd.s32 @!p0 $0xFFFFFF80;
	s21 =	simm.s32 @!p0 $0x80  }
0x89: {  	[spmem:s3] =	stream.indirect.scatter.add.f32 @!p0 [tilespmem:s12], [sflag:$0xE], $0x80, s31, s21, $0xb8;
	[tilespmem:$0x18400] =	vst v63  }
0x8a: {  	s12 =	simm.s32 @!p0 $0xA  }
0x8b: {  	_ =	swait.ge @!p0 [sflag:s12], $0x4000  }
0x8c: {  	[sflag:s12] =	ssyncset.done @!p0 $0x0  }
0x8d: {  	[sflag:s12] =	ssyncadd.s32 @!p0 $0xFFFFC000;
	s12 =	sadd.s32 @!p0 s23, s14  }
0x8e: {  	[tilespmem:s21], [sflag:$0x2] =	stream.linear.gather @!p0 [hbm4b:s12+s22], $0x80, $0x38;
	[tilespmem:$0x18400] =	vst v63  }
0x8f: {  	_ =	swait.ge [sflag:s9], $0x80  }
0x90: {  	[sflag:s9] =	ssyncset.done $0x0  }
.Ltmp2:
0x91: {  	[sflag:s9] =	ssyncadd.s32 $0xFFFFFF80;
	(pc) =	sbr.rel @p0 .LBB2_4-.Ltmp2, $4  }
0x92: {  	[spmem:s3] =	stream.indirect.scatter.add.f32 [tilespmem:s20], [sflag:$0xF], $0x80, s1, s24, $0xb8;
	[tilespmem:$0x18400] =	vst v63  }
0x93: {  	_ =	swait.ge [sflag:s10], $0x4000  }
0x94: {  	[sflag:s10] =	ssyncset.done $0x0  }
0x95: {  	[sflag:s10] =	ssyncadd.s32 $0xFFFFC000  }
0x96: {  	s12 =	sadd.s32 s23, s13  }
0x97: {  	[tilespmem:s25], [sflag:$0x3] =	stream.linear.gather [hbm4b:s12+s4], $0x80, $0x38;
	[tilespmem:$0x18400] =	vst v63  }
0x98: {  	_ =	swait.ge [sflag:s11], $0x80  }
0x99: {  	[sflag:s11] =	ssyncset.done $0x0  }
0x9a: {  	[sflag:s11] =	ssyncadd.s32 $0xFFFFFF80  }
0x9b: {  	[spmem:s3] =	stream.indirect.scatter.add.f32 [tilespmem:s20], [sflag:$0x10], $0x80, s5, s24, $0xb8;
	[tilespmem:$0x18400] =	vst v63  }
.Ltmp3:
0x9c: {  	_ = 	snop;
	(pc) =	sbr.rel .LBB2_2-.Ltmp3, $4  }
0x9d: {  	_ =	swait.ge [sflag:s6], $0x4000  }
0x9e: {  	[sflag:s6] =	ssyncset.done $0x0;
	s31 =	rddreg [dreg:$0xb]  }
0x9f: {  	[sflag:s6] =	ssyncadd.s32 $0xFFFFC000;
	s12 =	sadd.s32 s23, s31;
	s23 =	sadd.s32 $0x80, s23  }
0xa0: {  	[tilespmem:s26], [sflag:$0x4] =	stream.linear.gather [hbm4b:s12+s4], $0x80, $0x38;
	[tilespmem:$0x18400] =	vst v63  }
.LBB2_5:
0xa1: {  	_ =	sfence.sel $0x180000  }
0xa2: {  	[bflag:$0x0] =	sbarrier.arrive $0xFFFF  }
0xa3: {  	_ =	strace $0x90000047  }
0xa4: {  	s0 =	stileid.u32;
	[bflag:$0x2] =	sbarrier.arrive $0xFFFF  }
0xa5: {  	p0 =	sne.s32 s0, $0x0;
	s0 =	rddreg [dreg:$0x3]  }
0xa6: {  	s0 =	sadd.s32 @!p0 $0x100000, s0  }
0xa7: {  	[sflag:s0] =	ssyncadd.tile.s32 @!p0 $0x1;
	_ =	shalt  }
.Lfunc_end2:
_tile_overlayer_lowered:
.L_overlay_start_2:
0xa8: {  	(tag) =	ssettag $0x2  }
0xa9: {  	s0 =	rddreg [dreg:$0x0];
	s2 =	stileid.u32  }
0xaa: {  	s1 =	rddreg [dreg:$0x1];
	p0 =	sne.s32 s2, $0x0  }
0xab: {  	s3 =	rddreg [dreg:$0x2];
	[bflag:$0x3] =	sbarrier.arrive $0xFFFF;
	s2 =	simm.s32 @!p0 $0x1C11  }
0xac: {  	[timem:s3], [sflag:s2] =	dma.local @!p0 [hbm:s0], s1  }
0xad: {  	s0 =	simm.s32 @!p0 $0x11  }
0xae: {  	_ =	swait.ge @!p0 [sflag:s0], s1  }
0xaf: {  	s1 =	ssub.s32 @!p0 $0x0, s1;
	[sflag:s0] =	ssyncset.done @!p0 $0x0  }
0xb0: {  	[sflag:s0] =	ssyncadd.s32 @!p0 s1  }
0xb1: {  	[bflag:$0x3] =	sbarrier.arrive $0xFFFF  }
0xb2: {  	_ =	shalt  }

</sc_bundles>
